<compile_context>
chip_gen: v7x
topology: tpu7x:2x2x1
jax: 0.10.2.dev20260603
libtpu: 0.0.44.dev20260713+nightly
codegen_flags: <defaults>
</compile_context>

<pallas_src>
import functools

import jax
import jax.numpy as jnp
from jax import lax
from jax.experimental import pallas as pl
from jax.experimental.pallas import tpu as pltpu
from jax.experimental.pallas import tpu_sc as plsc

_NC = 2
_NS = 16
_NW = _NC * _NS
_LANES = 16
_RB = 8
_CHT = 26


@functools.lru_cache(maxsize=None)
def _sc_stats(B, V):
    ngroups = B // _LANES
    ntiles = V // _RB
    tpt = ntiles // _NW
    nextra = ntiles - tpt * _NW
    cht = next(c for c in range(_CHT, 0, -1) if tpt % c == 0)
    nch = tpt // cht
    bufrows = cht * _RB
    mesh = plsc.VectorSubcoreMesh(
        core_axis_name="c", subcore_axis_name="s",
        num_cores=_NC, num_subcores=_NS)

    def body(vt, act, m_out, i_out, s_out, a_out,
             buf0, buf1, idx_v, gath, m_buf, i_buf, s_buf, a_buf,
             sem0, sem1, gsem):
        wid = lax.axis_index("c") * _NS + lax.axis_index("s")
        tile0 = wid * tpt
        iota = lax.iota(jnp.int32, _LANES)
        bufs = (buf0, buf1)
        sems = (sem0, sem1)

        gw = lax.rem(wid, B // _LANES)
        pltpu.sync_copy(
            act.at[pl.ds(pl.multiple_of(gw * _LANES, 8), _LANES)], idx_v)
        gh = pltpu.async_copy(vt.at[idx_v], gath, gsem)

        def start(t, slot):
            r0 = pl.multiple_of((tile0 + t * cht) * _RB, 8)
            pltpu.async_copy(vt.at[pl.ds(r0, bufrows)], bufs[slot],
                             sems[slot])

        def wait_chunk(slot):
            pltpu.make_async_copy(vt.at[pl.ds(0, bufrows)], bufs[slot],
                                  sems[slot]).wait()

        start(0, 0)
        m = [jnp.full((_LANES,), -jnp.inf, jnp.float32)
             for _ in range(ngroups)]
        ids = [jnp.zeros((_LANES,), jnp.int32) for _ in range(ngroups)]
        s = [jnp.zeros((_LANES,), jnp.float32) for _ in range(ngroups)]

        def row_block(buf, row, v):
            vsp = jnp.full((_LANES,), v, jnp.int32)
            for gi in range(ngroups):
                x = buf[row, pl.ds(gi * _LANES, _LANES)]
                p = x > m[gi]
                m[gi] = jnp.where(p, x, m[gi])
                ids[gi] = jnp.where(p, vsp, ids[gi])
                s[gi] = s[gi] + jnp.exp(x)

        def chunk_compute(t, slot):
            buf = bufs[slot]
            vbase = (tile0 + t * cht) * _RB

            def step(i, carry, buf=buf, vbase=vbase):
                nonlocal m, ids, s
                m, ids, s = [list(c) for c in carry]
                row_block(buf, i, vbase + i)
                return tuple(m), tuple(ids), tuple(s)

            cm, ci, cs = lax.fori_loop(
                0, cht * _RB, step, (tuple(m), tuple(ids), tuple(s)))
            m[:], ids[:], s[:] = list(cm), list(ci), list(cs)

        npairs = max((nch - 1) // 2, 0)

        def ring(p, carry):
            nonlocal m, ids, s
            m, ids, s = [list(c) for c in carry]
            for b in range(2):
                t = 2 * p + b
                start(t + 1, 1 - b)
                wait_chunk(b)
                chunk_compute(t, b)
            return tuple(m), tuple(ids), tuple(s)

        cm, ci, cs = lax.fori_loop(
            0, npairs, ring, (tuple(m), tuple(ids), tuple(s)))
        m[:], ids[:], s[:] = list(cm), list(ci), list(cs)
        for t in range(2 * npairs, nch):
            slot = t % 2
            if t + 1 < nch:
                start(t + 1, 1 - slot)
            wait_chunk(slot)
            chunk_compute(t, slot)

        if nextra:
            @pl.when(wid < nextra)
            def _():
                r0 = pl.multiple_of((tpt * _NW + wid) * _RB, 8)
                pltpu.sync_copy(vt.at[pl.ds(r0, _RB)],
                                buf0.at[pl.ds(0, _RB)])
                msave, isave, ssave = list(m), list(ids), list(s)
                for dv in range(_RB):
                    row_block(buf0, dv, tpt * _NW * _RB + wid * _RB + dv)
                for gi in range(ngroups):
                    m_buf[pl.ds(gi * _LANES, _LANES)] = m[gi]
                    i_buf[pl.ds(gi * _LANES, _LANES)] = ids[gi]
                    s_buf[pl.ds(gi * _LANES, _LANES)] = s[gi]
                m[:], ids[:], s[:] = msave, isave, ssave

            @pl.when(wid >= nextra)
            def _():
                for gi in range(ngroups):
                    m_buf[pl.ds(gi * _LANES, _LANES)] = m[gi]
                    i_buf[pl.ds(gi * _LANES, _LANES)] = ids[gi]
                    s_buf[pl.ds(gi * _LANES, _LANES)] = s[gi]
        else:
            for gi in range(ngroups):
                m_buf[pl.ds(gi * _LANES, _LANES)] = m[gi]
                i_buf[pl.ds(gi * _LANES, _LANES)] = ids[gi]
                s_buf[pl.ds(gi * _LANES, _LANES)] = s[gi]

        gh.wait()

        @pl.when(wid < B // _LANES)
        def _():
            av = jnp.zeros((_LANES,), jnp.float32)
            for r in range(_LANES):
                x = gath[r, pl.ds(pl.multiple_of(wid * _LANES, 8), _LANES)]
                contrib = jnp.sum(jnp.where(iota == r, x, jnp.float32(0)))
                av = av + jnp.where(iota == r, contrib, jnp.float32(0))
            a_buf[...] = av
            pltpu.sync_copy(a_buf, a_out.at[wid])

        pltpu.sync_copy(m_buf, m_out.at[wid])
        pltpu.sync_copy(i_buf, i_out.at[wid])
        pltpu.sync_copy(s_buf, s_out.at[wid])

    return pl.kernel(
        body,
        out_type=[
            jax.ShapeDtypeStruct((_NW, B), jnp.float32),
            jax.ShapeDtypeStruct((_NW, B), jnp.int32),
            jax.ShapeDtypeStruct((_NW, B), jnp.float32),
            jax.ShapeDtypeStruct((B // _LANES, _LANES), jnp.float32),
        ],
        mesh=mesh,
        compiler_params=pltpu.CompilerParams(needs_layout_passes=False),
        scratch_types=[
            pltpu.VMEM((bufrows, B), jnp.float32),
            pltpu.VMEM((bufrows, B), jnp.float32),
            pltpu.VMEM((_LANES,), jnp.int32),
            pltpu.VMEM((_LANES, B), jnp.float32),
            pltpu.VMEM((B,), jnp.float32),
            pltpu.VMEM((B,), jnp.int32),
            pltpu.VMEM((B,), jnp.float32),
            pltpu.VMEM((_LANES,), jnp.float32),
            pltpu.SemaphoreType.DMA,
            pltpu.SemaphoreType.DMA,
            pltpu.SemaphoreType.DMA,
        ],
    )


def _merge_body(m_ref, i_ref, s_ref, a_ref, lp_ref, mode_ref):
    m = m_ref[...]
    ids = i_ref[...]
    s = s_ref[...]
    a = a_ref[...]
    row_max = jnp.max(m, axis=0, keepdims=True)
    big = jnp.iinfo(jnp.int32).max
    mode_ref[...] = jnp.min(
        jnp.where(m == row_max, ids, big), axis=0, keepdims=True)
    lp_ref[...] = a - jnp.log(jnp.sum(s, axis=0, keepdims=True))


def kernel(logits, actions):
    B, V = logits.shape
    vt = logits.T
    act = actions.reshape(-1)
    m_l, i_l, s_l, a_l = _sc_stats(B, V)(vt, act)
    a2 = a_l.reshape(1, B)
    lp, mode = pl.pallas_call(
        _merge_body,
        out_shape=(
            jax.ShapeDtypeStruct((1, B), jnp.float32),
            jax.ShapeDtypeStruct((1, B), jnp.int32),
        ),
    )(m_l, i_l, s_l, a2)
    return lp.reshape(B, 1), mode.reshape(B, 1)

# --- scband reference (transcript-rebuilt; emitter-appended) ---
"""Pipeline reference for scband-fixed-categorical-12378095747102 (READ-ONLY COPY).

The authoritative reference and input builder live on the scoring server;
editing this copy changes nothing except your own understanding.
"""

import jax, jax.numpy as jnp
import numpy as np

B = 128
V = 100000

def setup_inputs(seed: int = 0) -> dict:
    key = jax.random.key(seed)
    k1, k2 = jax.random.split(key)
    logits = jax.random.normal(k1, (B, V), dtype=jnp.float32)
    actions = jax.random.randint(k2, (B, 1), 0, V, dtype=jnp.int32)
    return {"logits": logits, "actions": actions}

def reference(logits, actions):
    # FixedCategorical.log_probs(actions):
    #   super().log_prob(actions.squeeze(-1)).view(B, -1).sum(-1).unsqueeze(-1)
    logp = jax.nn.log_softmax(logits, axis=-1)
    lp = jnp.take_along_axis(logp, actions, axis=-1).squeeze(-1)  # [B]
    log_probs = lp.reshape(actions.shape[0], -1).sum(axis=-1)[:, None]  # [B, 1]
    # FixedCategorical.mode(): probs.argmax(dim=-1, keepdim=True)
    # argmax of probs == argmax of logits (softmax is monotonic)
    mode = jnp.argmax(logits, axis=-1, keepdims=True)  # [B, 1]
    return (log_probs, mode)

if __name__ == "__main__":
    import jax
    _d = setup_inputs()
    print(jax.jit(kernel)(*tuple(_d.values())))

</pallas_src>

<mosaic_0001>
#map = affine_map<(d0, d1) -> (0, 0)>
#map1 = affine_map<(d0, d1) -> (0)>
module attributes {stable_mosaic.version = 14 : i64} {
  func.func @body(%arg0: i32, %arg1: i32, %arg2: memref<100000x128xf32, #tpu.memory_space<hbm>>, %arg3: memref<128xi32, #tpu.memory_space<hbm>>, %arg4: memref<32x128xf32, #tpu.memory_space<hbm>>, %arg5: memref<32x128xi32, #tpu.memory_space<hbm>>, %arg6: memref<32x128xf32, #tpu.memory_space<hbm>>, %arg7: memref<8x16xf32, #tpu.memory_space<hbm>>, %arg8: memref<208x128xf32, #tpu.memory_space<vmem>>, %arg9: memref<208x128xf32, #tpu.memory_space<vmem>>, %arg10: memref<16xi32, #tpu.memory_space<vmem>>, %arg11: memref<16x128xf32, #tpu.memory_space<vmem>>, %arg12: memref<128xf32, #tpu.memory_space<vmem>>, %arg13: memref<128xi32, #tpu.memory_space<vmem>>, %arg14: memref<128xf32, #tpu.memory_space<vmem>>, %arg15: memref<16xf32, #tpu.memory_space<vmem>>, %arg16: memref<!tpu.dma_semaphore, #tpu.memory_space<semaphore_mem>>, %arg17: memref<!tpu.dma_semaphore, #tpu.memory_space<semaphore_mem>>, %arg18: memref<!tpu.dma_semaphore, #tpu.memory_space<semaphore_mem>>) attributes {dimension_semantics = [#tpu.dimension_semantics<core_parallel>, #tpu.dimension_semantics<subcore_parallel>], iteration_bounds = array<i64: 2, 16>, scalar_prefetch = 0 : i64, scratch_operands = 11 : i64, tpu.core_type = #tpu.core_type<sc_vector_subcore>, window_params = [{transform_indices = #map}, {transform_indices = #map1}, {transform_indices = #map}, {transform_indices = #map}, {transform_indices = #map}, {transform_indices = #map}]} {
    %mul3A = arith.constant 16 : i32
    %mul3A_0 = arith.muli %arg0, %mul3A : i32
    %add3A = arith.addi %mul3A_0, %arg1 : i32
    %mul3A_1 = arith.constant 390 : i32
    %mul3A_2 = arith.muli %add3A, %mul3A_1 : i32
    %iota3A = tpu.iota {dimensions = array<i32: 0>} : vector<16xi32>
    %rem3A = arith.constant 8 : i32
    %rem3A_3 = arith.remsi %add3A, %rem3A : i32
    %mul3A_4 = arith.constant 16 : i32
    %mul3A_5 = arith.muli %rem3A_3, %mul3A_4 : i32
    %multiple_of3A = tpu.assume_multiple %mul3A_5, 8 : i32
    "tpu.region"() ({
      %run_scoped3A = tpu.sem_alloc : memref<!tpu.dma_semaphore, #tpu.memory_space<semaphore_mem>>
      %dma_start3A_98 = tpu.memref_slice %arg3[%multiple_of3A] : memref<128xi32, #tpu.memory_space<hbm>> -> memref<16xi32, #tpu.memory_space<hbm>>
      %dma_start3A_99 = tpu.memref_slice %arg3[%multiple_of3A] : memref<128xi32, #tpu.memory_space<hbm>> -> memref<16xi32, #tpu.memory_space<hbm>>
      tpu.enqueue_dma source(%dma_start3A_99 : memref<16xi32, #tpu.memory_space<hbm>>) target(%arg10 : memref<16xi32, #tpu.memory_space<vmem>>) target_semaphore(%run_scoped3A : memref<!tpu.dma_semaphore, #tpu.memory_space<semaphore_mem>>)
      %dma_wait3A_100 = tpu.memref_slice %arg3[%multiple_of3A] : memref<128xi32, #tpu.memory_space<hbm>> -> memref<16xi32, #tpu.memory_space<hbm>>
      %dma_wait3A_101 = tpu.memref_slice %arg3[%multiple_of3A] : memref<128xi32, #tpu.memory_space<hbm>> -> memref<16xi32, #tpu.memory_space<hbm>>
      tpu.wait_dma2 semaphore(%run_scoped3A : memref<!tpu.dma_semaphore, #tpu.memory_space<semaphore_mem>>) src(%dma_wait3A_101 : memref<16xi32, #tpu.memory_space<hbm>>) dst(%arg10 : memref<16xi32, #tpu.memory_space<vmem>>)
      tpu.yield
    }) : () -> ()
    %dma_start3A = arith.constant 0 : i32
    %dma_start3A_6 = arith.constant 0 : i32
    %dma_start3A_7 = tpu.memref_slice %arg2[%dma_start3A, %dma_start3A_6] : memref<100000x128xf32, #tpu.memory_space<hbm>> -> memref<100000x128xf32, #tpu.memory_space<hbm>>
    tpu.enqueue_indirect_dma source(%dma_start3A_7 : memref<100000x128xf32, #tpu.memory_space<hbm>>) target(%arg11 : memref<16x128xf32, #tpu.memory_space<vmem>>) offsets(%arg10 : memref<16xi32, #tpu.memory_space<vmem>>) semaphore(%arg18 : memref<!tpu.dma_semaphore, #tpu.memory_space<semaphore_mem>>)
    %add3A_8 = arith.constant 0 : i32
    %add3A_9 = arith.addi %mul3A_2, %add3A_8 : i32
    %mul3A_10 = arith.constant 8 : i32
    %mul3A_11 = arith.muli %add3A_9, %mul3A_10 : i32
    %multiple_of3A_12 = tpu.assume_multiple %mul3A_11, 8 : i32
    %dma_start3A_13 = arith.constant 0 : i32
    %dma_start3A_14 = tpu.memref_slice %arg2[%multiple_of3A_12, %dma_start3A_13] : memref<100000x128xf32, #tpu.memory_space<hbm>> -> memref<208x128xf32, #tpu.memory_space<hbm>>
    %dma_start3A_15 = arith.constant 0 : i32
    %dma_start3A_16 = tpu.memref_slice %arg2[%multiple_of3A_12, %dma_start3A_15] : memref<100000x128xf32, #tpu.memory_space<hbm>> -> memref<208x128xf32, #tpu.memory_space<hbm>>
    tpu.enqueue_dma source(%dma_start3A_16 : memref<208x128xf32, #tpu.memory_space<hbm>>) target(%arg8 : memref<208x128xf32, #tpu.memory_space<vmem>>) target_semaphore(%arg16 : memref<!tpu.dma_semaphore, #tpu.memory_space<semaphore_mem>>)
    %broadcast_in_dim3A = arith.constant 0xFF800000 : f32
    %broadcast_in_dim3A_17 = vector.broadcast %broadcast_in_dim3A : f32 to vector<16xf32>
    %broadcast_in_dim3A_18 = arith.constant 0xFF800000 : f32
    %broadcast_in_dim3A_19 = vector.broadcast %broadcast_in_dim3A_18 : f32 to vector<16xf32>
    %broadcast_in_dim3A_20 = arith.constant 0xFF800000 : f32
    %broadcast_in_dim3A_21 = vector.broadcast %broadcast_in_dim3A_20 : f32 to vector<16xf32>
    %broadcast_in_dim3A_22 = arith.constant 0xFF800000 : f32
    %broadcast_in_dim3A_23 = vector.broadcast %broadcast_in_dim3A_22 : f32 to vector<16xf32>
    %broadcast_in_dim3A_24 = arith.constant 0xFF800000 : f32
    %broadcast_in_dim3A_25 = vector.broadcast %broadcast_in_dim3A_24 : f32 to vector<16xf32>
    %broadcast_in_dim3A_26 = arith.constant 0xFF800000 : f32
    %broadcast_in_dim3A_27 = vector.broadcast %broadcast_in_dim3A_26 : f32 to vector<16xf32>
    %broadcast_in_dim3A_28 = arith.constant 0xFF800000 : f32
    %broadcast_in_dim3A_29 = vector.broadcast %broadcast_in_dim3A_28 : f32 to vector<16xf32>
    %broadcast_in_dim3A_30 = arith.constant 0xFF800000 : f32
    %broadcast_in_dim3A_31 = vector.broadcast %broadcast_in_dim3A_30 : f32 to vector<16xf32>
    %broadcast_in_dim3A_32 = arith.constant 0 : i32
    %broadcast_in_dim3A_33 = vector.broadcast %broadcast_in_dim3A_32 : i32 to vector<16xi32>
    %broadcast_in_dim3A_34 = arith.constant 0 : i32
    %broadcast_in_dim3A_35 = vector.broadcast %broadcast_in_dim3A_34 : i32 to vector<16xi32>
    %broadcast_in_dim3A_36 = arith.constant 0 : i32
    %broadcast_in_dim3A_37 = vector.broadcast %broadcast_in_dim3A_36 : i32 to vector<16xi32>
    %broadcast_in_dim3A_38 = arith.constant 0 : i32
    %broadcast_in_dim3A_39 = vector.broadcast %broadcast_in_dim3A_38 : i32 to vector<16xi32>
    %broadcast_in_dim3A_40 = arith.constant 0 : i32
    %broadcast_in_dim3A_41 = vector.broadcast %broadcast_in_dim3A_40 : i32 to vector<16xi32>
    %broadcast_in_dim3A_42 = arith.constant 0 : i32
    %broadcast_in_dim3A_43 = vector.broadcast %broadcast_in_dim3A_42 : i32 to vector<16xi32>
    %broadcast_in_dim3A_44 = arith.constant 0 : i32
    %broadcast_in_dim3A_45 = vector.broadcast %broadcast_in_dim3A_44 : i32 to vector<16xi32>
    %broadcast_in_dim3A_46 = arith.constant 0 : i32
    %broadcast_in_dim3A_47 = vector.broadcast %broadcast_in_dim3A_46 : i32 to vector<16xi32>
    %broadcast_in_dim3A_48 = arith.constant 0.000000e+00 : f32
    %broadcast_in_dim3A_49 = vector.broadcast %broadcast_in_dim3A_48 : f32 to vector<16xf32>
    %broadcast_in_dim3A_50 = arith.constant 0.000000e+00 : f32
    %broadcast_in_dim3A_51 = vector.broadcast %broadcast_in_dim3A_50 : f32 to vector<16xf32>
    %broadcast_in_dim3A_52 = arith.constant 0.000000e+00 : f32
    %broadcast_in_dim3A_53 = vector.broadcast %broadcast_in_dim3A_52 : f32 to vector<16xf32>
    %broadcast_in_dim3A_54 = arith.constant 0.000000e+00 : f32
    %broadcast_in_dim3A_55 = vector.broadcast %broadcast_in_dim3A_54 : f32 to vector<16xf32>
    %broadcast_in_dim3A_56 = arith.constant 0.000000e+00 : f32
    %broadcast_in_dim3A_57 = vector.broadcast %broadcast_in_dim3A_56 : f32 to vector<16xf32>
    %broadcast_in_dim3A_58 = arith.constant 0.000000e+00 : f32
    %broadcast_in_dim3A_59 = vector.broadcast %broadcast_in_dim3A_58 : f32 to vector<16xf32>
    %broadcast_in_dim3A_60 = arith.constant 0.000000e+00 : f32
    %broadcast_in_dim3A_61 = vector.broadcast %broadcast_in_dim3A_60 : f32 to vector<16xf32>
    %broadcast_in_dim3A_62 = arith.constant 0.000000e+00 : f32
    %broadcast_in_dim3A_63 = vector.broadcast %broadcast_in_dim3A_62 : f32 to vector<16xf32>
    %scan3A = arith.constant 0 : i32
    %scan3A_64 = arith.constant 7 : i32
    %scan3A_65 = arith.addi %scan3A, %scan3A_64 : i32
    %scan3A_66 = arith.constant 1 : i32
    %scan3A_67:24 = scf.for %scan3A_98 = %scan3A to %scan3A_65 step %scan3A_66 iter_args(%scan3A_99 = %broadcast_in_dim3A_17, %scan3A_100 = %broadcast_in_dim3A_19, %scan3A_101 = %broadcast_in_dim3A_21, %scan3A_102 = %broadcast_in_dim3A_23, %scan3A_103 = %broadcast_in_dim3A_25, %scan3A_104 = %broadcast_in_dim3A_27, %scan3A_105 = %broadcast_in_dim3A_29, %scan3A_106 = %broadcast_in_dim3A_31, %scan3A_107 = %broadcast_in_dim3A_33, %scan3A_108 = %broadcast_in_dim3A_35, %scan3A_109 = %broadcast_in_dim3A_37, %scan3A_110 = %broadcast_in_dim3A_39, %scan3A_111 = %broadcast_in_dim3A_41, %scan3A_112 = %broadcast_in_dim3A_43, %scan3A_113 = %broadcast_in_dim3A_45, %scan3A_114 = %broadcast_in_dim3A_47, %scan3A_115 = %broadcast_in_dim3A_49, %scan3A_116 = %broadcast_in_dim3A_51, %scan3A_117 = %broadcast_in_dim3A_53, %scan3A_118 = %broadcast_in_dim3A_55, %scan3A_119 = %broadcast_in_dim3A_57, %scan3A_120 = %broadcast_in_dim3A_59, %scan3A_121 = %broadcast_in_dim3A_61, %scan3A_122 = %broadcast_in_dim3A_63) -> (vector<16xf32>, vector<16xf32>, vector<16xf32>, vector<16xf32>, vector<16xf32>, vector<16xf32>, vector<16xf32>, vector<16xf32>, vector<16xi32>, vector<16xi32>, vector<16xi32>, vector<16xi32>, vector<16xi32>, vector<16xi32>, vector<16xi32>, vector<16xi32>, vector<16xf32>, vector<16xf32>, vector<16xf32>, vector<16xf32>, vector<16xf32>, vector<16xf32>, vector<16xf32>, vector<16xf32>)  : i32 {
      %mul3A_123 = arith.constant 2 : i32
      %mul3A_124 = arith.muli %mul3A_123, %scan3A_98 : i32
      %add3A_125 = arith.constant 0 : i32
      %add3A_126 = arith.addi %mul3A_124, %add3A_125 : i32
      %add3A_127 = arith.constant 1 : i32
      %add3A_128 = arith.addi %add3A_126, %add3A_127 : i32
      %mul3A_129 = arith.constant 26 : i32
      %mul3A_130 = arith.muli %add3A_128, %mul3A_129 : i32
      %add3A_131 = arith.addi %mul3A_2, %mul3A_130 : i32
      %mul3A_132 = arith.constant 8 : i32
      %mul3A_133 = arith.muli %add3A_131, %mul3A_132 : i32
      %multiple_of3A_134 = tpu.assume_multiple %mul3A_133, 8 : i32
      %dma_start3A_135 = arith.constant 0 : i32
      %dma_start3A_136 = tpu.memref_slice %arg2[%multiple_of3A_134, %dma_start3A_135] : memref<100000x128xf32, #tpu.memory_space<hbm>> -> memref<208x128xf32, #tpu.memory_space<hbm>>
      %dma_start3A_137 = arith.constant 0 : i32
      %dma_start3A_138 = tpu.memref_slice %arg2[%multiple_of3A_134, %dma_start3A_137] : memref<100000x128xf32, #tpu.memory_space<hbm>> -> memref<208x128xf32, #tpu.memory_space<hbm>>
      tpu.enqueue_dma source(%dma_start3A_138 : memref<208x128xf32, #tpu.memory_space<hbm>>) target(%arg9 : memref<208x128xf32, #tpu.memory_space<vmem>>) target_semaphore(%arg17 : memref<!tpu.dma_semaphore, #tpu.memory_space<semaphore_mem>>)
      %dma_wait3A_139 = arith.constant 0 : i32
      %dma_wait3A_140 = arith.constant 0 : i32
      %dma_wait3A_141 = tpu.memref_slice %arg2[%dma_wait3A_139, %dma_wait3A_140] : memref<100000x128xf32, #tpu.memory_space<hbm>> -> memref<208x128xf32, #tpu.memory_space<hbm>>
      %dma_wait3A_142 = arith.constant 0 : i32
      %dma_wait3A_143 = arith.constant 0 : i32
      %dma_wait3A_144 = tpu.memref_slice %arg2[%dma_wait3A_142, %dma_wait3A_143] : memref<100000x128xf32, #tpu.memory_space<hbm>> -> memref<208x128xf32, #tpu.memory_space<hbm>>
      tpu.wait_dma2 semaphore(%arg16 : memref<!tpu.dma_semaphore, #tpu.memory_space<semaphore_mem>>) src(%dma_wait3A_144 : memref<208x128xf32, #tpu.memory_space<hbm>>) dst(%arg8 : memref<208x128xf32, #tpu.memory_space<vmem>>)
      %mul3A_145 = arith.constant 26 : i32
      %mul3A_146 = arith.muli %add3A_126, %mul3A_145 : i32
      %add3A_147 = arith.addi %mul3A_2, %mul3A_146 : i32
      %mul3A_148 = arith.constant 8 : i32
      %mul3A_149 = arith.muli %add3A_147, %mul3A_148 : i32
      %scan3A_150 = arith.constant 0 : i32
      %scan3A_151 = arith.constant 208 : i32
      %scan3A_152 = arith.addi %scan3A_150, %scan3A_151 : i32
      %scan3A_153 = arith.constant 1 : i32
      %scan3A_154:24 = scf.for %scan3A_189 = %scan3A_150 to %scan3A_152 step %scan3A_153 iter_args(%scan3A_190 = %scan3A_99, %scan3A_191 = %scan3A_100, %scan3A_192 = %scan3A_101, %scan3A_193 = %scan3A_102, %scan3A_194 = %scan3A_103, %scan3A_195 = %scan3A_104, %scan3A_196 = %scan3A_105, %scan3A_197 = %scan3A_106, %scan3A_198 = %scan3A_107, %scan3A_199 = %scan3A_108, %scan3A_200 = %scan3A_109, %scan3A_201 = %scan3A_110, %scan3A_202 = %scan3A_111, %scan3A_203 = %scan3A_112, %scan3A_204 = %scan3A_113, %scan3A_205 = %scan3A_114, %scan3A_206 = %scan3A_115, %scan3A_207 = %scan3A_116, %scan3A_208 = %scan3A_117, %scan3A_209 = %scan3A_118, %scan3A_210 = %scan3A_119, %scan3A_211 = %scan3A_120, %scan3A_212 = %scan3A_121, %scan3A_213 = %scan3A_122) -> (vector<16xf32>, vector<16xf32>, vector<16xf32>, vector<16xf32>, vector<16xf32>, vector<16xf32>, vector<16xf32>, vector<16xf32>, vector<16xi32>, vector<16xi32>, vector<16xi32>, vector<16xi32>, vector<16xi32>, vector<16xi32>, vector<16xi32>, vector<16xi32>, vector<16xf32>, vector<16xf32>, vector<16xf32>, vector<16xf32>, vector<16xf32>, vector<16xf32>, vector<16xf32>, vector<16xf32>)  : i32 {
        %add3A_214 = arith.addi %mul3A_149, %scan3A_189 : i32
        %broadcast_in_dim3A_215 = vector.broadcast %add3A_214 : i32 to vector<16xi32>
        %get3A = arith.index_cast %scan3A_189 : i32 to index
        %get3A_216 = arith.constant 0 : index
        %get3A_217 = tpu.vector_load %arg8[%get3A, %get3A_216] {strides = array<i32>} : memref<208x128xf32, #tpu.memory_space<vmem>>, vector<16xf32>,
        %gt3A = arith.cmpf ogt, %get3A_217, %scan3A_190 : vector<16xf32>
        %select_n3A = arith.select %gt3A, %get3A_217, %scan3A_190 : vector<16xi1>, vector<16xf32>
        %select_n3A_218 = arith.select %gt3A, %broadcast_in_dim3A_215, %scan3A_198 : vector<16xi1>, vector<16xi32>
        %exp3A = math.exp %get3A_217 : vector<16xf32>
        %add3A_219 = arith.addf %scan3A_206, %exp3A : vector<16xf32>
        %get3A_220 = arith.index_cast %scan3A_189 : i32 to index
        %get3A_221 = arith.constant 16 : index
        %get3A_222 = tpu.vector_load %arg8[%get3A_220, %get3A_221] {strides = array<i32>} : memref<208x128xf32, #tpu.memory_space<vmem>>, vector<16xf32>,
        %gt3A_223 = arith.cmpf ogt, %get3A_222, %scan3A_191 : vector<16xf32>
        %select_n3A_224 = arith.select %gt3A_223, %get3A_222, %scan3A_191 : vector<16xi1>, vector<16xf32>
        %select_n3A_225 = arith.select %gt3A_223, %broadcast_in_dim3A_215, %scan3A_199 : vector<16xi1>, vector<16xi32>
        %exp3A_226 = math.exp %get3A_222 : vector<16xf32>
        %add3A_227 = arith.addf %scan3A_207, %exp3A_226 : vector<16xf32>
        %get3A_228 = arith.index_cast %scan3A_189 : i32 to index
        %get3A_229 = arith.constant 32 : index
        %get3A_230 = tpu.vector_load %arg8[%get3A_228, %get3A_229] {strides = array<i32>} : memref<208x128xf32, #tpu.memory_space<vmem>>, vector<16xf32>,
        %gt3A_231 = arith.cmpf ogt, %get3A_230, %scan3A_192 : vector<16xf32>
        %select_n3A_232 = arith.select %gt3A_231, %get3A_230, %scan3A_192 : vector<16xi1>, vector<16xf32>
        %select_n3A_233 = arith.select %gt3A_231, %broadcast_in_dim3A_215, %scan3A_200 : vector<16xi1>, vector<16xi32>
        %exp3A_234 = math.exp %get3A_230 : vector<16xf32>
        %add3A_235 = arith.addf %scan3A_208, %exp3A_234 : vector<16xf32>
        %get3A_236 = arith.index_cast %scan3A_189 : i32 to index
        %get3A_237 = arith.constant 48 : index
        %get3A_238 = tpu.vector_load %arg8[%get3A_236, %get3A_237] {strides = array<i32>} : memref<208x128xf32, #tpu.memory_space<vmem>>, vector<16xf32>,
        %gt3A_239 = arith.cmpf ogt, %get3A_238, %scan3A_193 : vector<16xf32>
        %select_n3A_240 = arith.select %gt3A_239, %get3A_238, %scan3A_193 : vector<16xi1>, vector<16xf32>
        %select_n3A_241 = arith.select %gt3A_239, %broadcast_in_dim3A_215, %scan3A_201 : vector<16xi1>, vector<16xi32>
        %exp3A_242 = math.exp %get3A_238 : vector<16xf32>
        %add3A_243 = arith.addf %scan3A_209, %exp3A_242 : vector<16xf32>
        %get3A_244 = arith.index_cast %scan3A_189 : i32 to index
        %get3A_245 = arith.constant 64 : index
        %get3A_246 = tpu.vector_load %arg8[%get3A_244, %get3A_245] {strides = array<i32>} : memref<208x128xf32, #tpu.memory_space<vmem>>, vector<16xf32>,
        %gt3A_247 = arith.cmpf ogt, %get3A_246, %scan3A_194 : vector<16xf32>
        %select_n3A_248 = arith.select %gt3A_247, %get3A_246, %scan3A_194 : vector<16xi1>, vector<16xf32>
        %select_n3A_249 = arith.select %gt3A_247, %broadcast_in_dim3A_215, %scan3A_202 : vector<16xi1>, vector<16xi32>
        %exp3A_250 = math.exp %get3A_246 : vector<16xf32>
        %add3A_251 = arith.addf %scan3A_210, %exp3A_250 : vector<16xf32>
        %get3A_252 = arith.index_cast %scan3A_189 : i32 to index
        %get3A_253 = arith.constant 80 : index
        %get3A_254 = tpu.vector_load %arg8[%get3A_252, %get3A_253] {strides = array<i32>} : memref<208x128xf32, #tpu.memory_space<vmem>>, vector<16xf32>,
        %gt3A_255 = arith.cmpf ogt, %get3A_254, %scan3A_195 : vector<16xf32>
        %select_n3A_256 = arith.select %gt3A_255, %get3A_254, %scan3A_195 : vector<16xi1>, vector<16xf32>
        %select_n3A_257 = arith.select %gt3A_255, %broadcast_in_dim3A_215, %scan3A_203 : vector<16xi1>, vector<16xi32>
        %exp3A_258 = math.exp %get3A_254 : vector<16xf32>
        %add3A_259 = arith.addf %scan3A_211, %exp3A_258 : vector<16xf32>
        %get3A_260 = arith.index_cast %scan3A_189 : i32 to index
        %get3A_261 = arith.constant 96 : index
        %get3A_262 = tpu.vector_load %arg8[%get3A_260, %get3A_261] {strides = array<i32>} : memref<208x128xf32, #tpu.memory_space<vmem>>, vector<16xf32>,
        %gt3A_263 = arith.cmpf ogt, %get3A_262, %scan3A_196 : vector<16xf32>
        %select_n3A_264 = arith.select %gt3A_263, %get3A_262, %scan3A_196 : vector<16xi1>, vector<16xf32>
        %select_n3A_265 = arith.select %gt3A_263, %broadcast_in_dim3A_215, %scan3A_204 : vector<16xi1>, vector<16xi32>
        %exp3A_266 = math.exp %get3A_262 : vector<16xf32>
        %add3A_267 = arith.addf %scan3A_212, %exp3A_266 : vector<16xf32>
        %get3A_268 = arith.index_cast %scan3A_189 : i32 to index
        %get3A_269 = arith.constant 112 : index
        %get3A_270 = tpu.vector_load %arg8[%get3A_268, %get3A_269] {strides = array<i32>} : memref<208x128xf32, #tpu.memory_space<vmem>>, vector<16xf32>,
        %gt3A_271 = arith.cmpf ogt, %get3A_270, %scan3A_197 : vector<16xf32>
        %select_n3A_272 = arith.select %gt3A_271, %get3A_270, %scan3A_197 : vector<16xi1>, vector<16xf32>
        %select_n3A_273 = arith.select %gt3A_271, %broadcast_in_dim3A_215, %scan3A_205 : vector<16xi1>, vector<16xi32>
        %exp3A_274 = math.exp %get3A_270 : vector<16xf32>
        %add3A_275 = arith.addf %scan3A_213, %exp3A_274 : vector<16xf32>
        scf.yield %select_n3A, %select_n3A_224, %select_n3A_232, %select_n3A_240, %select_n3A_248, %select_n3A_256, %select_n3A_264, %select_n3A_272, %select_n3A_218, %select_n3A_225, %select_n3A_233, %select_n3A_241, %select_n3A_249, %select_n3A_257, %select_n3A_265, %select_n3A_273, %add3A_219, %add3A_227, %add3A_235, %add3A_243, %add3A_251, %add3A_259, %add3A_267, %add3A_275 : vector<16xf32>, vector<16xf32>, vector<16xf32>, vector<16xf32>, vector<16xf32>, vector<16xf32>, vector<16xf32>, vector<16xf32>, vector<16xi32>, vector<16xi32>, vector<16xi32>, vector<16xi32>, vector<16xi32>, vector<16xi32>, vector<16xi32>, vector<16xi32>, vector<16xf32>, vector<16xf32>, vector<16xf32>, vector<16xf32>, vector<16xf32>, vector<16xf32>, vector<16xf32>, vector<16xf32>
      }
      %scan3A_155 = arith.constant 208 : i32
      %mul3A_156 = arith.constant 2 : i32
      %mul3A_157 = arith.muli %mul3A_156, %scan3A_98 : i32
      %add3A_158 = arith.constant 1 : i32
      %add3A_159 = arith.addi %mul3A_157, %add3A_158 : i32
      %add3A_160 = arith.constant 1 : i32
      %add3A_161 = arith.addi %add3A_159, %add3A_160 : i32
      %mul3A_162 = arith.constant 26 : i32
      %mul3A_163 = arith.muli %add3A_161, %mul3A_162 : i32
      %add3A_164 = arith.addi %mul3A_2, %mul3A_163 : i32
      %mul3A_165 = arith.constant 8 : i32
      %mul3A_166 = arith.muli %add3A_164, %mul3A_165 : i32
      %multiple_of3A_167 = tpu.assume_multiple %mul3A_166, 8 : i32
      %dma_start3A_168 = arith.constant 0 : i32
      %dma_start3A_169 = tpu.memref_slice %arg2[%multiple_of3A_167, %dma_start3A_168] : memref<100000x128xf32, #tpu.memory_space<hbm>> -> memref<208x128xf32, #tpu.memory_space<hbm>>
      %dma_start3A_170 = arith.constant 0 : i32
      %dma_start3A_171 = tpu.memref_slice %arg2[%multiple_of3A_167, %dma_start3A_170] : memref<100000x128xf32, #tpu.memory_space<hbm>> -> memref<208x128xf32, #tpu.memory_space<hbm>>
      tpu.enqueue_dma source(%dma_start3A_171 : memref<208x128xf32, #tpu.memory_space<hbm>>) target(%arg8 : memref<208x128xf32, #tpu.memory_space<vmem>>) target_semaphore(%arg16 : memref<!tpu.dma_semaphore, #tpu.memory_space<semaphore_mem>>)
      %dma_wait3A_172 = arith.constant 0 : i32
      %dma_wait3A_173 = arith.constant 0 : i32
      %dma_wait3A_174 = tpu.memref_slice %arg2[%dma_wait3A_172, %dma_wait3A_173] : memref<100000x128xf32, #tpu.memory_space<hbm>> -> memref<208x128xf32, #tpu.memory_space<hbm>>
      %dma_wait3A_175 = arith.constant 0 : i32
      %dma_wait3A_176 = arith.constant 0 : i32
      %dma_wait3A_177 = tpu.memref_slice %arg2[%dma_wait3A_175, %dma_wait3A_176] : memref<100000x128xf32, #tpu.memory_space<hbm>> -> memref<208x128xf32, #tpu.memory_space<hbm>>
      tpu.wait_dma2 semaphore(%arg17 : memref<!tpu.dma_semaphore, #tpu.memory_space<semaphore_mem>>) src(%dma_wait3A_177 : memref<208x128xf32, #tpu.memory_space<hbm>>) dst(%arg9 : memref<208x128xf32, #tpu.memory_space<vmem>>)
      %mul3A_178 = arith.constant 26 : i32
      %mul3A_179 = arith.muli %add3A_159, %mul3A_178 : i32
      %add3A_180 = arith.addi %mul3A_2, %mul3A_179 : i32
      %mul3A_181 = arith.constant 8 : i32
      %mul3A_182 = arith.muli %add3A_180, %mul3A_181 : i32
      %scan3A_183 = arith.constant 0 : i32
      %scan3A_184 = arith.constant 208 : i32
      %scan3A_185 = arith.addi %scan3A_183, %scan3A_184 : i32
      %scan3A_186 = arith.constant 1 : i32
      %scan3A_187:24 = scf.for %scan3A_189 = %scan3A_183 to %scan3A_185 step %scan3A_186 iter_args(%scan3A_190 = %scan3A_154#0, %scan3A_191 = %scan3A_154#1, %scan3A_192 = %scan3A_154#2, %scan3A_193 = %scan3A_154#3, %scan3A_194 = %scan3A_154#4, %scan3A_195 = %scan3A_154#5, %scan3A_196 = %scan3A_154#6, %scan3A_197 = %scan3A_154#7, %scan3A_198 = %scan3A_154#8, %scan3A_199 = %scan3A_154#9, %scan3A_200 = %scan3A_154#10, %scan3A_201 = %scan3A_154#11, %scan3A_202 = %scan3A_154#12, %scan3A_203 = %scan3A_154#13, %scan3A_204 = %scan3A_154#14, %scan3A_205 = %scan3A_154#15, %scan3A_206 = %scan3A_154#16, %scan3A_207 = %scan3A_154#17, %scan3A_208 = %scan3A_154#18, %scan3A_209 = %scan3A_154#19, %scan3A_210 = %scan3A_154#20, %scan3A_211 = %scan3A_154#21, %scan3A_212 = %scan3A_154#22, %scan3A_213 = %scan3A_154#23) -> (vector<16xf32>, vector<16xf32>, vector<16xf32>, vector<16xf32>, vector<16xf32>, vector<16xf32>, vector<16xf32>, vector<16xf32>, vector<16xi32>, vector<16xi32>, vector<16xi32>, vector<16xi32>, vector<16xi32>, vector<16xi32>, vector<16xi32>, vector<16xi32>, vector<16xf32>, vector<16xf32>, vector<16xf32>, vector<16xf32>, vector<16xf32>, vector<16xf32>, vector<16xf32>, vector<16xf32>)  : i32 {
        %add3A_214 = arith.addi %mul3A_182, %scan3A_189 : i32
        %broadcast_in_dim3A_215 = vector.broadcast %add3A_214 : i32 to vector<16xi32>
        %get3A = arith.index_cast %scan3A_189 : i32 to index
        %get3A_216 = arith.constant 0 : index
        %get3A_217 = tpu.vector_load %arg9[%get3A, %get3A_216] {strides = array<i32>} : memref<208x128xf32, #tpu.memory_space<vmem>>, vector<16xf32>,
        %gt3A = arith.cmpf ogt, %get3A_217, %scan3A_190 : vector<16xf32>
        %select_n3A = arith.select %gt3A, %get3A_217, %scan3A_190 : vector<16xi1>, vector<16xf32>
        %select_n3A_218 = arith.select %gt3A, %broadcast_in_dim3A_215, %scan3A_198 : vector<16xi1>, vector<16xi32>
        %exp3A = math.exp %get3A_217 : vector<16xf32>
        %add3A_219 = arith.addf %scan3A_206, %exp3A : vector<16xf32>
        %get3A_220 = arith.index_cast %scan3A_189 : i32 to index
        %get3A_221 = arith.constant 16 : index
        %get3A_222 = tpu.vector_load %arg9[%get3A_220, %get3A_221] {strides = array<i32>} : memref<208x128xf32, #tpu.memory_space<vmem>>, vector<16xf32>,
        %gt3A_223 = arith.cmpf ogt, %get3A_222, %scan3A_191 : vector<16xf32>
        %select_n3A_224 = arith.select %gt3A_223, %get3A_222, %scan3A_191 : vector<16xi1>, vector<16xf32>
        %select_n3A_225 = arith.select %gt3A_223, %broadcast_in_dim3A_215, %scan3A_199 : vector<16xi1>, vector<16xi32>
        %exp3A_226 = math.exp %get3A_222 : vector<16xf32>
        %add3A_227 = arith.addf %scan3A_207, %exp3A_226 : vector<16xf32>
        %get3A_228 = arith.index_cast %scan3A_189 : i32 to index
        %get3A_229 = arith.constant 32 : index
        %get3A_230 = tpu.vector_load %arg9[%get3A_228, %get3A_229] {strides = array<i32>} : memref<208x128xf32, #tpu.memory_space<vmem>>, vector<16xf32>,
        %gt3A_231 = arith.cmpf ogt, %get3A_230, %scan3A_192 : vector<16xf32>
        %select_n3A_232 = arith.select %gt3A_231, %get3A_230, %scan3A_192 : vector<16xi1>, vector<16xf32>
        %select_n3A_233 = arith.select %gt3A_231, %broadcast_in_dim3A_215, %scan3A_200 : vector<16xi1>, vector<16xi32>
        %exp3A_234 = math.exp %get3A_230 : vector<16xf32>
        %add3A_235 = arith.addf %scan3A_208, %exp3A_234 : vector<16xf32>
        %get3A_236 = arith.index_cast %scan3A_189 : i32 to index
        %get3A_237 = arith.constant 48 : index
        %get3A_238 = tpu.vector_load %arg9[%get3A_236, %get3A_237] {strides = array<i32>} : memref<208x128xf32, #tpu.memory_space<vmem>>, vector<16xf32>,
        %gt3A_239 = arith.cmpf ogt, %get3A_238, %scan3A_193 : vector<16xf32>
        %select_n3A_240 = arith.select %gt3A_239, %get3A_238, %scan3A_193 : vector<16xi1>, vector<16xf32>
        %select_n3A_241 = arith.select %gt3A_239, %broadcast_in_dim3A_215, %scan3A_201 : vector<16xi1>, vector<16xi32>
        %exp3A_242 = math.exp %get3A_238 : vector<16xf32>
        %add3A_243 = arith.addf %scan3A_209, %exp3A_242 : vector<16xf32>
        %get3A_244 = arith.index_cast %scan3A_189 : i32 to index
        %get3A_245 = arith.constant 64 : index
        %get3A_246 = tpu.vector_load %arg9[%get3A_244, %get3A_245] {strides = array<i32>} : memref<208x128xf32, #tpu.memory_space<vmem>>, vector<16xf32>,
        %gt3A_247 = arith.cmpf ogt, %get3A_246, %scan3A_194 : vector<16xf32>
        %select_n3A_248 = arith.select %gt3A_247, %get3A_246, %scan3A_194 : vector<16xi1>, vector<16xf32>
        %select_n3A_249 = arith.select %gt3A_247, %broadcast_in_dim3A_215, %scan3A_202 : vector<16xi1>, vector<16xi32>
        %exp3A_250 = math.exp %get3A_246 : vector<16xf32>
        %add3A_251 = arith.addf %scan3A_210, %exp3A_250 : vector<16xf32>
        %get3A_252 = arith.index_cast %scan3A_189 : i32 to index
        %get3A_253 = arith.constant 80 : index
        %get3A_254 = tpu.vector_load %arg9[%get3A_252, %get3A_253] {strides = array<i32>} : memref<208x128xf32, #tpu.memory_space<vmem>>, vector<16xf32>,
        %gt3A_255 = arith.cmpf ogt, %get3A_254, %scan3A_195 : vector<16xf32>
        %select_n3A_256 = arith.select %gt3A_255, %get3A_254, %scan3A_195 : vector<16xi1>, vector<16xf32>
        %select_n3A_257 = arith.select %gt3A_255, %broadcast_in_dim3A_215, %scan3A_203 : vector<16xi1>, vector<16xi32>
        %exp3A_258 = math.exp %get3A_254 : vector<16xf32>
        %add3A_259 = arith.addf %scan3A_211, %exp3A_258 : vector<16xf32>
        %get3A_260 = arith.index_cast %scan3A_189 : i32 to index
        %get3A_261 = arith.constant 96 : index
        %get3A_262 = tpu.vector_load %arg9[%get3A_260, %get3A_261] {strides = array<i32>} : memref<208x128xf32, #tpu.memory_space<vmem>>, vector<16xf32>,
        %gt3A_263 = arith.cmpf ogt, %get3A_262, %scan3A_196 : vector<16xf32>
        %select_n3A_264 = arith.select %gt3A_263, %get3A_262, %scan3A_196 : vector<16xi1>, vector<16xf32>
        %select_n3A_265 = arith.select %gt3A_263, %broadcast_in_dim3A_215, %scan3A_204 : vector<16xi1>, vector<16xi32>
        %exp3A_266 = math.exp %get3A_262 : vector<16xf32>
        %add3A_267 = arith.addf %scan3A_212, %exp3A_266 : vector<16xf32>
        %get3A_268 = arith.index_cast %scan3A_189 : i32 to index
        %get3A_269 = arith.constant 112 : index
        %get3A_270 = tpu.vector_load %arg9[%get3A_268, %get3A_269] {strides = array<i32>} : memref<208x128xf32, #tpu.memory_space<vmem>>, vector<16xf32>,
        %gt3A_271 = arith.cmpf ogt, %get3A_270, %scan3A_197 : vector<16xf32>
        %select_n3A_272 = arith.select %gt3A_271, %get3A_270, %scan3A_197 : vector<16xi1>, vector<16xf32>
        %select_n3A_273 = arith.select %gt3A_271, %broadcast_in_dim3A_215, %scan3A_205 : vector<16xi1>, vector<16xi32>
        %exp3A_274 = math.exp %get3A_270 : vector<16xf32>
        %add3A_275 = arith.addf %scan3A_213, %exp3A_274 : vector<16xf32>
        scf.yield %select_n3A, %select_n3A_224, %select_n3A_232, %select_n3A_240, %select_n3A_248, %select_n3A_256, %select_n3A_264, %select_n3A_272, %select_n3A_218, %select_n3A_225, %select_n3A_233, %select_n3A_241, %select_n3A_249, %select_n3A_257, %select_n3A_265, %select_n3A_273, %add3A_219, %add3A_227, %add3A_235, %add3A_243, %add3A_251, %add3A_259, %add3A_267, %add3A_275 : vector<16xf32>, vector<16xf32>, vector<16xf32>, vector<16xf32>, vector<16xf32>, vector<16xf32>, vector<16xf32>, vector<16xf32>, vector<16xi32>, vector<16xi32>, vector<16xi32>, vector<16xi32>, vector<16xi32>, vector<16xi32>, vector<16xi32>, vector<16xi32>, vector<16xf32>, vector<16xf32>, vector<16xf32>, vector<16xf32>, vector<16xf32>, vector<16xf32>, vector<16xf32>, vector<16xf32>
      }
      %scan3A_188 = arith.constant 208 : i32
      scf.yield %scan3A_187#0, %scan3A_187#1, %scan3A_187#2, %scan3A_187#3, %scan3A_187#4, %scan3A_187#5, %scan3A_187#6, %scan3A_187#7, %scan3A_187#8, %scan3A_187#9, %scan3A_187#10, %scan3A_187#11, %scan3A_187#12, %scan3A_187#13, %scan3A_187#14, %scan3A_187#15, %scan3A_187#16, %scan3A_187#17, %scan3A_187#18, %scan3A_187#19, %scan3A_187#20, %scan3A_187#21, %scan3A_187#22, %scan3A_187#23 : vector<16xf32>, vector<16xf32>, vector<16xf32>, vector<16xf32>, vector<16xf32>, vector<16xf32>, vector<16xf32>, vector<16xf32>, vector<16xi32>, vector<16xi32>, vector<16xi32>, vector<16xi32>, vector<16xi32>, vector<16xi32>, vector<16xi32>, vector<16xi32>, vector<16xf32>, vector<16xf32>, vector<16xf32>, vector<16xf32>, vector<16xf32>, vector<16xf32>, vector<16xf32>, vector<16xf32>
    }
    %scan3A_68 = arith.constant 7 : i32
    %dma_wait3A = arith.constant 0 : i32
    %dma_wait3A_69 = arith.constant 0 : i32
    %dma_wait3A_70 = tpu.memref_slice %arg2[%dma_wait3A, %dma_wait3A_69] : memref<100000x128xf32, #tpu.memory_space<hbm>> -> memref<208x128xf32, #tpu.memory_space<hbm>>
    %dma_wait3A_71 = arith.constant 0 : i32
    %dma_wait3A_72 = arith.constant 0 : i32
    %dma_wait3A_73 = tpu.memref_slice %arg2[%dma_wait3A_71, %dma_wait3A_72] : memref<100000x128xf32, #tpu.memory_space<hbm>> -> memref<208x128xf32, #tpu.memory_space<hbm>>
    tpu.wait_dma2 semaphore(%arg16 : memref<!tpu.dma_semaphore, #tpu.memory_space<semaphore_mem>>) src(%dma_wait3A_73 : memref<208x128xf32, #tpu.memory_space<hbm>>) dst(%arg8 : memref<208x128xf32, #tpu.memory_space<vmem>>)
    %add3A_74 = arith.constant 364 : i32
    %add3A_75 = arith.addi %mul3A_2, %add3A_74 : i32
    %mul3A_76 = arith.constant 8 : i32
    %mul3A_77 = arith.muli %add3A_75, %mul3A_76 : i32
    %scan3A_78 = arith.constant 0 : i32
    %scan3A_79 = arith.constant 208 : i32
    %scan3A_80 = arith.addi %scan3A_78, %scan3A_79 : i32
    %scan3A_81 = arith.constant 1 : i32
    %scan3A_82:24 = scf.for %scan3A_98 = %scan3A_78 to %scan3A_80 step %scan3A_81 iter_args(%scan3A_99 = %scan3A_67#0, %scan3A_100 = %scan3A_67#1, %scan3A_101 = %scan3A_67#2, %scan3A_102 = %scan3A_67#3, %scan3A_103 = %scan3A_67#4, %scan3A_104 = %scan3A_67#5, %scan3A_105 = %scan3A_67#6, %scan3A_106 = %scan3A_67#7, %scan3A_107 = %scan3A_67#8, %scan3A_108 = %scan3A_67#9, %scan3A_109 = %scan3A_67#10, %scan3A_110 = %scan3A_67#11, %scan3A_111 = %scan3A_67#12, %scan3A_112 = %scan3A_67#13, %scan3A_113 = %scan3A_67#14, %scan3A_114 = %scan3A_67#15, %scan3A_115 = %scan3A_67#16, %scan3A_116 = %scan3A_67#17, %scan3A_117 = %scan3A_67#18, %scan3A_118 = %scan3A_67#19, %scan3A_119 = %scan3A_67#20, %scan3A_120 = %scan3A_67#21, %scan3A_121 = %scan3A_67#22, %scan3A_122 = %scan3A_67#23) -> (vector<16xf32>, vector<16xf32>, vector<16xf32>, vector<16xf32>, vector<16xf32>, vector<16xf32>, vector<16xf32>, vector<16xf32>, vector<16xi32>, vector<16xi32>, vector<16xi32>, vector<16xi32>, vector<16xi32>, vector<16xi32>, vector<16xi32>, vector<16xi32>, vector<16xf32>, vector<16xf32>, vector<16xf32>, vector<16xf32>, vector<16xf32>, vector<16xf32>, vector<16xf32>, vector<16xf32>)  : i32 {
      %add3A_123 = arith.addi %mul3A_77, %scan3A_98 : i32
      %broadcast_in_dim3A_124 = vector.broadcast %add3A_123 : i32 to vector<16xi32>
      %get3A = arith.index_cast %scan3A_98 : i32 to index
      %get3A_125 = arith.constant 0 : index
      %get3A_126 = tpu.vector_load %arg8[%get3A, %get3A_125] {strides = array<i32>} : memref<208x128xf32, #tpu.memory_space<vmem>>, vector<16xf32>,
      %gt3A = arith.cmpf ogt, %get3A_126, %scan3A_99 : vector<16xf32>
      %select_n3A = arith.select %gt3A, %get3A_126, %scan3A_99 : vector<16xi1>, vector<16xf32>
      %select_n3A_127 = arith.select %gt3A, %broadcast_in_dim3A_124, %scan3A_107 : vector<16xi1>, vector<16xi32>
      %exp3A = math.exp %get3A_126 : vector<16xf32>
      %add3A_128 = arith.addf %scan3A_115, %exp3A : vector<16xf32>
      %get3A_129 = arith.index_cast %scan3A_98 : i32 to index
      %get3A_130 = arith.constant 16 : index
      %get3A_131 = tpu.vector_load %arg8[%get3A_129, %get3A_130] {strides = array<i32>} : memref<208x128xf32, #tpu.memory_space<vmem>>, vector<16xf32>,
      %gt3A_132 = arith.cmpf ogt, %get3A_131, %scan3A_100 : vector<16xf32>
      %select_n3A_133 = arith.select %gt3A_132, %get3A_131, %scan3A_100 : vector<16xi1>, vector<16xf32>
      %select_n3A_134 = arith.select %gt3A_132, %broadcast_in_dim3A_124, %scan3A_108 : vector<16xi1>, vector<16xi32>
      %exp3A_135 = math.exp %get3A_131 : vector<16xf32>
      %add3A_136 = arith.addf %scan3A_116, %exp3A_135 : vector<16xf32>
      %get3A_137 = arith.index_cast %scan3A_98 : i32 to index
      %get3A_138 = arith.constant 32 : index
      %get3A_139 = tpu.vector_load %arg8[%get3A_137, %get3A_138] {strides = array<i32>} : memref<208x128xf32, #tpu.memory_space<vmem>>, vector<16xf32>,
      %gt3A_140 = arith.cmpf ogt, %get3A_139, %scan3A_101 : vector<16xf32>
      %select_n3A_141 = arith.select %gt3A_140, %get3A_139, %scan3A_101 : vector<16xi1>, vector<16xf32>
      %select_n3A_142 = arith.select %gt3A_140, %broadcast_in_dim3A_124, %scan3A_109 : vector<16xi1>, vector<16xi32>
      %exp3A_143 = math.exp %get3A_139 : vector<16xf32>
      %add3A_144 = arith.addf %scan3A_117, %exp3A_143 : vector<16xf32>
      %get3A_145 = arith.index_cast %scan3A_98 : i32 to index
      %get3A_146 = arith.constant 48 : index
      %get3A_147 = tpu.vector_load %arg8[%get3A_145, %get3A_146] {strides = array<i32>} : memref<208x128xf32, #tpu.memory_space<vmem>>, vector<16xf32>,
      %gt3A_148 = arith.cmpf ogt, %get3A_147, %scan3A_102 : vector<16xf32>
      %select_n3A_149 = arith.select %gt3A_148, %get3A_147, %scan3A_102 : vector<16xi1>, vector<16xf32>
      %select_n3A_150 = arith.select %gt3A_148, %broadcast_in_dim3A_124, %scan3A_110 : vector<16xi1>, vector<16xi32>
      %exp3A_151 = math.exp %get3A_147 : vector<16xf32>
      %add3A_152 = arith.addf %scan3A_118, %exp3A_151 : vector<16xf32>
      %get3A_153 = arith.index_cast %scan3A_98 : i32 to index
      %get3A_154 = arith.constant 64 : index
      %get3A_155 = tpu.vector_load %arg8[%get3A_153, %get3A_154] {strides = array<i32>} : memref<208x128xf32, #tpu.memory_space<vmem>>, vector<16xf32>,
      %gt3A_156 = arith.cmpf ogt, %get3A_155, %scan3A_103 : vector<16xf32>
      %select_n3A_157 = arith.select %gt3A_156, %get3A_155, %scan3A_103 : vector<16xi1>, vector<16xf32>
      %select_n3A_158 = arith.select %gt3A_156, %broadcast_in_dim3A_124, %scan3A_111 : vector<16xi1>, vector<16xi32>
      %exp3A_159 = math.exp %get3A_155 : vector<16xf32>
      %add3A_160 = arith.addf %scan3A_119, %exp3A_159 : vector<16xf32>
      %get3A_161 = arith.index_cast %scan3A_98 : i32 to index
      %get3A_162 = arith.constant 80 : index
      %get3A_163 = tpu.vector_load %arg8[%get3A_161, %get3A_162] {strides = array<i32>} : memref<208x128xf32, #tpu.memory_space<vmem>>, vector<16xf32>,
      %gt3A_164 = arith.cmpf ogt, %get3A_163, %scan3A_104 : vector<16xf32>
      %select_n3A_165 = arith.select %gt3A_164, %get3A_163, %scan3A_104 : vector<16xi1>, vector<16xf32>
      %select_n3A_166 = arith.select %gt3A_164, %broadcast_in_dim3A_124, %scan3A_112 : vector<16xi1>, vector<16xi32>
      %exp3A_167 = math.exp %get3A_163 : vector<16xf32>
      %add3A_168 = arith.addf %scan3A_120, %exp3A_167 : vector<16xf32>
      %get3A_169 = arith.index_cast %scan3A_98 : i32 to index
      %get3A_170 = arith.constant 96 : index
      %get3A_171 = tpu.vector_load %arg8[%get3A_169, %get3A_170] {strides = array<i32>} : memref<208x128xf32, #tpu.memory_space<vmem>>, vector<16xf32>,
      %gt3A_172 = arith.cmpf ogt, %get3A_171, %scan3A_105 : vector<16xf32>
      %select_n3A_173 = arith.select %gt3A_172, %get3A_171, %scan3A_105 : vector<16xi1>, vector<16xf32>
      %select_n3A_174 = arith.select %gt3A_172, %broadcast_in_dim3A_124, %scan3A_113 : vector<16xi1>, vector<16xi32>
      %exp3A_175 = math.exp %get3A_171 : vector<16xf32>
      %add3A_176 = arith.addf %scan3A_121, %exp3A_175 : vector<16xf32>
      %get3A_177 = arith.index_cast %scan3A_98 : i32 to index
      %get3A_178 = arith.constant 112 : index
      %get3A_179 = tpu.vector_load %arg8[%get3A_177, %get3A_178] {strides = array<i32>} : memref<208x128xf32, #tpu.memory_space<vmem>>, vector<16xf32>,
      %gt3A_180 = arith.cmpf ogt, %get3A_179, %scan3A_106 : vector<16xf32>
      %select_n3A_181 = arith.select %gt3A_180, %get3A_179, %scan3A_106 : vector<16xi1>, vector<16xf32>
      %select_n3A_182 = arith.select %gt3A_180, %broadcast_in_dim3A_124, %scan3A_114 : vector<16xi1>, vector<16xi32>
      %exp3A_183 = math.exp %get3A_179 : vector<16xf32>
      %add3A_184 = arith.addf %scan3A_122, %exp3A_183 : vector<16xf32>
      scf.yield %select_n3A, %select_n3A_133, %select_n3A_141, %select_n3A_149, %select_n3A_157, %select_n3A_165, %select_n3A_173, %select_n3A_181, %select_n3A_127, %select_n3A_134, %select_n3A_142, %select_n3A_150, %select_n3A_158, %select_n3A_166, %select_n3A_174, %select_n3A_182, %add3A_128, %add3A_136, %add3A_144, %add3A_152, %add3A_160, %add3A_168, %add3A_176, %add3A_184 : vector<16xf32>, vector<16xf32>, vector<16xf32>, vector<16xf32>, vector<16xf32>, vector<16xf32>, vector<16xf32>, vector<16xf32>, vector<16xi32>, vector<16xi32>, vector<16xi32>, vector<16xi32>, vector<16xi32>, vector<16xi32>, vector<16xi32>, vector<16xi32>, vector<16xf32>, vector<16xf32>, vector<16xf32>, vector<16xf32>, vector<16xf32>, vector<16xf32>, vector<16xf32>, vector<16xf32>
    }
    %scan3A_83 = arith.constant 208 : i32
    %lt3A = arith.constant 20 : i32
    %lt3A_84 = arith.cmpi slt, %add3A, %lt3A : i32
    %convert_element_type3A = arith.extui %lt3A_84 : i1 to i32
    %cond3A = arith.constant 0 : i32
    %cond3A_85 = arith.cmpi ne, %convert_element_type3A, %cond3A : i32
    scf.if %cond3A_85 {
      %add3A_98 = arith.constant 12480 : i32
      %add3A_99 = arith.addi %add3A_98, %add3A : i32
      %mul3A_100 = arith.constant 8 : i32
      %mul3A_101 = arith.muli %add3A_99, %mul3A_100 : i32
      %multiple_of3A_102 = tpu.assume_multiple %mul3A_101, 8 : i32
      "tpu.region"() ({
        %run_scoped3A = tpu.sem_alloc : memref<!tpu.dma_semaphore, #tpu.memory_space<semaphore_mem>>
        %dma_start3A_778 = arith.constant 0 : i32
        %dma_start3A_779 = arith.constant 0 : i32
        %dma_start3A_780 = tpu.memref_slice %arg8[%dma_start3A_778, %dma_start3A_779] : memref<208x128xf32, #tpu.memory_space<vmem>> -> memref<8x128xf32, #tpu.memory_space<vmem>>
        %dma_start3A_781 = arith.constant 0 : i32
        %dma_start3A_782 = tpu.memref_slice %arg2[%multiple_of3A_102, %dma_start3A_781] : memref<100000x128xf32, #tpu.memory_space<hbm>> -> memref<8x128xf32, #tpu.memory_space<hbm>>
        %dma_start3A_783 = arith.constant 0 : i32
        %dma_start3A_784 = arith.constant 0 : i32
        %dma_start3A_785 = tpu.memref_slice %arg8[%dma_start3A_783, %dma_start3A_784] : memref<208x128xf32, #tpu.memory_space<vmem>> -> memref<8x128xf32, #tpu.memory_space<vmem>>
        %dma_start3A_786 = arith.constant 0 : i32
        %dma_start3A_787 = tpu.memref_slice %arg2[%multiple_of3A_102, %dma_start3A_786] : memref<100000x128xf32, #tpu.memory_space<hbm>> -> memref<8x128xf32, #tpu.memory_space<hbm>>
        tpu.enqueue_dma source(%dma_start3A_787 : memref<8x128xf32, #tpu.memory_space<hbm>>) target(%dma_start3A_785 : memref<8x128xf32, #tpu.memory_space<vmem>>) target_semaphore(%run_scoped3A : memref<!tpu.dma_semaphore, #tpu.memory_space<semaphore_mem>>)
        %dma_wait3A_788 = arith.constant 0 : i32
        %dma_wait3A_789 = arith.constant 0 : i32
        %dma_wait3A_790 = tpu.memref_slice %arg8[%dma_wait3A_788, %dma_wait3A_789] : memref<208x128xf32, #tpu.memory_space<vmem>> -> memref<8x128xf32, #tpu.memory_space<vmem>>
        %dma_wait3A_791 = arith.constant 0 : i32
        %dma_wait3A_792 = tpu.memref_slice %arg2[%multiple_of3A_102, %dma_wait3A_791] : memref<100000x128xf32, #tpu.memory_space<hbm>> -> memref<8x128xf32, #tpu.memory_space<hbm>>
        %dma_wait3A_793 = arith.constant 0 : i32
        %dma_wait3A_794 = arith.constant 0 : i32
        %dma_wait3A_795 = tpu.memref_slice %arg8[%dma_wait3A_793, %dma_wait3A_794] : memref<208x128xf32, #tpu.memory_space<vmem>> -> memref<8x128xf32, #tpu.memory_space<vmem>>
        %dma_wait3A_796 = arith.constant 0 : i32
        %dma_wait3A_797 = tpu.memref_slice %arg2[%multiple_of3A_102, %dma_wait3A_796] : memref<100000x128xf32, #tpu.memory_space<hbm>> -> memref<8x128xf32, #tpu.memory_space<hbm>>
        tpu.wait_dma2 semaphore(%run_scoped3A : memref<!tpu.dma_semaphore, #tpu.memory_space<semaphore_mem>>) src(%dma_wait3A_797 : memref<8x128xf32, #tpu.memory_space<hbm>>) dst(%dma_wait3A_795 : memref<8x128xf32, #tpu.memory_space<vmem>>)
        tpu.yield
      }) : () -> ()
      %mul3A_103 = arith.constant 8 : i32
      %mul3A_104 = arith.muli %add3A, %mul3A_103 : i32
      %add3A_105 = arith.constant 99840 : i32
      %add3A_106 = arith.addi %add3A_105, %mul3A_104 : i32
      %add3A_107 = arith.constant 0 : i32
      %add3A_108 = arith.addi %add3A_106, %add3A_107 : i32
      %broadcast_in_dim3A_109 = vector.broadcast %add3A_108 : i32 to vector<16xi32>
      %get3A = arith.constant 0 : i32
      %get3A_110 = arith.index_cast %get3A : i32 to index
      %get3A_111 = arith.constant 0 : index
      %get3A_112 = tpu.vector_load %arg8[%get3A_110, %get3A_111] {strides = array<i32>} : memref<208x128xf32, #tpu.memory_space<vmem>>, vector<16xf32>,
      %gt3A = arith.cmpf ogt, %get3A_112, %scan3A_82#0 : vector<16xf32>
      %select_n3A = arith.select %gt3A, %get3A_112, %scan3A_82#0 : vector<16xi1>, vector<16xf32>
      %select_n3A_113 = arith.select %gt3A, %broadcast_in_dim3A_109, %scan3A_82#8 : vector<16xi1>, vector<16xi32>
      %exp3A = math.exp %get3A_112 : vector<16xf32>
      %add3A_114 = arith.addf %scan3A_82#16, %exp3A : vector<16xf32>
      %get3A_115 = arith.constant 0 : i32
      %get3A_116 = arith.index_cast %get3A_115 : i32 to index
      %get3A_117 = arith.constant 16 : index
      %get3A_118 = tpu.vector_load %arg8[%get3A_116, %get3A_117] {strides = array<i32>} : memref<208x128xf32, #tpu.memory_space<vmem>>, vector<16xf32>,
      %gt3A_119 = arith.cmpf ogt, %get3A_118, %scan3A_82#1 : vector<16xf32>
      %select_n3A_120 = arith.select %gt3A_119, %get3A_118, %scan3A_82#1 : vector<16xi1>, vector<16xf32>
      %select_n3A_121 = arith.select %gt3A_119, %broadcast_in_dim3A_109, %scan3A_82#9 : vector<16xi1>, vector<16xi32>
      %exp3A_122 = math.exp %get3A_118 : vector<16xf32>
      %add3A_123 = arith.addf %scan3A_82#17, %exp3A_122 : vector<16xf32>
      %get3A_124 = arith.constant 0 : i32
      %get3A_125 = arith.index_cast %get3A_124 : i32 to index
      %get3A_126 = arith.constant 32 : index
      %get3A_127 = tpu.vector_load %arg8[%get3A_125, %get3A_126] {strides = array<i32>} : memref<208x128xf32, #tpu.memory_space<vmem>>, vector<16xf32>,
      %gt3A_128 = arith.cmpf ogt, %get3A_127, %scan3A_82#2 : vector<16xf32>
      %select_n3A_129 = arith.select %gt3A_128, %get3A_127, %scan3A_82#2 : vector<16xi1>, vector<16xf32>
      %select_n3A_130 = arith.select %gt3A_128, %broadcast_in_dim3A_109, %scan3A_82#10 : vector<16xi1>, vector<16xi32>
      %exp3A_131 = math.exp %get3A_127 : vector<16xf32>
      %add3A_132 = arith.addf %scan3A_82#18, %exp3A_131 : vector<16xf32>
      %get3A_133 = arith.constant 0 : i32
      %get3A_134 = arith.index_cast %get3A_133 : i32 to index
      %get3A_135 = arith.constant 48 : index
      %get3A_136 = tpu.vector_load %arg8[%get3A_134, %get3A_135] {strides = array<i32>} : memref<208x128xf32, #tpu.memory_space<vmem>>, vector<16xf32>,
      %gt3A_137 = arith.cmpf ogt, %get3A_136, %scan3A_82#3 : vector<16xf32>
      %select_n3A_138 = arith.select %gt3A_137, %get3A_136, %scan3A_82#3 : vector<16xi1>, vector<16xf32>
      %select_n3A_139 = arith.select %gt3A_137, %broadcast_in_dim3A_109, %scan3A_82#11 : vector<16xi1>, vector<16xi32>
      %exp3A_140 = math.exp %get3A_136 : vector<16xf32>
      %add3A_141 = arith.addf %scan3A_82#19, %exp3A_140 : vector<16xf32>
      %get3A_142 = arith.constant 0 : i32
      %get3A_143 = arith.index_cast %get3A_142 : i32 to index
      %get3A_144 = arith.constant 64 : index
      %get3A_145 = tpu.vector_load %arg8[%get3A_143, %get3A_144] {strides = array<i32>} : memref<208x128xf32, #tpu.memory_space<vmem>>, vector<16xf32>,
      %gt3A_146 = arith.cmpf ogt, %get3A_145, %scan3A_82#4 : vector<16xf32>
      %select_n3A_147 = arith.select %gt3A_146, %get3A_145, %scan3A_82#4 : vector<16xi1>, vector<16xf32>
      %select_n3A_148 = arith.select %gt3A_146, %broadcast_in_dim3A_109, %scan3A_82#12 : vector<16xi1>, vector<16xi32>
      %exp3A_149 = math.exp %get3A_145 : vector<16xf32>
      %add3A_150 = arith.addf %scan3A_82#20, %exp3A_149 : vector<16xf32>
      %get3A_151 = arith.constant 0 : i32
      %get3A_152 = arith.index_cast %get3A_151 : i32 to index
      %get3A_153 = arith.constant 80 : index
      %get3A_154 = tpu.vector_load %arg8[%get3A_152, %get3A_153] {strides = array<i32>} : memref<208x128xf32, #tpu.memory_space<vmem>>, vector<16xf32>,
      %gt3A_155 = arith.cmpf ogt, %get3A_154, %scan3A_82#5 : vector<16xf32>
      %select_n3A_156 = arith.select %gt3A_155, %get3A_154, %scan3A_82#5 : vector<16xi1>, vector<16xf32>
      %select_n3A_157 = arith.select %gt3A_155, %broadcast_in_dim3A_109, %scan3A_82#13 : vector<16xi1>, vector<16xi32>
      %exp3A_158 = math.exp %get3A_154 : vector<16xf32>
      %add3A_159 = arith.addf %scan3A_82#21, %exp3A_158 : vector<16xf32>
      %get3A_160 = arith.constant 0 : i32
      %get3A_161 = arith.index_cast %get3A_160 : i32 to index
      %get3A_162 = arith.constant 96 : index
      %get3A_163 = tpu.vector_load %arg8[%get3A_161, %get3A_162] {strides = array<i32>} : memref<208x128xf32, #tpu.memory_space<vmem>>, vector<16xf32>,
      %gt3A_164 = arith.cmpf ogt, %get3A_163, %scan3A_82#6 : vector<16xf32>
      %select_n3A_165 = arith.select %gt3A_164, %get3A_163, %scan3A_82#6 : vector<16xi1>, vector<16xf32>
      %select_n3A_166 = arith.select %gt3A_164, %broadcast_in_dim3A_109, %scan3A_82#14 : vector<16xi1>, vector<16xi32>
      %exp3A_167 = math.exp %get3A_163 : vector<16xf32>
      %add3A_168 = arith.addf %scan3A_82#22, %exp3A_167 : vector<16xf32>
      %get3A_169 = arith.constant 0 : i32
      %get3A_170 = arith.index_cast %get3A_169 : i32 to index
      %get3A_171 = arith.constant 112 : index
      %get3A_172 = tpu.vector_load %arg8[%get3A_170, %get3A_171] {strides = array<i32>} : memref<208x128xf32, #tpu.memory_space<vmem>>, vector<16xf32>,
      %gt3A_173 = arith.cmpf ogt, %get3A_172, %scan3A_82#7 : vector<16xf32>
      %select_n3A_174 = arith.select %gt3A_173, %get3A_172, %scan3A_82#7 : vector<16xi1>, vector<16xf32>
      %select_n3A_175 = arith.select %gt3A_173, %broadcast_in_dim3A_109, %scan3A_82#15 : vector<16xi1>, vector<16xi32>
      %exp3A_176 = math.exp %get3A_172 : vector<16xf32>
      %add3A_177 = arith.addf %scan3A_82#23, %exp3A_176 : vector<16xf32>
      %mul3A_178 = arith.constant 8 : i32
      %mul3A_179 = arith.muli %add3A, %mul3A_178 : i32
      %add3A_180 = arith.constant 99840 : i32
      %add3A_181 = arith.addi %add3A_180, %mul3A_179 : i32
      %add3A_182 = arith.constant 1 : i32
      %add3A_183 = arith.addi %add3A_181, %add3A_182 : i32
      %broadcast_in_dim3A_184 = vector.broadcast %add3A_183 : i32 to vector<16xi32>
      %get3A_185 = arith.constant 1 : i32
      %get3A_186 = arith.index_cast %get3A_185 : i32 to index
      %get3A_187 = arith.constant 0 : index
      %get3A_188 = tpu.vector_load %arg8[%get3A_186, %get3A_187] {strides = array<i32>} : memref<208x128xf32, #tpu.memory_space<vmem>>, vector<16xf32>,
      %gt3A_189 = arith.cmpf ogt, %get3A_188, %select_n3A : vector<16xf32>
      %select_n3A_190 = arith.select %gt3A_189, %get3A_188, %select_n3A : vector<16xi1>, vector<16xf32>
      %select_n3A_191 = arith.select %gt3A_189, %broadcast_in_dim3A_184, %select_n3A_113 : vector<16xi1>, vector<16xi32>
      %exp3A_192 = math.exp %get3A_188 : vector<16xf32>
      %add3A_193 = arith.addf %add3A_114, %exp3A_192 : vector<16xf32>
      %get3A_194 = arith.constant 1 : i32
      %get3A_195 = arith.index_cast %get3A_194 : i32 to index
      %get3A_196 = arith.constant 16 : index
      %get3A_197 = tpu.vector_load %arg8[%get3A_195, %get3A_196] {strides = array<i32>} : memref<208x128xf32, #tpu.memory_space<vmem>>, vector<16xf32>,
      %gt3A_198 = arith.cmpf ogt, %get3A_197, %select_n3A_120 : vector<16xf32>
      %select_n3A_199 = arith.select %gt3A_198, %get3A_197, %select_n3A_120 : vector<16xi1>, vector<16xf32>
      %select_n3A_200 = arith.select %gt3A_198, %broadcast_in_dim3A_184, %select_n3A_121 : vector<16xi1>, vector<16xi32>
      %exp3A_201 = math.exp %get3A_197 : vector<16xf32>
      %add3A_202 = arith.addf %add3A_123, %exp3A_201 : vector<16xf32>
      %get3A_203 = arith.constant 1 : i32
      %get3A_204 = arith.index_cast %get3A_203 : i32 to index
      %get3A_205 = arith.constant 32 : index
      %get3A_206 = tpu.vector_load %arg8[%get3A_204, %get3A_205] {strides = array<i32>} : memref<208x128xf32, #tpu.memory_space<vmem>>, vector<16xf32>,
      %gt3A_207 = arith.cmpf ogt, %get3A_206, %select_n3A_129 : vector<16xf32>
      %select_n3A_208 = arith.select %gt3A_207, %get3A_206, %select_n3A_129 : vector<16xi1>, vector<16xf32>
      %select_n3A_209 = arith.select %gt3A_207, %broadcast_in_dim3A_184, %select_n3A_130 : vector<16xi1>, vector<16xi32>
      %exp3A_210 = math.exp %get3A_206 : vector<16xf32>
      %add3A_211 = arith.addf %add3A_132, %exp3A_210 : vector<16xf32>
      %get3A_212 = arith.constant 1 : i32
      %get3A_213 = arith.index_cast %get3A_212 : i32 to index
      %get3A_214 = arith.constant 48 : index
      %get3A_215 = tpu.vector_load %arg8[%get3A_213, %get3A_214] {strides = array<i32>} : memref<208x128xf32, #tpu.memory_space<vmem>>, vector<16xf32>,
      %gt3A_216 = arith.cmpf ogt, %get3A_215, %select_n3A_138 : vector<16xf32>
      %select_n3A_217 = arith.select %gt3A_216, %get3A_215, %select_n3A_138 : vector<16xi1>, vector<16xf32>
      %select_n3A_218 = arith.select %gt3A_216, %broadcast_in_dim3A_184, %select_n3A_139 : vector<16xi1>, vector<16xi32>
      %exp3A_219 = math.exp %get3A_215 : vector<16xf32>
      %add3A_220 = arith.addf %add3A_141, %exp3A_219 : vector<16xf32>
      %get3A_221 = arith.constant 1 : i32
      %get3A_222 = arith.index_cast %get3A_221 : i32 to index
      %get3A_223 = arith.constant 64 : index
      %get3A_224 = tpu.vector_load %arg8[%get3A_222, %get3A_223] {strides = array<i32>} : memref<208x128xf32, #tpu.memory_space<vmem>>, vector<16xf32>,
      %gt3A_225 = arith.cmpf ogt, %get3A_224, %select_n3A_147 : vector<16xf32>
      %select_n3A_226 = arith.select %gt3A_225, %get3A_224, %select_n3A_147 : vector<16xi1>, vector<16xf32>
      %select_n3A_227 = arith.select %gt3A_225, %broadcast_in_dim3A_184, %select_n3A_148 : vector<16xi1>, vector<16xi32>
      %exp3A_228 = math.exp %get3A_224 : vector<16xf32>
      %add3A_229 = arith.addf %add3A_150, %exp3A_228 : vector<16xf32>
      %get3A_230 = arith.constant 1 : i32
      %get3A_231 = arith.index_cast %get3A_230 : i32 to index
      %get3A_232 = arith.constant 80 : index
      %get3A_233 = tpu.vector_load %arg8[%get3A_231, %get3A_232] {strides = array<i32>} : memref<208x128xf32, #tpu.memory_space<vmem>>, vector<16xf32>,
      %gt3A_234 = arith.cmpf ogt, %get3A_233, %select_n3A_156 : vector<16xf32>
      %select_n3A_235 = arith.select %gt3A_234, %get3A_233, %select_n3A_156 : vector<16xi1>, vector<16xf32>
      %select_n3A_236 = arith.select %gt3A_234, %broadcast_in_dim3A_184, %select_n3A_157 : vector<16xi1>, vector<16xi32>
      %exp3A_237 = math.exp %get3A_233 : vector<16xf32>
      %add3A_238 = arith.addf %add3A_159, %exp3A_237 : vector<16xf32>
      %get3A_239 = arith.constant 1 : i32
      %get3A_240 = arith.index_cast %get3A_239 : i32 to index
      %get3A_241 = arith.constant 96 : index
      %get3A_242 = tpu.vector_load %arg8[%get3A_240, %get3A_241] {strides = array<i32>} : memref<208x128xf32, #tpu.memory_space<vmem>>, vector<16xf32>,
      %gt3A_243 = arith.cmpf ogt, %get3A_242, %select_n3A_165 : vector<16xf32>
      %select_n3A_244 = arith.select %gt3A_243, %get3A_242, %select_n3A_165 : vector<16xi1>, vector<16xf32>
      %select_n3A_245 = arith.select %gt3A_243, %broadcast_in_dim3A_184, %select_n3A_166 : vector<16xi1>, vector<16xi32>
      %exp3A_246 = math.exp %get3A_242 : vector<16xf32>
      %add3A_247 = arith.addf %add3A_168, %exp3A_246 : vector<16xf32>
      %get3A_248 = arith.constant 1 : i32
      %get3A_249 = arith.index_cast %get3A_248 : i32 to index
      %get3A_250 = arith.constant 112 : index
      %get3A_251 = tpu.vector_load %arg8[%get3A_249, %get3A_250] {strides = array<i32>} : memref<208x128xf32, #tpu.memory_space<vmem>>, vector<16xf32>,
      %gt3A_252 = arith.cmpf ogt, %get3A_251, %select_n3A_174 : vector<16xf32>
      %select_n3A_253 = arith.select %gt3A_252, %get3A_251, %select_n3A_174 : vector<16xi1>, vector<16xf32>
      %select_n3A_254 = arith.select %gt3A_252, %broadcast_in_dim3A_184, %select_n3A_175 : vector<16xi1>, vector<16xi32>
      %exp3A_255 = math.exp %get3A_251 : vector<16xf32>
      %add3A_256 = arith.addf %add3A_177, %exp3A_255 : vector<16xf32>
      %mul3A_257 = arith.constant 8 : i32
      %mul3A_258 = arith.muli %add3A, %mul3A_257 : i32
      %add3A_259 = arith.constant 99840 : i32
      %add3A_260 = arith.addi %add3A_259, %mul3A_258 : i32
      %add3A_261 = arith.constant 2 : i32
      %add3A_262 = arith.addi %add3A_260, %add3A_261 : i32
      %broadcast_in_dim3A_263 = vector.broadcast %add3A_262 : i32 to vector<16xi32>
      %get3A_264 = arith.constant 2 : i32
      %get3A_265 = arith.index_cast %get3A_264 : i32 to index
      %get3A_266 = arith.constant 0 : index
      %get3A_267 = tpu.vector_load %arg8[%get3A_265, %get3A_266] {strides = array<i32>} : memref<208x128xf32, #tpu.memory_space<vmem>>, vector<16xf32>,
      %gt3A_268 = arith.cmpf ogt, %get3A_267, %select_n3A_190 : vector<16xf32>
      %select_n3A_269 = arith.select %gt3A_268, %get3A_267, %select_n3A_190 : vector<16xi1>, vector<16xf32>
      %select_n3A_270 = arith.select %gt3A_268, %broadcast_in_dim3A_263, %select_n3A_191 : vector<16xi1>, vector<16xi32>
      %exp3A_271 = math.exp %get3A_267 : vector<16xf32>
      %add3A_272 = arith.addf %add3A_193, %exp3A_271 : vector<16xf32>
      %get3A_273 = arith.constant 2 : i32
      %get3A_274 = arith.index_cast %get3A_273 : i32 to index
      %get3A_275 = arith.constant 16 : index
      %get3A_276 = tpu.vector_load %arg8[%get3A_274, %get3A_275] {strides = array<i32>} : memref<208x128xf32, #tpu.memory_space<vmem>>, vector<16xf32>,
      %gt3A_277 = arith.cmpf ogt, %get3A_276, %select_n3A_199 : vector<16xf32>
      %select_n3A_278 = arith.select %gt3A_277, %get3A_276, %select_n3A_199 : vector<16xi1>, vector<16xf32>
      %select_n3A_279 = arith.select %gt3A_277, %broadcast_in_dim3A_263, %select_n3A_200 : vector<16xi1>, vector<16xi32>
      %exp3A_280 = math.exp %get3A_276 : vector<16xf32>
      %add3A_281 = arith.addf %add3A_202, %exp3A_280 : vector<16xf32>
      %get3A_282 = arith.constant 2 : i32
      %get3A_283 = arith.index_cast %get3A_282 : i32 to index
      %get3A_284 = arith.constant 32 : index
      %get3A_285 = tpu.vector_load %arg8[%get3A_283, %get3A_284] {strides = array<i32>} : memref<208x128xf32, #tpu.memory_space<vmem>>, vector<16xf32>,
      %gt3A_286 = arith.cmpf ogt, %get3A_285, %select_n3A_208 : vector<16xf32>
      %select_n3A_287 = arith.select %gt3A_286, %get3A_285, %select_n3A_208 : vector<16xi1>, vector<16xf32>
      %select_n3A_288 = arith.select %gt3A_286, %broadcast_in_dim3A_263, %select_n3A_209 : vector<16xi1>, vector<16xi32>
      %exp3A_289 = math.exp %get3A_285 : vector<16xf32>
      %add3A_290 = arith.addf %add3A_211, %exp3A_289 : vector<16xf32>
      %get3A_291 = arith.constant 2 : i32
      %get3A_292 = arith.index_cast %get3A_291 : i32 to index
      %get3A_293 = arith.constant 48 : index
      %get3A_294 = tpu.vector_load %arg8[%get3A_292, %get3A_293] {strides = array<i32>} : memref<208x128xf32, #tpu.memory_space<vmem>>, vector<16xf32>,
      %gt3A_295 = arith.cmpf ogt, %get3A_294, %select_n3A_217 : vector<16xf32>
      %select_n3A_296 = arith.select %gt3A_295, %get3A_294, %select_n3A_217 : vector<16xi1>, vector<16xf32>
      %select_n3A_297 = arith.select %gt3A_295, %broadcast_in_dim3A_263, %select_n3A_218 : vector<16xi1>, vector<16xi32>
      %exp3A_298 = math.exp %get3A_294 : vector<16xf32>
      %add3A_299 = arith.addf %add3A_220, %exp3A_298 : vector<16xf32>
      %get3A_300 = arith.constant 2 : i32
      %get3A_301 = arith.index_cast %get3A_300 : i32 to index
      %get3A_302 = arith.constant 64 : index
      %get3A_303 = tpu.vector_load %arg8[%get3A_301, %get3A_302] {strides = array<i32>} : memref<208x128xf32, #tpu.memory_space<vmem>>, vector<16xf32>,
      %gt3A_304 = arith.cmpf ogt, %get3A_303, %select_n3A_226 : vector<16xf32>
      %select_n3A_305 = arith.select %gt3A_304, %get3A_303, %select_n3A_226 : vector<16xi1>, vector<16xf32>
      %select_n3A_306 = arith.select %gt3A_304, %broadcast_in_dim3A_263, %select_n3A_227 : vector<16xi1>, vector<16xi32>
      %exp3A_307 = math.exp %get3A_303 : vector<16xf32>
      %add3A_308 = arith.addf %add3A_229, %exp3A_307 : vector<16xf32>
      %get3A_309 = arith.constant 2 : i32
      %get3A_310 = arith.index_cast %get3A_309 : i32 to index
      %get3A_311 = arith.constant 80 : index
      %get3A_312 = tpu.vector_load %arg8[%get3A_310, %get3A_311] {strides = array<i32>} : memref<208x128xf32, #tpu.memory_space<vmem>>, vector<16xf32>,
      %gt3A_313 = arith.cmpf ogt, %get3A_312, %select_n3A_235 : vector<16xf32>
      %select_n3A_314 = arith.select %gt3A_313, %get3A_312, %select_n3A_235 : vector<16xi1>, vector<16xf32>
      %select_n3A_315 = arith.select %gt3A_313, %broadcast_in_dim3A_263, %select_n3A_236 : vector<16xi1>, vector<16xi32>
      %exp3A_316 = math.exp %get3A_312 : vector<16xf32>
      %add3A_317 = arith.addf %add3A_238, %exp3A_316 : vector<16xf32>
      %get3A_318 = arith.constant 2 : i32
      %get3A_319 = arith.index_cast %get3A_318 : i32 to index
      %get3A_320 = arith.constant 96 : index
      %get3A_321 = tpu.vector_load %arg8[%get3A_319, %get3A_320] {strides = array<i32>} : memref<208x128xf32, #tpu.memory_space<vmem>>, vector<16xf32>,
      %gt3A_322 = arith.cmpf ogt, %get3A_321, %select_n3A_244 : vector<16xf32>
      %select_n3A_323 = arith.select %gt3A_322, %get3A_321, %select_n3A_244 : vector<16xi1>, vector<16xf32>
      %select_n3A_324 = arith.select %gt3A_322, %broadcast_in_dim3A_263, %select_n3A_245 : vector<16xi1>, vector<16xi32>
      %exp3A_325 = math.exp %get3A_321 : vector<16xf32>
      %add3A_326 = arith.addf %add3A_247, %exp3A_325 : vector<16xf32>
      %get3A_327 = arith.constant 2 : i32
      %get3A_328 = arith.index_cast %get3A_327 : i32 to index
      %get3A_329 = arith.constant 112 : index
      %get3A_330 = tpu.vector_load %arg8[%get3A_328, %get3A_329] {strides = array<i32>} : memref<208x128xf32, #tpu.memory_space<vmem>>, vector<16xf32>,
      %gt3A_331 = arith.cmpf ogt, %get3A_330, %select_n3A_253 : vector<16xf32>
      %select_n3A_332 = arith.select %gt3A_331, %get3A_330, %select_n3A_253 : vector<16xi1>, vector<16xf32>
      %select_n3A_333 = arith.select %gt3A_331, %broadcast_in_dim3A_263, %select_n3A_254 : vector<16xi1>, vector<16xi32>
      %exp3A_334 = math.exp %get3A_330 : vector<16xf32>
      %add3A_335 = arith.addf %add3A_256, %exp3A_334 : vector<16xf32>
      %mul3A_336 = arith.constant 8 : i32
      %mul3A_337 = arith.muli %add3A, %mul3A_336 : i32
      %add3A_338 = arith.constant 99840 : i32
      %add3A_339 = arith.addi %add3A_338, %mul3A_337 : i32
      %add3A_340 = arith.constant 3 : i32
      %add3A_341 = arith.addi %add3A_339, %add3A_340 : i32
      %broadcast_in_dim3A_342 = vector.broadcast %add3A_341 : i32 to vector<16xi32>
      %get3A_343 = arith.constant 3 : i32
      %get3A_344 = arith.index_cast %get3A_343 : i32 to index
      %get3A_345 = arith.constant 0 : index
      %get3A_346 = tpu.vector_load %arg8[%get3A_344, %get3A_345] {strides = array<i32>} : memref<208x128xf32, #tpu.memory_space<vmem>>, vector<16xf32>,
      %gt3A_347 = arith.cmpf ogt, %get3A_346, %select_n3A_269 : vector<16xf32>
      %select_n3A_348 = arith.select %gt3A_347, %get3A_346, %select_n3A_269 : vector<16xi1>, vector<16xf32>
      %select_n3A_349 = arith.select %gt3A_347, %broadcast_in_dim3A_342, %select_n3A_270 : vector<16xi1>, vector<16xi32>
      %exp3A_350 = math.exp %get3A_346 : vector<16xf32>
      %add3A_351 = arith.addf %add3A_272, %exp3A_350 : vector<16xf32>
      %get3A_352 = arith.constant 3 : i32
      %get3A_353 = arith.index_cast %get3A_352 : i32 to index
      %get3A_354 = arith.constant 16 : index
      %get3A_355 = tpu.vector_load %arg8[%get3A_353, %get3A_354] {strides = array<i32>} : memref<208x128xf32, #tpu.memory_space<vmem>>, vector<16xf32>,
      %gt3A_356 = arith.cmpf ogt, %get3A_355, %select_n3A_278 : vector<16xf32>
      %select_n3A_357 = arith.select %gt3A_356, %get3A_355, %select_n3A_278 : vector<16xi1>, vector<16xf32>
      %select_n3A_358 = arith.select %gt3A_356, %broadcast_in_dim3A_342, %select_n3A_279 : vector<16xi1>, vector<16xi32>
      %exp3A_359 = math.exp %get3A_355 : vector<16xf32>
      %add3A_360 = arith.addf %add3A_281, %exp3A_359 : vector<16xf32>
      %get3A_361 = arith.constant 3 : i32
      %get3A_362 = arith.index_cast %get3A_361 : i32 to index
      %get3A_363 = arith.constant 32 : index
      %get3A_364 = tpu.vector_load %arg8[%get3A_362, %get3A_363] {strides = array<i32>} : memref<208x128xf32, #tpu.memory_space<vmem>>, vector<16xf32>,
      %gt3A_365 = arith.cmpf ogt, %get3A_364, %select_n3A_287 : vector<16xf32>
      %select_n3A_366 = arith.select %gt3A_365, %get3A_364, %select_n3A_287 : vector<16xi1>, vector<16xf32>
      %select_n3A_367 = arith.select %gt3A_365, %broadcast_in_dim3A_342, %select_n3A_288 : vector<16xi1>, vector<16xi32>
      %exp3A_368 = math.exp %get3A_364 : vector<16xf32>
      %add3A_369 = arith.addf %add3A_290, %exp3A_368 : vector<16xf32>
      %get3A_370 = arith.constant 3 : i32
      %get3A_371 = arith.index_cast %get3A_370 : i32 to index
      %get3A_372 = arith.constant 48 : index
      %get3A_373 = tpu.vector_load %arg8[%get3A_371, %get3A_372] {strides = array<i32>} : memref<208x128xf32, #tpu.memory_space<vmem>>, vector<16xf32>,
      %gt3A_374 = arith.cmpf ogt, %get3A_373, %select_n3A_296 : vector<16xf32>
      %select_n3A_375 = arith.select %gt3A_374, %get3A_373, %select_n3A_296 : vector<16xi1>, vector<16xf32>
      %select_n3A_376 = arith.select %gt3A_374, %broadcast_in_dim3A_342, %select_n3A_297 : vector<16xi1>, vector<16xi32>
      %exp3A_377 = math.exp %get3A_373 : vector<16xf32>
      %add3A_378 = arith.addf %add3A_299, %exp3A_377 : vector<16xf32>
      %get3A_379 = arith.constant 3 : i32
      %get3A_380 = arith.index_cast %get3A_379 : i32 to index
      %get3A_381 = arith.constant 64 : index
      %get3A_382 = tpu.vector_load %arg8[%get3A_380, %get3A_381] {strides = array<i32>} : memref<208x128xf32, #tpu.memory_space<vmem>>, vector<16xf32>,
      %gt3A_383 = arith.cmpf ogt, %get3A_382, %select_n3A_305 : vector<16xf32>
      %select_n3A_384 = arith.select %gt3A_383, %get3A_382, %select_n3A_305 : vector<16xi1>, vector<16xf32>
      %select_n3A_385 = arith.select %gt3A_383, %broadcast_in_dim3A_342, %select_n3A_306 : vector<16xi1>, vector<16xi32>
      %exp3A_386 = math.exp %get3A_382 : vector<16xf32>
      %add3A_387 = arith.addf %add3A_308, %exp3A_386 : vector<16xf32>
      %get3A_388 = arith.constant 3 : i32
      %get3A_389 = arith.index_cast %get3A_388 : i32 to index
      %get3A_390 = arith.constant 80 : index
      %get3A_391 = tpu.vector_load %arg8[%get3A_389, %get3A_390] {strides = array<i32>} : memref<208x128xf32, #tpu.memory_space<vmem>>, vector<16xf32>,
      %gt3A_392 = arith.cmpf ogt, %get3A_391, %select_n3A_314 : vector<16xf32>
      %select_n3A_393 = arith.select %gt3A_392, %get3A_391, %select_n3A_314 : vector<16xi1>, vector<16xf32>
      %select_n3A_394 = arith.select %gt3A_392, %broadcast_in_dim3A_342, %select_n3A_315 : vector<16xi1>, vector<16xi32>
      %exp3A_395 = math.exp %get3A_391 : vector<16xf32>
      %add3A_396 = arith.addf %add3A_317, %exp3A_395 : vector<16xf32>
      %get3A_397 = arith.constant 3 : i32
      %get3A_398 = arith.index_cast %get3A_397 : i32 to index
      %get3A_399 = arith.constant 96 : index
      %get3A_400 = tpu.vector_load %arg8[%get3A_398, %get3A_399] {strides = array<i32>} : memref<208x128xf32, #tpu.memory_space<vmem>>, vector<16xf32>,
      %gt3A_401 = arith.cmpf ogt, %get3A_400, %select_n3A_323 : vector<16xf32>
      %select_n3A_402 = arith.select %gt3A_401, %get3A_400, %select_n3A_323 : vector<16xi1>, vector<16xf32>
      %select_n3A_403 = arith.select %gt3A_401, %broadcast_in_dim3A_342, %select_n3A_324 : vector<16xi1>, vector<16xi32>
      %exp3A_404 = math.exp %get3A_400 : vector<16xf32>
      %add3A_405 = arith.addf %add3A_326, %exp3A_404 : vector<16xf32>
      %get3A_406 = arith.constant 3 : i32
      %get3A_407 = arith.index_cast %get3A_406 : i32 to index
      %get3A_408 = arith.constant 112 : index
      %get3A_409 = tpu.vector_load %arg8[%get3A_407, %get3A_408] {strides = array<i32>} : memref<208x128xf32, #tpu.memory_space<vmem>>, vector<16xf32>,
      %gt3A_410 = arith.cmpf ogt, %get3A_409, %select_n3A_332 : vector<16xf32>
      %select_n3A_411 = arith.select %gt3A_410, %get3A_409, %select_n3A_332 : vector<16xi1>, vector<16xf32>
      %select_n3A_412 = arith.select %gt3A_410, %broadcast_in_dim3A_342, %select_n3A_333 : vector<16xi1>, vector<16xi32>
      %exp3A_413 = math.exp %get3A_409 : vector<16xf32>
      %add3A_414 = arith.addf %add3A_335, %exp3A_413 : vector<16xf32>
      %mul3A_415 = arith.constant 8 : i32
      %mul3A_416 = arith.muli %add3A, %mul3A_415 : i32
      %add3A_417 = arith.constant 99840 : i32
      %add3A_418 = arith.addi %add3A_417, %mul3A_416 : i32
      %add3A_419 = arith.constant 4 : i32
      %add3A_420 = arith.addi %add3A_418, %add3A_419 : i32
      %broadcast_in_dim3A_421 = vector.broadcast %add3A_420 : i32 to vector<16xi32>
      %get3A_422 = arith.constant 4 : i32
      %get3A_423 = arith.index_cast %get3A_422 : i32 to index
      %get3A_424 = arith.constant 0 : index
      %get3A_425 = tpu.vector_load %arg8[%get3A_423, %get3A_424] {strides = array<i32>} : memref<208x128xf32, #tpu.memory_space<vmem>>, vector<16xf32>,
      %gt3A_426 = arith.cmpf ogt, %get3A_425, %select_n3A_348 : vector<16xf32>
      %select_n3A_427 = arith.select %gt3A_426, %get3A_425, %select_n3A_348 : vector<16xi1>, vector<16xf32>
      %select_n3A_428 = arith.select %gt3A_426, %broadcast_in_dim3A_421, %select_n3A_349 : vector<16xi1>, vector<16xi32>
      %exp3A_429 = math.exp %get3A_425 : vector<16xf32>
      %add3A_430 = arith.addf %add3A_351, %exp3A_429 : vector<16xf32>
      %get3A_431 = arith.constant 4 : i32
      %get3A_432 = arith.index_cast %get3A_431 : i32 to index
      %get3A_433 = arith.constant 16 : index
      %get3A_434 = tpu.vector_load %arg8[%get3A_432, %get3A_433] {strides = array<i32>} : memref<208x128xf32, #tpu.memory_space<vmem>>, vector<16xf32>,
      %gt3A_435 = arith.cmpf ogt, %get3A_434, %select_n3A_357 : vector<16xf32>
      %select_n3A_436 = arith.select %gt3A_435, %get3A_434, %select_n3A_357 : vector<16xi1>, vector<16xf32>
      %select_n3A_437 = arith.select %gt3A_435, %broadcast_in_dim3A_421, %select_n3A_358 : vector<16xi1>, vector<16xi32>
      %exp3A_438 = math.exp %get3A_434 : vector<16xf32>
      %add3A_439 = arith.addf %add3A_360, %exp3A_438 : vector<16xf32>
      %get3A_440 = arith.constant 4 : i32
      %get3A_441 = arith.index_cast %get3A_440 : i32 to index
      %get3A_442 = arith.constant 32 : index
      %get3A_443 = tpu.vector_load %arg8[%get3A_441, %get3A_442] {strides = array<i32>} : memref<208x128xf32, #tpu.memory_space<vmem>>, vector<16xf32>,
      %gt3A_444 = arith.cmpf ogt, %get3A_443, %select_n3A_366 : vector<16xf32>
      %select_n3A_445 = arith.select %gt3A_444, %get3A_443, %select_n3A_366 : vector<16xi1>, vector<16xf32>
      %select_n3A_446 = arith.select %gt3A_444, %broadcast_in_dim3A_421, %select_n3A_367 : vector<16xi1>, vector<16xi32>
      %exp3A_447 = math.exp %get3A_443 : vector<16xf32>
      %add3A_448 = arith.addf %add3A_369, %exp3A_447 : vector<16xf32>
      %get3A_449 = arith.constant 4 : i32
      %get3A_450 = arith.index_cast %get3A_449 : i32 to index
      %get3A_451 = arith.constant 48 : index
      %get3A_452 = tpu.vector_load %arg8[%get3A_450, %get3A_451] {strides = array<i32>} : memref<208x128xf32, #tpu.memory_space<vmem>>, vector<16xf32>,
      %gt3A_453 = arith.cmpf ogt, %get3A_452, %select_n3A_375 : vector<16xf32>
      %select_n3A_454 = arith.select %gt3A_453, %get3A_452, %select_n3A_375 : vector<16xi1>, vector<16xf32>
      %select_n3A_455 = arith.select %gt3A_453, %broadcast_in_dim3A_421, %select_n3A_376 : vector<16xi1>, vector<16xi32>
      %exp3A_456 = math.exp %get3A_452 : vector<16xf32>
      %add3A_457 = arith.addf %add3A_378, %exp3A_456 : vector<16xf32>
      %get3A_458 = arith.constant 4 : i32
      %get3A_459 = arith.index_cast %get3A_458 : i32 to index
      %get3A_460 = arith.constant 64 : index
      %get3A_461 = tpu.vector_load %arg8[%get3A_459, %get3A_460] {strides = array<i32>} : memref<208x128xf32, #tpu.memory_space<vmem>>, vector<16xf32>,
      %gt3A_462 = arith.cmpf ogt, %get3A_461, %select_n3A_384 : vector<16xf32>
      %select_n3A_463 = arith.select %gt3A_462, %get3A_461, %select_n3A_384 : vector<16xi1>, vector<16xf32>
      %select_n3A_464 = arith.select %gt3A_462, %broadcast_in_dim3A_421, %select_n3A_385 : vector<16xi1>, vector<16xi32>
      %exp3A_465 = math.exp %get3A_461 : vector<16xf32>
      %add3A_466 = arith.addf %add3A_387, %exp3A_465 : vector<16xf32>
      %get3A_467 = arith.constant 4 : i32
      %get3A_468 = arith.index_cast %get3A_467 : i32 to index
      %get3A_469 = arith.constant 80 : index
      %get3A_470 = tpu.vector_load %arg8[%get3A_468, %get3A_469] {strides = array<i32>} : memref<208x128xf32, #tpu.memory_space<vmem>>, vector<16xf32>,
      %gt3A_471 = arith.cmpf ogt, %get3A_470, %select_n3A_393 : vector<16xf32>
      %select_n3A_472 = arith.select %gt3A_471, %get3A_470, %select_n3A_393 : vector<16xi1>, vector<16xf32>
      %select_n3A_473 = arith.select %gt3A_471, %broadcast_in_dim3A_421, %select_n3A_394 : vector<16xi1>, vector<16xi32>
      %exp3A_474 = math.exp %get3A_470 : vector<16xf32>
      %add3A_475 = arith.addf %add3A_396, %exp3A_474 : vector<16xf32>
      %get3A_476 = arith.constant 4 : i32
      %get3A_477 = arith.index_cast %get3A_476 : i32 to index
      %get3A_478 = arith.constant 96 : index
      %get3A_479 = tpu.vector_load %arg8[%get3A_477, %get3A_478] {strides = array<i32>} : memref<208x128xf32, #tpu.memory_space<vmem>>, vector<16xf32>,
      %gt3A_480 = arith.cmpf ogt, %get3A_479, %select_n3A_402 : vector<16xf32>
      %select_n3A_481 = arith.select %gt3A_480, %get3A_479, %select_n3A_402 : vector<16xi1>, vector<16xf32>
      %select_n3A_482 = arith.select %gt3A_480, %broadcast_in_dim3A_421, %select_n3A_403 : vector<16xi1>, vector<16xi32>
      %exp3A_483 = math.exp %get3A_479 : vector<16xf32>
      %add3A_484 = arith.addf %add3A_405, %exp3A_483 : vector<16xf32>
      %get3A_485 = arith.constant 4 : i32
      %get3A_486 = arith.index_cast %get3A_485 : i32 to index
      %get3A_487 = arith.constant 112 : index
      %get3A_488 = tpu.vector_load %arg8[%get3A_486, %get3A_487] {strides = array<i32>} : memref<208x128xf32, #tpu.memory_space<vmem>>, vector<16xf32>,
      %gt3A_489 = arith.cmpf ogt, %get3A_488, %select_n3A_411 : vector<16xf32>
      %select_n3A_490 = arith.select %gt3A_489, %get3A_488, %select_n3A_411 : vector<16xi1>, vector<16xf32>
      %select_n3A_491 = arith.select %gt3A_489, %broadcast_in_dim3A_421, %select_n3A_412 : vector<16xi1>, vector<16xi32>
      %exp3A_492 = math.exp %get3A_488 : vector<16xf32>
      %add3A_493 = arith.addf %add3A_414, %exp3A_492 : vector<16xf32>
      %mul3A_494 = arith.constant 8 : i32
      %mul3A_495 = arith.muli %add3A, %mul3A_494 : i32
      %add3A_496 = arith.constant 99840 : i32
      %add3A_497 = arith.addi %add3A_496, %mul3A_495 : i32
      %add3A_498 = arith.constant 5 : i32
      %add3A_499 = arith.addi %add3A_497, %add3A_498 : i32
      %broadcast_in_dim3A_500 = vector.broadcast %add3A_499 : i32 to vector<16xi32>
      %get3A_501 = arith.constant 5 : i32
      %get3A_502 = arith.index_cast %get3A_501 : i32 to index
      %get3A_503 = arith.constant 0 : index
      %get3A_504 = tpu.vector_load %arg8[%get3A_502, %get3A_503] {strides = array<i32>} : memref<208x128xf32, #tpu.memory_space<vmem>>, vector<16xf32>,
      %gt3A_505 = arith.cmpf ogt, %get3A_504, %select_n3A_427 : vector<16xf32>
      %select_n3A_506 = arith.select %gt3A_505, %get3A_504, %select_n3A_427 : vector<16xi1>, vector<16xf32>
      %select_n3A_507 = arith.select %gt3A_505, %broadcast_in_dim3A_500, %select_n3A_428 : vector<16xi1>, vector<16xi32>
      %exp3A_508 = math.exp %get3A_504 : vector<16xf32>
      %add3A_509 = arith.addf %add3A_430, %exp3A_508 : vector<16xf32>
      %get3A_510 = arith.constant 5 : i32
      %get3A_511 = arith.index_cast %get3A_510 : i32 to index
      %get3A_512 = arith.constant 16 : index
      %get3A_513 = tpu.vector_load %arg8[%get3A_511, %get3A_512] {strides = array<i32>} : memref<208x128xf32, #tpu.memory_space<vmem>>, vector<16xf32>,
      %gt3A_514 = arith.cmpf ogt, %get3A_513, %select_n3A_436 : vector<16xf32>
      %select_n3A_515 = arith.select %gt3A_514, %get3A_513, %select_n3A_436 : vector<16xi1>, vector<16xf32>
      %select_n3A_516 = arith.select %gt3A_514, %broadcast_in_dim3A_500, %select_n3A_437 : vector<16xi1>, vector<16xi32>
      %exp3A_517 = math.exp %get3A_513 : vector<16xf32>
      %add3A_518 = arith.addf %add3A_439, %exp3A_517 : vector<16xf32>
      %get3A_519 = arith.constant 5 : i32
      %get3A_520 = arith.index_cast %get3A_519 : i32 to index
      %get3A_521 = arith.constant 32 : index
      %get3A_522 = tpu.vector_load %arg8[%get3A_520, %get3A_521] {strides = array<i32>} : memref<208x128xf32, #tpu.memory_space<vmem>>, vector<16xf32>,
      %gt3A_523 = arith.cmpf ogt, %get3A_522, %select_n3A_445 : vector<16xf32>
      %select_n3A_524 = arith.select %gt3A_523, %get3A_522, %select_n3A_445 : vector<16xi1>, vector<16xf32>
      %select_n3A_525 = arith.select %gt3A_523, %broadcast_in_dim3A_500, %select_n3A_446 : vector<16xi1>, vector<16xi32>
      %exp3A_526 = math.exp %get3A_522 : vector<16xf32>
      %add3A_527 = arith.addf %add3A_448, %exp3A_526 : vector<16xf32>
      %get3A_528 = arith.constant 5 : i32
      %get3A_529 = arith.index_cast %get3A_528 : i32 to index
      %get3A_530 = arith.constant 48 : index
      %get3A_531 = tpu.vector_load %arg8[%get3A_529, %get3A_530] {strides = array<i32>} : memref<208x128xf32, #tpu.memory_space<vmem>>, vector<16xf32>,
      %gt3A_532 = arith.cmpf ogt, %get3A_531, %select_n3A_454 : vector<16xf32>
      %select_n3A_533 = arith.select %gt3A_532, %get3A_531, %select_n3A_454 : vector<16xi1>, vector<16xf32>
      %select_n3A_534 = arith.select %gt3A_532, %broadcast_in_dim3A_500, %select_n3A_455 : vector<16xi1>, vector<16xi32>
      %exp3A_535 = math.exp %get3A_531 : vector<16xf32>
      %add3A_536 = arith.addf %add3A_457, %exp3A_535 : vector<16xf32>
      %get3A_537 = arith.constant 5 : i32
      %get3A_538 = arith.index_cast %get3A_537 : i32 to index
      %get3A_539 = arith.constant 64 : index
      %get3A_540 = tpu.vector_load %arg8[%get3A_538, %get3A_539] {strides = array<i32>} : memref<208x128xf32, #tpu.memory_space<vmem>>, vector<16xf32>,
      %gt3A_541 = arith.cmpf ogt, %get3A_540, %select_n3A_463 : vector<16xf32>
      %select_n3A_542 = arith.select %gt3A_541, %get3A_540, %select_n3A_463 : vector<16xi1>, vector<16xf32>
      %select_n3A_543 = arith.select %gt3A_541, %broadcast_in_dim3A_500, %select_n3A_464 : vector<16xi1>, vector<16xi32>
      %exp3A_544 = math.exp %get3A_540 : vector<16xf32>
      %add3A_545 = arith.addf %add3A_466, %exp3A_544 : vector<16xf32>
      %get3A_546 = arith.constant 5 : i32
      %get3A_547 = arith.index_cast %get3A_546 : i32 to index
      %get3A_548 = arith.constant 80 : index
      %get3A_549 = tpu.vector_load %arg8[%get3A_547, %get3A_548] {strides = array<i32>} : memref<208x128xf32, #tpu.memory_space<vmem>>, vector<16xf32>,
      %gt3A_550 = arith.cmpf ogt, %get3A_549, %select_n3A_472 : vector<16xf32>
      %select_n3A_551 = arith.select %gt3A_550, %get3A_549, %select_n3A_472 : vector<16xi1>, vector<16xf32>
      %select_n3A_552 = arith.select %gt3A_550, %broadcast_in_dim3A_500, %select_n3A_473 : vector<16xi1>, vector<16xi32>
      %exp3A_553 = math.exp %get3A_549 : vector<16xf32>
      %add3A_554 = arith.addf %add3A_475, %exp3A_553 : vector<16xf32>
      %get3A_555 = arith.constant 5 : i32
      %get3A_556 = arith.index_cast %get3A_555 : i32 to index
      %get3A_557 = arith.constant 96 : index
      %get3A_558 = tpu.vector_load %arg8[%get3A_556, %get3A_557] {strides = array<i32>} : memref<208x128xf32, #tpu.memory_space<vmem>>, vector<16xf32>,
      %gt3A_559 = arith.cmpf ogt, %get3A_558, %select_n3A_481 : vector<16xf32>
      %select_n3A_560 = arith.select %gt3A_559, %get3A_558, %select_n3A_481 : vector<16xi1>, vector<16xf32>
      %select_n3A_561 = arith.select %gt3A_559, %broadcast_in_dim3A_500, %select_n3A_482 : vector<16xi1>, vector<16xi32>
      %exp3A_562 = math.exp %get3A_558 : vector<16xf32>
      %add3A_563 = arith.addf %add3A_484, %exp3A_562 : vector<16xf32>
      %get3A_564 = arith.constant 5 : i32
      %get3A_565 = arith.index_cast %get3A_564 : i32 to index
      %get3A_566 = arith.constant 112 : index
      %get3A_567 = tpu.vector_load %arg8[%get3A_565, %get3A_566] {strides = array<i32>} : memref<208x128xf32, #tpu.memory_space<vmem>>, vector<16xf32>,
      %gt3A_568 = arith.cmpf ogt, %get3A_567, %select_n3A_490 : vector<16xf32>
      %select_n3A_569 = arith.select %gt3A_568, %get3A_567, %select_n3A_490 : vector<16xi1>, vector<16xf32>
      %select_n3A_570 = arith.select %gt3A_568, %broadcast_in_dim3A_500, %select_n3A_491 : vector<16xi1>, vector<16xi32>
      %exp3A_571 = math.exp %get3A_567 : vector<16xf32>
      %add3A_572 = arith.addf %add3A_493, %exp3A_571 : vector<16xf32>
      %mul3A_573 = arith.constant 8 : i32
      %mul3A_574 = arith.muli %add3A, %mul3A_573 : i32
      %add3A_575 = arith.constant 99840 : i32
      %add3A_576 = arith.addi %add3A_575, %mul3A_574 : i32
      %add3A_577 = arith.constant 6 : i32
      %add3A_578 = arith.addi %add3A_576, %add3A_577 : i32
      %broadcast_in_dim3A_579 = vector.broadcast %add3A_578 : i32 to vector<16xi32>
      %get3A_580 = arith.constant 6 : i32
      %get3A_581 = arith.index_cast %get3A_580 : i32 to index
      %get3A_582 = arith.constant 0 : index
      %get3A_583 = tpu.vector_load %arg8[%get3A_581, %get3A_582] {strides = array<i32>} : memref<208x128xf32, #tpu.memory_space<vmem>>, vector<16xf32>,
      %gt3A_584 = arith.cmpf ogt, %get3A_583, %select_n3A_506 : vector<16xf32>
      %select_n3A_585 = arith.select %gt3A_584, %get3A_583, %select_n3A_506 : vector<16xi1>, vector<16xf32>
      %select_n3A_586 = arith.select %gt3A_584, %broadcast_in_dim3A_579, %select_n3A_507 : vector<16xi1>, vector<16xi32>
      %exp3A_587 = math.exp %get3A_583 : vector<16xf32>
      %add3A_588 = arith.addf %add3A_509, %exp3A_587 : vector<16xf32>
      %get3A_589 = arith.constant 6 : i32
      %get3A_590 = arith.index_cast %get3A_589 : i32 to index
      %get3A_591 = arith.constant 16 : index
      %get3A_592 = tpu.vector_load %arg8[%get3A_590, %get3A_591] {strides = array<i32>} : memref<208x128xf32, #tpu.memory_space<vmem>>, vector<16xf32>,
      %gt3A_593 = arith.cmpf ogt, %get3A_592, %select_n3A_515 : vector<16xf32>
      %select_n3A_594 = arith.select %gt3A_593, %get3A_592, %select_n3A_515 : vector<16xi1>, vector<16xf32>
      %select_n3A_595 = arith.select %gt3A_593, %broadcast_in_dim3A_579, %select_n3A_516 : vector<16xi1>, vector<16xi32>
      %exp3A_596 = math.exp %get3A_592 : vector<16xf32>
      %add3A_597 = arith.addf %add3A_518, %exp3A_596 : vector<16xf32>
      %get3A_598 = arith.constant 6 : i32
      %get3A_599 = arith.index_cast %get3A_598 : i32 to index
      %get3A_600 = arith.constant 32 : index
      %get3A_601 = tpu.vector_load %arg8[%get3A_599, %get3A_600] {strides = array<i32>} : memref<208x128xf32, #tpu.memory_space<vmem>>, vector<16xf32>,
      %gt3A_602 = arith.cmpf ogt, %get3A_601, %select_n3A_524 : vector<16xf32>
      %select_n3A_603 = arith.select %gt3A_602, %get3A_601, %select_n3A_524 : vector<16xi1>, vector<16xf32>
      %select_n3A_604 = arith.select %gt3A_602, %broadcast_in_dim3A_579, %select_n3A_525 : vector<16xi1>, vector<16xi32>
      %exp3A_605 = math.exp %get3A_601 : vector<16xf32>
      %add3A_606 = arith.addf %add3A_527, %exp3A_605 : vector<16xf32>
      %get3A_607 = arith.constant 6 : i32
      %get3A_608 = arith.index_cast %get3A_607 : i32 to index
      %get3A_609 = arith.constant 48 : index
      %get3A_610 = tpu.vector_load %arg8[%get3A_608, %get3A_609] {strides = array<i32>} : memref<208x128xf32, #tpu.memory_space<vmem>>, vector<16xf32>,
      %gt3A_611 = arith.cmpf ogt, %get3A_610, %select_n3A_533 : vector<16xf32>
      %select_n3A_612 = arith.select %gt3A_611, %get3A_610, %select_n3A_533 : vector<16xi1>, vector<16xf32>
      %select_n3A_613 = arith.select %gt3A_611, %broadcast_in_dim3A_579, %select_n3A_534 : vector<16xi1>, vector<16xi32>
      %exp3A_614 = math.exp %get3A_610 : vector<16xf32>
      %add3A_615 = arith.addf %add3A_536, %exp3A_614 : vector<16xf32>
      %get3A_616 = arith.constant 6 : i32
      %get3A_617 = arith.index_cast %get3A_616 : i32 to index
      %get3A_618 = arith.constant 64 : index
      %get3A_619 = tpu.vector_load %arg8[%get3A_617, %get3A_618] {strides = array<i32>} : memref<208x128xf32, #tpu.memory_space<vmem>>, vector<16xf32>,
      %gt3A_620 = arith.cmpf ogt, %get3A_619, %select_n3A_542 : vector<16xf32>
      %select_n3A_621 = arith.select %gt3A_620, %get3A_619, %select_n3A_542 : vector<16xi1>, vector<16xf32>
      %select_n3A_622 = arith.select %gt3A_620, %broadcast_in_dim3A_579, %select_n3A_543 : vector<16xi1>, vector<16xi32>
      %exp3A_623 = math.exp %get3A_619 : vector<16xf32>
      %add3A_624 = arith.addf %add3A_545, %exp3A_623 : vector<16xf32>
      %get3A_625 = arith.constant 6 : i32
      %get3A_626 = arith.index_cast %get3A_625 : i32 to index
      %get3A_627 = arith.constant 80 : index
      %get3A_628 = tpu.vector_load %arg8[%get3A_626, %get3A_627] {strides = array<i32>} : memref<208x128xf32, #tpu.memory_space<vmem>>, vector<16xf32>,
      %gt3A_629 = arith.cmpf ogt, %get3A_628, %select_n3A_551 : vector<16xf32>
      %select_n3A_630 = arith.select %gt3A_629, %get3A_628, %select_n3A_551 : vector<16xi1>, vector<16xf32>
      %select_n3A_631 = arith.select %gt3A_629, %broadcast_in_dim3A_579, %select_n3A_552 : vector<16xi1>, vector<16xi32>
      %exp3A_632 = math.exp %get3A_628 : vector<16xf32>
      %add3A_633 = arith.addf %add3A_554, %exp3A_632 : vector<16xf32>
      %get3A_634 = arith.constant 6 : i32
      %get3A_635 = arith.index_cast %get3A_634 : i32 to index
      %get3A_636 = arith.constant 96 : index
      %get3A_637 = tpu.vector_load %arg8[%get3A_635, %get3A_636] {strides = array<i32>} : memref<208x128xf32, #tpu.memory_space<vmem>>, vector<16xf32>,
      %gt3A_638 = arith.cmpf ogt, %get3A_637, %select_n3A_560 : vector<16xf32>
      %select_n3A_639 = arith.select %gt3A_638, %get3A_637, %select_n3A_560 : vector<16xi1>, vector<16xf32>
      %select_n3A_640 = arith.select %gt3A_638, %broadcast_in_dim3A_579, %select_n3A_561 : vector<16xi1>, vector<16xi32>
      %exp3A_641 = math.exp %get3A_637 : vector<16xf32>
      %add3A_642 = arith.addf %add3A_563, %exp3A_641 : vector<16xf32>
      %get3A_643 = arith.constant 6 : i32
      %get3A_644 = arith.index_cast %get3A_643 : i32 to index
      %get3A_645 = arith.constant 112 : index
      %get3A_646 = tpu.vector_load %arg8[%get3A_644, %get3A_645] {strides = array<i32>} : memref<208x128xf32, #tpu.memory_space<vmem>>, vector<16xf32>,
      %gt3A_647 = arith.cmpf ogt, %get3A_646, %select_n3A_569 : vector<16xf32>
      %select_n3A_648 = arith.select %gt3A_647, %get3A_646, %select_n3A_569 : vector<16xi1>, vector<16xf32>
      %select_n3A_649 = arith.select %gt3A_647, %broadcast_in_dim3A_579, %select_n3A_570 : vector<16xi1>, vector<16xi32>
      %exp3A_650 = math.exp %get3A_646 : vector<16xf32>
      %add3A_651 = arith.addf %add3A_572, %exp3A_650 : vector<16xf32>
      %mul3A_652 = arith.constant 8 : i32
      %mul3A_653 = arith.muli %add3A, %mul3A_652 : i32
      %add3A_654 = arith.constant 99840 : i32
      %add3A_655 = arith.addi %add3A_654, %mul3A_653 : i32
      %add3A_656 = arith.constant 7 : i32
      %add3A_657 = arith.addi %add3A_655, %add3A_656 : i32
      %broadcast_in_dim3A_658 = vector.broadcast %add3A_657 : i32 to vector<16xi32>
      %get3A_659 = arith.constant 7 : i32
      %get3A_660 = arith.index_cast %get3A_659 : i32 to index
      %get3A_661 = arith.constant 0 : index
      %get3A_662 = tpu.vector_load %arg8[%get3A_660, %get3A_661] {strides = array<i32>} : memref<208x128xf32, #tpu.memory_space<vmem>>, vector<16xf32>,
      %gt3A_663 = arith.cmpf ogt, %get3A_662, %select_n3A_585 : vector<16xf32>
      %select_n3A_664 = arith.select %gt3A_663, %get3A_662, %select_n3A_585 : vector<16xi1>, vector<16xf32>
      %select_n3A_665 = arith.select %gt3A_663, %broadcast_in_dim3A_658, %select_n3A_586 : vector<16xi1>, vector<16xi32>
      %exp3A_666 = math.exp %get3A_662 : vector<16xf32>
      %add3A_667 = arith.addf %add3A_588, %exp3A_666 : vector<16xf32>
      %get3A_668 = arith.constant 7 : i32
      %get3A_669 = arith.index_cast %get3A_668 : i32 to index
      %get3A_670 = arith.constant 16 : index
      %get3A_671 = tpu.vector_load %arg8[%get3A_669, %get3A_670] {strides = array<i32>} : memref<208x128xf32, #tpu.memory_space<vmem>>, vector<16xf32>,
      %gt3A_672 = arith.cmpf ogt, %get3A_671, %select_n3A_594 : vector<16xf32>
      %select_n3A_673 = arith.select %gt3A_672, %get3A_671, %select_n3A_594 : vector<16xi1>, vector<16xf32>
      %select_n3A_674 = arith.select %gt3A_672, %broadcast_in_dim3A_658, %select_n3A_595 : vector<16xi1>, vector<16xi32>
      %exp3A_675 = math.exp %get3A_671 : vector<16xf32>
      %add3A_676 = arith.addf %add3A_597, %exp3A_675 : vector<16xf32>
      %get3A_677 = arith.constant 7 : i32
      %get3A_678 = arith.index_cast %get3A_677 : i32 to index
      %get3A_679 = arith.constant 32 : index
      %get3A_680 = tpu.vector_load %arg8[%get3A_678, %get3A_679] {strides = array<i32>} : memref<208x128xf32, #tpu.memory_space<vmem>>, vector<16xf32>,
      %gt3A_681 = arith.cmpf ogt, %get3A_680, %select_n3A_603 : vector<16xf32>
      %select_n3A_682 = arith.select %gt3A_681, %get3A_680, %select_n3A_603 : vector<16xi1>, vector<16xf32>
      %select_n3A_683 = arith.select %gt3A_681, %broadcast_in_dim3A_658, %select_n3A_604 : vector<16xi1>, vector<16xi32>
      %exp3A_684 = math.exp %get3A_680 : vector<16xf32>
      %add3A_685 = arith.addf %add3A_606, %exp3A_684 : vector<16xf32>
      %get3A_686 = arith.constant 7 : i32
      %get3A_687 = arith.index_cast %get3A_686 : i32 to index
      %get3A_688 = arith.constant 48 : index
      %get3A_689 = tpu.vector_load %arg8[%get3A_687, %get3A_688] {strides = array<i32>} : memref<208x128xf32, #tpu.memory_space<vmem>>, vector<16xf32>,
      %gt3A_690 = arith.cmpf ogt, %get3A_689, %select_n3A_612 : vector<16xf32>
      %select_n3A_691 = arith.select %gt3A_690, %get3A_689, %select_n3A_612 : vector<16xi1>, vector<16xf32>
      %select_n3A_692 = arith.select %gt3A_690, %broadcast_in_dim3A_658, %select_n3A_613 : vector<16xi1>, vector<16xi32>
      %exp3A_693 = math.exp %get3A_689 : vector<16xf32>
      %add3A_694 = arith.addf %add3A_615, %exp3A_693 : vector<16xf32>
      %get3A_695 = arith.constant 7 : i32
      %get3A_696 = arith.index_cast %get3A_695 : i32 to index
      %get3A_697 = arith.constant 64 : index
      %get3A_698 = tpu.vector_load %arg8[%get3A_696, %get3A_697] {strides = array<i32>} : memref<208x128xf32, #tpu.memory_space<vmem>>, vector<16xf32>,
      %gt3A_699 = arith.cmpf ogt, %get3A_698, %select_n3A_621 : vector<16xf32>
      %select_n3A_700 = arith.select %gt3A_699, %get3A_698, %select_n3A_621 : vector<16xi1>, vector<16xf32>
      %select_n3A_701 = arith.select %gt3A_699, %broadcast_in_dim3A_658, %select_n3A_622 : vector<16xi1>, vector<16xi32>
      %exp3A_702 = math.exp %get3A_698 : vector<16xf32>
      %add3A_703 = arith.addf %add3A_624, %exp3A_702 : vector<16xf32>
      %get3A_704 = arith.constant 7 : i32
      %get3A_705 = arith.index_cast %get3A_704 : i32 to index
      %get3A_706 = arith.constant 80 : index
      %get3A_707 = tpu.vector_load %arg8[%get3A_705, %get3A_706] {strides = array<i32>} : memref<208x128xf32, #tpu.memory_space<vmem>>, vector<16xf32>,
      %gt3A_708 = arith.cmpf ogt, %get3A_707, %select_n3A_630 : vector<16xf32>
      %select_n3A_709 = arith.select %gt3A_708, %get3A_707, %select_n3A_630 : vector<16xi1>, vector<16xf32>
      %select_n3A_710 = arith.select %gt3A_708, %broadcast_in_dim3A_658, %select_n3A_631 : vector<16xi1>, vector<16xi32>
      %exp3A_711 = math.exp %get3A_707 : vector<16xf32>
      %add3A_712 = arith.addf %add3A_633, %exp3A_711 : vector<16xf32>
      %get3A_713 = arith.constant 7 : i32
      %get3A_714 = arith.index_cast %get3A_713 : i32 to index
      %get3A_715 = arith.constant 96 : index
      %get3A_716 = tpu.vector_load %arg8[%get3A_714, %get3A_715] {strides = array<i32>} : memref<208x128xf32, #tpu.memory_space<vmem>>, vector<16xf32>,
      %gt3A_717 = arith.cmpf ogt, %get3A_716, %select_n3A_639 : vector<16xf32>
      %select_n3A_718 = arith.select %gt3A_717, %get3A_716, %select_n3A_639 : vector<16xi1>, vector<16xf32>
      %select_n3A_719 = arith.select %gt3A_717, %broadcast_in_dim3A_658, %select_n3A_640 : vector<16xi1>, vector<16xi32>
      %exp3A_720 = math.exp %get3A_716 : vector<16xf32>
      %add3A_721 = arith.addf %add3A_642, %exp3A_720 : vector<16xf32>
      %get3A_722 = arith.constant 7 : i32
      %get3A_723 = arith.index_cast %get3A_722 : i32 to index
      %get3A_724 = arith.constant 112 : index
      %get3A_725 = tpu.vector_load %arg8[%get3A_723, %get3A_724] {strides = array<i32>} : memref<208x128xf32, #tpu.memory_space<vmem>>, vector<16xf32>,
      %gt3A_726 = arith.cmpf ogt, %get3A_725, %select_n3A_648 : vector<16xf32>
      %select_n3A_727 = arith.select %gt3A_726, %get3A_725, %select_n3A_648 : vector<16xi1>, vector<16xf32>
      %select_n3A_728 = arith.select %gt3A_726, %broadcast_in_dim3A_658, %select_n3A_649 : vector<16xi1>, vector<16xi32>
      %exp3A_729 = math.exp %get3A_725 : vector<16xf32>
      %add3A_730 = arith.addf %add3A_651, %exp3A_729 : vector<16xf32>
      %swap3A = arith.constant 0 : index
      %swap3A_731 = tpu.vector_load %arg12[%swap3A] {strides = array<i32>} : memref<128xf32, #tpu.memory_space<vmem>>, vector<16xf32>,
      tpu.vector_store %arg12[%swap3A], %select_n3A_664 {strides = array<i32>} : memref<128xf32, #tpu.memory_space<vmem>>, vector<16xf32>,
      %swap3A_732 = arith.constant 0 : index
      %swap3A_733 = tpu.vector_load %arg13[%swap3A_732] {strides = array<i32>} : memref<128xi32, #tpu.memory_space<vmem>>, vector<16xi32>,
      tpu.vector_store %arg13[%swap3A_732], %select_n3A_665 {strides = array<i32>} : memref<128xi32, #tpu.memory_space<vmem>>, vector<16xi32>,
      %swap3A_734 = arith.constant 0 : index
      %swap3A_735 = tpu.vector_load %arg14[%swap3A_734] {strides = array<i32>} : memref<128xf32, #tpu.memory_space<vmem>>, vector<16xf32>,
      tpu.vector_store %arg14[%swap3A_734], %add3A_667 {strides = array<i32>} : memref<128xf32, #tpu.memory_space<vmem>>, vector<16xf32>,
      %swap3A_736 = arith.constant 16 : index
      %swap3A_737 = tpu.vector_load %arg12[%swap3A_736] {strides = array<i32>} : memref<128xf32, #tpu.memory_space<vmem>>, vector<16xf32>,
      tpu.vector_store %arg12[%swap3A_736], %select_n3A_673 {strides = array<i32>} : memref<128xf32, #tpu.memory_space<vmem>>, vector<16xf32>,
      %swap3A_738 = arith.constant 16 : index
      %swap3A_739 = tpu.vector_load %arg13[%swap3A_738] {strides = array<i32>} : memref<128xi32, #tpu.memory_space<vmem>>, vector<16xi32>,
      tpu.vector_store %arg13[%swap3A_738], %select_n3A_674 {strides = array<i32>} : memref<128xi32, #tpu.memory_space<vmem>>, vector<16xi32>,
      %swap3A_740 = arith.constant 16 : index
      %swap3A_741 = tpu.vector_load %arg14[%swap3A_740] {strides = array<i32>} : memref<128xf32, #tpu.memory_space<vmem>>, vector<16xf32>,
      tpu.vector_store %arg14[%swap3A_740], %add3A_676 {strides = array<i32>} : memref<128xf32, #tpu.memory_space<vmem>>, vector<16xf32>,
      %swap3A_742 = arith.constant 32 : index
      %swap3A_743 = tpu.vector_load %arg12[%swap3A_742] {strides = array<i32>} : memref<128xf32, #tpu.memory_space<vmem>>, vector<16xf32>,
      tpu.vector_store %arg12[%swap3A_742], %select_n3A_682 {strides = array<i32>} : memref<128xf32, #tpu.memory_space<vmem>>, vector<16xf32>,
      %swap3A_744 = arith.constant 32 : index
      %swap3A_745 = tpu.vector_load %arg13[%swap3A_744] {strides = array<i32>} : memref<128xi32, #tpu.memory_space<vmem>>, vector<16xi32>,
      tpu.vector_store %arg13[%swap3A_744], %select_n3A_683 {strides = array<i32>} : memref<128xi32, #tpu.memory_space<vmem>>, vector<16xi32>,
      %swap3A_746 = arith.constant 32 : index
      %swap3A_747 = tpu.vector_load %arg14[%swap3A_746] {strides = array<i32>} : memref<128xf32, #tpu.memory_space<vmem>>, vector<16xf32>,
      tpu.vector_store %arg14[%swap3A_746], %add3A_685 {strides = array<i32>} : memref<128xf32, #tpu.memory_space<vmem>>, vector<16xf32>,
      %swap3A_748 = arith.constant 48 : index
      %swap3A_749 = tpu.vector_load %arg12[%swap3A_748] {strides = array<i32>} : memref<128xf32, #tpu.memory_space<vmem>>, vector<16xf32>,
      tpu.vector_store %arg12[%swap3A_748], %select_n3A_691 {strides = array<i32>} : memref<128xf32, #tpu.memory_space<vmem>>, vector<16xf32>,
      %swap3A_750 = arith.constant 48 : index
      %swap3A_751 = tpu.vector_load %arg13[%swap3A_750] {strides = array<i32>} : memref<128xi32, #tpu.memory_space<vmem>>, vector<16xi32>,
      tpu.vector_store %arg13[%swap3A_750], %select_n3A_692 {strides = array<i32>} : memref<128xi32, #tpu.memory_space<vmem>>, vector<16xi32>,
      %swap3A_752 = arith.constant 48 : index
      %swap3A_753 = tpu.vector_load %arg14[%swap3A_752] {strides = array<i32>} : memref<128xf32, #tpu.memory_space<vmem>>, vector<16xf32>,
      tpu.vector_store %arg14[%swap3A_752], %add3A_694 {strides = array<i32>} : memref<128xf32, #tpu.memory_space<vmem>>, vector<16xf32>,
      %swap3A_754 = arith.constant 64 : index
      %swap3A_755 = tpu.vector_load %arg12[%swap3A_754] {strides = array<i32>} : memref<128xf32, #tpu.memory_space<vmem>>, vector<16xf32>,
      tpu.vector_store %arg12[%swap3A_754], %select_n3A_700 {strides = array<i32>} : memref<128xf32, #tpu.memory_space<vmem>>, vector<16xf32>,
      %swap3A_756 = arith.constant 64 : index
      %swap3A_757 = tpu.vector_load %arg13[%swap3A_756] {strides = array<i32>} : memref<128xi32, #tpu.memory_space<vmem>>, vector<16xi32>,
      tpu.vector_store %arg13[%swap3A_756], %select_n3A_701 {strides = array<i32>} : memref<128xi32, #tpu.memory_space<vmem>>, vector<16xi32>,
      %swap3A_758 = arith.constant 64 : index
      %swap3A_759 = tpu.vector_load %arg14[%swap3A_758] {strides = array<i32>} : memref<128xf32, #tpu.memory_space<vmem>>, vector<16xf32>,
      tpu.vector_store %arg14[%swap3A_758], %add3A_703 {strides = array<i32>} : memref<128xf32, #tpu.memory_space<vmem>>, vector<16xf32>,
      %swap3A_760 = arith.constant 80 : index
      %swap3A_761 = tpu.vector_load %arg12[%swap3A_760] {strides = array<i32>} : memref<128xf32, #tpu.memory_space<vmem>>, vector<16xf32>,
      tpu.vector_store %arg12[%swap3A_760], %select_n3A_709 {strides = array<i32>} : memref<128xf32, #tpu.memory_space<vmem>>, vector<16xf32>,
      %swap3A_762 = arith.constant 80 : index
      %swap3A_763 = tpu.vector_load %arg13[%swap3A_762] {strides = array<i32>} : memref<128xi32, #tpu.memory_space<vmem>>, vector<16xi32>,
      tpu.vector_store %arg13[%swap3A_762], %select_n3A_710 {strides = array<i32>} : memref<128xi32, #tpu.memory_space<vmem>>, vector<16xi32>,
      %swap3A_764 = arith.constant 80 : index
      %swap3A_765 = tpu.vector_load %arg14[%swap3A_764] {strides = array<i32>} : memref<128xf32, #tpu.memory_space<vmem>>, vector<16xf32>,
      tpu.vector_store %arg14[%swap3A_764], %add3A_712 {strides = array<i32>} : memref<128xf32, #tpu.memory_space<vmem>>, vector<16xf32>,
      %swap3A_766 = arith.constant 96 : index
      %swap3A_767 = tpu.vector_load %arg12[%swap3A_766] {strides = array<i32>} : memref<128xf32, #tpu.memory_space<vmem>>, vector<16xf32>,
      tpu.vector_store %arg12[%swap3A_766], %select_n3A_718 {strides = array<i32>} : memref<128xf32, #tpu.memory_space<vmem>>, vector<16xf32>,
      %swap3A_768 = arith.constant 96 : index
      %swap3A_769 = tpu.vector_load %arg13[%swap3A_768] {strides = array<i32>} : memref<128xi32, #tpu.memory_space<vmem>>, vector<16xi32>,
      tpu.vector_store %arg13[%swap3A_768], %select_n3A_719 {strides = array<i32>} : memref<128xi32, #tpu.memory_space<vmem>>, vector<16xi32>,
      %swap3A_770 = arith.constant 96 : index
      %swap3A_771 = tpu.vector_load %arg14[%swap3A_770] {strides = array<i32>} : memref<128xf32, #tpu.memory_space<vmem>>, vector<16xf32>,
      tpu.vector_store %arg14[%swap3A_770], %add3A_721 {strides = array<i32>} : memref<128xf32, #tpu.memory_space<vmem>>, vector<16xf32>,
      %swap3A_772 = arith.constant 112 : index
      %swap3A_773 = tpu.vector_load %arg12[%swap3A_772] {strides = array<i32>} : memref<128xf32, #tpu.memory_space<vmem>>, vector<16xf32>,
      tpu.vector_store %arg12[%swap3A_772], %select_n3A_727 {strides = array<i32>} : memref<128xf32, #tpu.memory_space<vmem>>, vector<16xf32>,
      %swap3A_774 = arith.constant 112 : index
      %swap3A_775 = tpu.vector_load %arg13[%swap3A_774] {strides = array<i32>} : memref<128xi32, #tpu.memory_space<vmem>>, vector<16xi32>,
      tpu.vector_store %arg13[%swap3A_774], %select_n3A_728 {strides = array<i32>} : memref<128xi32, #tpu.memory_space<vmem>>, vector<16xi32>,
      %swap3A_776 = arith.constant 112 : index
      %swap3A_777 = tpu.vector_load %arg14[%swap3A_776] {strides = array<i32>} : memref<128xf32, #tpu.memory_space<vmem>>, vector<16xf32>,
      tpu.vector_store %arg14[%swap3A_776], %add3A_730 {strides = array<i32>} : memref<128xf32, #tpu.memory_space<vmem>>, vector<16xf32>,
    } else {
    }
    %ge3A = arith.constant 20 : i32
    %ge3A_86 = arith.cmpi sge, %add3A, %ge3A : i32
    %convert_element_type3A_87 = arith.extui %ge3A_86 : i1 to i32
    %cond3A_88 = arith.constant 0 : i32
    %cond3A_89 = arith.cmpi ne, %convert_element_type3A_87, %cond3A_88 : i32
    scf.if %cond3A_89 {
      %swap3A = arith.constant 0 : index
      %swap3A_98 = tpu.vector_load %arg12[%swap3A] {strides = array<i32>} : memref<128xf32, #tpu.memory_space<vmem>>, vector<16xf32>,
      tpu.vector_store %arg12[%swap3A], %scan3A_82#0 {strides = array<i32>} : memref<128xf32, #tpu.memory_space<vmem>>, vector<16xf32>,
      %swap3A_99 = arith.constant 0 : index
      %swap3A_100 = tpu.vector_load %arg13[%swap3A_99] {strides = array<i32>} : memref<128xi32, #tpu.memory_space<vmem>>, vector<16xi32>,
      tpu.vector_store %arg13[%swap3A_99], %scan3A_82#8 {strides = array<i32>} : memref<128xi32, #tpu.memory_space<vmem>>, vector<16xi32>,
      %swap3A_101 = arith.constant 0 : index
      %swap3A_102 = tpu.vector_load %arg14[%swap3A_101] {strides = array<i32>} : memref<128xf32, #tpu.memory_space<vmem>>, vector<16xf32>,
      tpu.vector_store %arg14[%swap3A_101], %scan3A_82#16 {strides = array<i32>} : memref<128xf32, #tpu.memory_space<vmem>>, vector<16xf32>,
      %swap3A_103 = arith.constant 16 : index
      %swap3A_104 = tpu.vector_load %arg12[%swap3A_103] {strides = array<i32>} : memref<128xf32, #tpu.memory_space<vmem>>, vector<16xf32>,
      tpu.vector_store %arg12[%swap3A_103], %scan3A_82#1 {strides = array<i32>} : memref<128xf32, #tpu.memory_space<vmem>>, vector<16xf32>,
      %swap3A_105 = arith.constant 16 : index
      %swap3A_106 = tpu.vector_load %arg13[%swap3A_105] {strides = array<i32>} : memref<128xi32, #tpu.memory_space<vmem>>, vector<16xi32>,
      tpu.vector_store %arg13[%swap3A_105], %scan3A_82#9 {strides = array<i32>} : memref<128xi32, #tpu.memory_space<vmem>>, vector<16xi32>,
      %swap3A_107 = arith.constant 16 : index
      %swap3A_108 = tpu.vector_load %arg14[%swap3A_107] {strides = array<i32>} : memref<128xf32, #tpu.memory_space<vmem>>, vector<16xf32>,
      tpu.vector_store %arg14[%swap3A_107], %scan3A_82#17 {strides = array<i32>} : memref<128xf32, #tpu.memory_space<vmem>>, vector<16xf32>,
      %swap3A_109 = arith.constant 32 : index
      %swap3A_110 = tpu.vector_load %arg12[%swap3A_109] {strides = array<i32>} : memref<128xf32, #tpu.memory_space<vmem>>, vector<16xf32>,
      tpu.vector_store %arg12[%swap3A_109], %scan3A_82#2 {strides = array<i32>} : memref<128xf32, #tpu.memory_space<vmem>>, vector<16xf32>,
      %swap3A_111 = arith.constant 32 : index
      %swap3A_112 = tpu.vector_load %arg13[%swap3A_111] {strides = array<i32>} : memref<128xi32, #tpu.memory_space<vmem>>, vector<16xi32>,
      tpu.vector_store %arg13[%swap3A_111], %scan3A_82#10 {strides = array<i32>} : memref<128xi32, #tpu.memory_space<vmem>>, vector<16xi32>,
      %swap3A_113 = arith.constant 32 : index
      %swap3A_114 = tpu.vector_load %arg14[%swap3A_113] {strides = array<i32>} : memref<128xf32, #tpu.memory_space<vmem>>, vector<16xf32>,
      tpu.vector_store %arg14[%swap3A_113], %scan3A_82#18 {strides = array<i32>} : memref<128xf32, #tpu.memory_space<vmem>>, vector<16xf32>,
      %swap3A_115 = arith.constant 48 : index
      %swap3A_116 = tpu.vector_load %arg12[%swap3A_115] {strides = array<i32>} : memref<128xf32, #tpu.memory_space<vmem>>, vector<16xf32>,
      tpu.vector_store %arg12[%swap3A_115], %scan3A_82#3 {strides = array<i32>} : memref<128xf32, #tpu.memory_space<vmem>>, vector<16xf32>,
      %swap3A_117 = arith.constant 48 : index
      %swap3A_118 = tpu.vector_load %arg13[%swap3A_117] {strides = array<i32>} : memref<128xi32, #tpu.memory_space<vmem>>, vector<16xi32>,
      tpu.vector_store %arg13[%swap3A_117], %scan3A_82#11 {strides = array<i32>} : memref<128xi32, #tpu.memory_space<vmem>>, vector<16xi32>,
      %swap3A_119 = arith.constant 48 : index
      %swap3A_120 = tpu.vector_load %arg14[%swap3A_119] {strides = array<i32>} : memref<128xf32, #tpu.memory_space<vmem>>, vector<16xf32>,
      tpu.vector_store %arg14[%swap3A_119], %scan3A_82#19 {strides = array<i32>} : memref<128xf32, #tpu.memory_space<vmem>>, vector<16xf32>,
      %swap3A_121 = arith.constant 64 : index
      %swap3A_122 = tpu.vector_load %arg12[%swap3A_121] {strides = array<i32>} : memref<128xf32, #tpu.memory_space<vmem>>, vector<16xf32>,
      tpu.vector_store %arg12[%swap3A_121], %scan3A_82#4 {strides = array<i32>} : memref<128xf32, #tpu.memory_space<vmem>>, vector<16xf32>,
      %swap3A_123 = arith.constant 64 : index
      %swap3A_124 = tpu.vector_load %arg13[%swap3A_123] {strides = array<i32>} : memref<128xi32, #tpu.memory_space<vmem>>, vector<16xi32>,
      tpu.vector_store %arg13[%swap3A_123], %scan3A_82#12 {strides = array<i32>} : memref<128xi32, #tpu.memory_space<vmem>>, vector<16xi32>,
      %swap3A_125 = arith.constant 64 : index
      %swap3A_126 = tpu.vector_load %arg14[%swap3A_125] {strides = array<i32>} : memref<128xf32, #tpu.memory_space<vmem>>, vector<16xf32>,
      tpu.vector_store %arg14[%swap3A_125], %scan3A_82#20 {strides = array<i32>} : memref<128xf32, #tpu.memory_space<vmem>>, vector<16xf32>,
      %swap3A_127 = arith.constant 80 : index
      %swap3A_128 = tpu.vector_load %arg12[%swap3A_127] {strides = array<i32>} : memref<128xf32, #tpu.memory_space<vmem>>, vector<16xf32>,
      tpu.vector_store %arg12[%swap3A_127], %scan3A_82#5 {strides = array<i32>} : memref<128xf32, #tpu.memory_space<vmem>>, vector<16xf32>,
      %swap3A_129 = arith.constant 80 : index
      %swap3A_130 = tpu.vector_load %arg13[%swap3A_129] {strides = array<i32>} : memref<128xi32, #tpu.memory_space<vmem>>, vector<16xi32>,
      tpu.vector_store %arg13[%swap3A_129], %scan3A_82#13 {strides = array<i32>} : memref<128xi32, #tpu.memory_space<vmem>>, vector<16xi32>,
      %swap3A_131 = arith.constant 80 : index
      %swap3A_132 = tpu.vector_load %arg14[%swap3A_131] {strides = array<i32>} : memref<128xf32, #tpu.memory_space<vmem>>, vector<16xf32>,
      tpu.vector_store %arg14[%swap3A_131], %scan3A_82#21 {strides = array<i32>} : memref<128xf32, #tpu.memory_space<vmem>>, vector<16xf32>,
      %swap3A_133 = arith.constant 96 : index
      %swap3A_134 = tpu.vector_load %arg12[%swap3A_133] {strides = array<i32>} : memref<128xf32, #tpu.memory_space<vmem>>, vector<16xf32>,
      tpu.vector_store %arg12[%swap3A_133], %scan3A_82#6 {strides = array<i32>} : memref<128xf32, #tpu.memory_space<vmem>>, vector<16xf32>,
      %swap3A_135 = arith.constant 96 : index
      %swap3A_136 = tpu.vector_load %arg13[%swap3A_135] {strides = array<i32>} : memref<128xi32, #tpu.memory_space<vmem>>, vector<16xi32>,
      tpu.vector_store %arg13[%swap3A_135], %scan3A_82#14 {strides = array<i32>} : memref<128xi32, #tpu.memory_space<vmem>>, vector<16xi32>,
      %swap3A_137 = arith.constant 96 : index
      %swap3A_138 = tpu.vector_load %arg14[%swap3A_137] {strides = array<i32>} : memref<128xf32, #tpu.memory_space<vmem>>, vector<16xf32>,
      tpu.vector_store %arg14[%swap3A_137], %scan3A_82#22 {strides = array<i32>} : memref<128xf32, #tpu.memory_space<vmem>>, vector<16xf32>,
      %swap3A_139 = arith.constant 112 : index
      %swap3A_140 = tpu.vector_load %arg12[%swap3A_139] {strides = array<i32>} : memref<128xf32, #tpu.memory_space<vmem>>, vector<16xf32>,
      tpu.vector_store %arg12[%swap3A_139], %scan3A_82#7 {strides = array<i32>} : memref<128xf32, #tpu.memory_space<vmem>>, vector<16xf32>,
      %swap3A_141 = arith.constant 112 : index
      %swap3A_142 = tpu.vector_load %arg13[%swap3A_141] {strides = array<i32>} : memref<128xi32, #tpu.memory_space<vmem>>, vector<16xi32>,
      tpu.vector_store %arg13[%swap3A_141], %scan3A_82#15 {strides = array<i32>} : memref<128xi32, #tpu.memory_space<vmem>>, vector<16xi32>,
      %swap3A_143 = arith.constant 112 : index
      %swap3A_144 = tpu.vector_load %arg14[%swap3A_143] {strides = array<i32>} : memref<128xf32, #tpu.memory_space<vmem>>, vector<16xf32>,
      tpu.vector_store %arg14[%swap3A_143], %scan3A_82#23 {strides = array<i32>} : memref<128xf32, #tpu.memory_space<vmem>>, vector<16xf32>,
    } else {
    }
    %dma_wait3A_90 = arith.constant 0 : i32
    %dma_wait3A_91 = arith.constant 0 : i32
    %dma_wait3A_92 = tpu.memref_slice %arg2[%dma_wait3A_90, %dma_wait3A_91] : memref<100000x128xf32, #tpu.memory_space<hbm>> -> memref<100000x128xf32, #tpu.memory_space<hbm>>
    tpu.wait_indirect_dma semaphore(%arg18 : memref<!tpu.dma_semaphore, #tpu.memory_space<semaphore_mem>>) src(%dma_wait3A_92 : memref<100000x128xf32, #tpu.memory_space<hbm>>) dst(%arg11 : memref<16x128xf32, #tpu.memory_space<vmem>>)
    %lt3A_93 = arith.constant 8 : i32
    %lt3A_94 = arith.cmpi slt, %add3A, %lt3A_93 : i32
    %convert_element_type3A_95 = arith.extui %lt3A_94 : i1 to i32
    %cond3A_96 = arith.constant 0 : i32
    %cond3A_97 = arith.cmpi ne, %convert_element_type3A_95, %cond3A_96 : i32
    scf.if %cond3A_97 {
      %broadcast_in_dim3A_98 = arith.constant 0.000000e+00 : f32
      %broadcast_in_dim3A_99 = vector.broadcast %broadcast_in_dim3A_98 : f32 to vector<16xf32>
      %mul3A_100 = arith.constant 16 : i32
      %mul3A_101 = arith.muli %add3A, %mul3A_100 : i32
      %multiple_of3A_102 = tpu.assume_multiple %mul3A_101, 8 : i32
      %get3A = arith.constant 0 : i32
      %get3A_103 = arith.index_cast %get3A : i32 to index
      %get3A_104 = arith.index_cast %multiple_of3A_102 : i32 to index
      %get3A_105 = tpu.vector_load %arg11[%get3A_103, %get3A_104] {strides = array<i32>} : memref<16x128xf32, #tpu.memory_space<vmem>>, vector<16xf32>,
      %eq3A = arith.constant 0 : i32
      %eq3A_106 = vector.broadcast %eq3A : i32 to vector<16xi32>
      %eq3A_107 = arith.cmpi eq, %iota3A, %eq3A_106 : vector<16xi32>
      %jit3A = arith.constant 0.000000e+00 : f32
      %broadcast_in_dim3A_108 = vector.broadcast %jit3A : f32 to vector<16xf32>
      %select_n3A = arith.select %eq3A_107, %get3A_105, %broadcast_in_dim3A_108 : vector<16xi1>, vector<16xf32>
      %reduce_sum3A = arith.constant true
      %reduce_sum3A_109 = vector.broadcast %reduce_sum3A : i1 to vector<16xi1>
      %reduce_sum3A_110 = tpu.scan <sum>, %select_n3A masked %reduce_sum3A_109 : vector<16xf32>, vector<16xi1> -> vector<16xf32>
      %reduce_sum3A_111 = vector.extract %reduce_sum3A_110[15] : f32 from vector<16xf32>
      %eq3A_112 = arith.constant 0 : i32
      %eq3A_113 = vector.broadcast %eq3A_112 : i32 to vector<16xi32>
      %eq3A_114 = arith.cmpi eq, %iota3A, %eq3A_113 : vector<16xi32>
      %jit3A_115 = arith.constant 0.000000e+00 : f32
      %broadcast_in_dim3A_116 = vector.broadcast %reduce_sum3A_111 : f32 to vector<16xf32>
      %broadcast_in_dim3A_117 = vector.broadcast %jit3A_115 : f32 to vector<16xf32>
      %select_n3A_118 = arith.select %eq3A_114, %broadcast_in_dim3A_116, %broadcast_in_dim3A_117 : vector<16xi1>, vector<16xf32>
      %add3A_119 = arith.addf %broadcast_in_dim3A_99, %select_n3A_118 : vector<16xf32>
      %mul3A_120 = arith.constant 16 : i32
      %mul3A_121 = arith.muli %add3A, %mul3A_120 : i32
      %multiple_of3A_122 = tpu.assume_multiple %mul3A_121, 8 : i32
      %get3A_123 = arith.constant 1 : i32
      %get3A_124 = arith.index_cast %get3A_123 : i32 to index
      %get3A_125 = arith.index_cast %multiple_of3A_122 : i32 to index
      %get3A_126 = tpu.vector_load %arg11[%get3A_124, %get3A_125] {strides = array<i32>} : memref<16x128xf32, #tpu.memory_space<vmem>>, vector<16xf32>,
      %eq3A_127 = arith.constant 1 : i32
      %eq3A_128 = vector.broadcast %eq3A_127 : i32 to vector<16xi32>
      %eq3A_129 = arith.cmpi eq, %iota3A, %eq3A_128 : vector<16xi32>
      %jit3A_130 = arith.constant 0.000000e+00 : f32
      %broadcast_in_dim3A_131 = vector.broadcast %jit3A_130 : f32 to vector<16xf32>
      %select_n3A_132 = arith.select %eq3A_129, %get3A_126, %broadcast_in_dim3A_131 : vector<16xi1>, vector<16xf32>
      %reduce_sum3A_133 = arith.constant true
      %reduce_sum3A_134 = vector.broadcast %reduce_sum3A_133 : i1 to vector<16xi1>
      %reduce_sum3A_135 = tpu.scan <sum>, %select_n3A_132 masked %reduce_sum3A_134 : vector<16xf32>, vector<16xi1> -> vector<16xf32>
      %reduce_sum3A_136 = vector.extract %reduce_sum3A_135[15] : f32 from vector<16xf32>
      %eq3A_137 = arith.constant 1 : i32
      %eq3A_138 = vector.broadcast %eq3A_137 : i32 to vector<16xi32>
      %eq3A_139 = arith.cmpi eq, %iota3A, %eq3A_138 : vector<16xi32>
      %jit3A_140 = arith.constant 0.000000e+00 : f32
      %broadcast_in_dim3A_141 = vector.broadcast %reduce_sum3A_136 : f32 to vector<16xf32>
      %broadcast_in_dim3A_142 = vector.broadcast %jit3A_140 : f32 to vector<16xf32>
      %select_n3A_143 = arith.select %eq3A_139, %broadcast_in_dim3A_141, %broadcast_in_dim3A_142 : vector<16xi1>, vector<16xf32>
      %add3A_144 = arith.addf %add3A_119, %select_n3A_143 : vector<16xf32>
      %mul3A_145 = arith.constant 16 : i32
      %mul3A_146 = arith.muli %add3A, %mul3A_145 : i32
      %multiple_of3A_147 = tpu.assume_multiple %mul3A_146, 8 : i32
      %get3A_148 = arith.constant 2 : i32
      %get3A_149 = arith.index_cast %get3A_148 : i32 to index
      %get3A_150 = arith.index_cast %multiple_of3A_147 : i32 to index
      %get3A_151 = tpu.vector_load %arg11[%get3A_149, %get3A_150] {strides = array<i32>} : memref<16x128xf32, #tpu.memory_space<vmem>>, vector<16xf32>,
      %eq3A_152 = arith.constant 2 : i32
      %eq3A_153 = vector.broadcast %eq3A_152 : i32 to vector<16xi32>
      %eq3A_154 = arith.cmpi eq, %iota3A, %eq3A_153 : vector<16xi32>
      %jit3A_155 = arith.constant 0.000000e+00 : f32
      %broadcast_in_dim3A_156 = vector.broadcast %jit3A_155 : f32 to vector<16xf32>
      %select_n3A_157 = arith.select %eq3A_154, %get3A_151, %broadcast_in_dim3A_156 : vector<16xi1>, vector<16xf32>
      %reduce_sum3A_158 = arith.constant true
      %reduce_sum3A_159 = vector.broadcast %reduce_sum3A_158 : i1 to vector<16xi1>
      %reduce_sum3A_160 = tpu.scan <sum>, %select_n3A_157 masked %reduce_sum3A_159 : vector<16xf32>, vector<16xi1> -> vector<16xf32>
      %reduce_sum3A_161 = vector.extract %reduce_sum3A_160[15] : f32 from vector<16xf32>
      %eq3A_162 = arith.constant 2 : i32
      %eq3A_163 = vector.broadcast %eq3A_162 : i32 to vector<16xi32>
      %eq3A_164 = arith.cmpi eq, %iota3A, %eq3A_163 : vector<16xi32>
      %jit3A_165 = arith.constant 0.000000e+00 : f32
      %broadcast_in_dim3A_166 = vector.broadcast %reduce_sum3A_161 : f32 to vector<16xf32>
      %broadcast_in_dim3A_167 = vector.broadcast %jit3A_165 : f32 to vector<16xf32>
      %select_n3A_168 = arith.select %eq3A_164, %broadcast_in_dim3A_166, %broadcast_in_dim3A_167 : vector<16xi1>, vector<16xf32>
      %add3A_169 = arith.addf %add3A_144, %select_n3A_168 : vector<16xf32>
      %mul3A_170 = arith.constant 16 : i32
      %mul3A_171 = arith.muli %add3A, %mul3A_170 : i32
      %multiple_of3A_172 = tpu.assume_multiple %mul3A_171, 8 : i32
      %get3A_173 = arith.constant 3 : i32
      %get3A_174 = arith.index_cast %get3A_173 : i32 to index
      %get3A_175 = arith.index_cast %multiple_of3A_172 : i32 to index
      %get3A_176 = tpu.vector_load %arg11[%get3A_174, %get3A_175] {strides = array<i32>} : memref<16x128xf32, #tpu.memory_space<vmem>>, vector<16xf32>,
      %eq3A_177 = arith.constant 3 : i32
      %eq3A_178 = vector.broadcast %eq3A_177 : i32 to vector<16xi32>
      %eq3A_179 = arith.cmpi eq, %iota3A, %eq3A_178 : vector<16xi32>
      %jit3A_180 = arith.constant 0.000000e+00 : f32
      %broadcast_in_dim3A_181 = vector.broadcast %jit3A_180 : f32 to vector<16xf32>
      %select_n3A_182 = arith.select %eq3A_179, %get3A_176, %broadcast_in_dim3A_181 : vector<16xi1>, vector<16xf32>
      %reduce_sum3A_183 = arith.constant true
      %reduce_sum3A_184 = vector.broadcast %reduce_sum3A_183 : i1 to vector<16xi1>
      %reduce_sum3A_185 = tpu.scan <sum>, %select_n3A_182 masked %reduce_sum3A_184 : vector<16xf32>, vector<16xi1> -> vector<16xf32>
      %reduce_sum3A_186 = vector.extract %reduce_sum3A_185[15] : f32 from vector<16xf32>
      %eq3A_187 = arith.constant 3 : i32
      %eq3A_188 = vector.broadcast %eq3A_187 : i32 to vector<16xi32>
      %eq3A_189 = arith.cmpi eq, %iota3A, %eq3A_188 : vector<16xi32>
      %jit3A_190 = arith.constant 0.000000e+00 : f32
      %broadcast_in_dim3A_191 = vector.broadcast %reduce_sum3A_186 : f32 to vector<16xf32>
      %broadcast_in_dim3A_192 = vector.broadcast %jit3A_190 : f32 to vector<16xf32>
      %select_n3A_193 = arith.select %eq3A_189, %broadcast_in_dim3A_191, %broadcast_in_dim3A_192 : vector<16xi1>, vector<16xf32>
      %add3A_194 = arith.addf %add3A_169, %select_n3A_193 : vector<16xf32>
      %mul3A_195 = arith.constant 16 : i32
      %mul3A_196 = arith.muli %add3A, %mul3A_195 : i32
      %multiple_of3A_197 = tpu.assume_multiple %mul3A_196, 8 : i32
      %get3A_198 = arith.constant 4 : i32
      %get3A_199 = arith.index_cast %get3A_198 : i32 to index
      %get3A_200 = arith.index_cast %multiple_of3A_197 : i32 to index
      %get3A_201 = tpu.vector_load %arg11[%get3A_199, %get3A_200] {strides = array<i32>} : memref<16x128xf32, #tpu.memory_space<vmem>>, vector<16xf32>,
      %eq3A_202 = arith.constant 4 : i32
      %eq3A_203 = vector.broadcast %eq3A_202 : i32 to vector<16xi32>
      %eq3A_204 = arith.cmpi eq, %iota3A, %eq3A_203 : vector<16xi32>
      %jit3A_205 = arith.constant 0.000000e+00 : f32
      %broadcast_in_dim3A_206 = vector.broadcast %jit3A_205 : f32 to vector<16xf32>
      %select_n3A_207 = arith.select %eq3A_204, %get3A_201, %broadcast_in_dim3A_206 : vector<16xi1>, vector<16xf32>
      %reduce_sum3A_208 = arith.constant true
      %reduce_sum3A_209 = vector.broadcast %reduce_sum3A_208 : i1 to vector<16xi1>
      %reduce_sum3A_210 = tpu.scan <sum>, %select_n3A_207 masked %reduce_sum3A_209 : vector<16xf32>, vector<16xi1> -> vector<16xf32>
      %reduce_sum3A_211 = vector.extract %reduce_sum3A_210[15] : f32 from vector<16xf32>
      %eq3A_212 = arith.constant 4 : i32
      %eq3A_213 = vector.broadcast %eq3A_212 : i32 to vector<16xi32>
      %eq3A_214 = arith.cmpi eq, %iota3A, %eq3A_213 : vector<16xi32>
      %jit3A_215 = arith.constant 0.000000e+00 : f32
      %broadcast_in_dim3A_216 = vector.broadcast %reduce_sum3A_211 : f32 to vector<16xf32>
      %broadcast_in_dim3A_217 = vector.broadcast %jit3A_215 : f32 to vector<16xf32>
      %select_n3A_218 = arith.select %eq3A_214, %broadcast_in_dim3A_216, %broadcast_in_dim3A_217 : vector<16xi1>, vector<16xf32>
      %add3A_219 = arith.addf %add3A_194, %select_n3A_218 : vector<16xf32>
      %mul3A_220 = arith.constant 16 : i32
      %mul3A_221 = arith.muli %add3A, %mul3A_220 : i32
      %multiple_of3A_222 = tpu.assume_multiple %mul3A_221, 8 : i32
      %get3A_223 = arith.constant 5 : i32
      %get3A_224 = arith.index_cast %get3A_223 : i32 to index
      %get3A_225 = arith.index_cast %multiple_of3A_222 : i32 to index
      %get3A_226 = tpu.vector_load %arg11[%get3A_224, %get3A_225] {strides = array<i32>} : memref<16x128xf32, #tpu.memory_space<vmem>>, vector<16xf32>,
      %eq3A_227 = arith.constant 5 : i32
      %eq3A_228 = vector.broadcast %eq3A_227 : i32 to vector<16xi32>
      %eq3A_229 = arith.cmpi eq, %iota3A, %eq3A_228 : vector<16xi32>
      %jit3A_230 = arith.constant 0.000000e+00 : f32
      %broadcast_in_dim3A_231 = vector.broadcast %jit3A_230 : f32 to vector<16xf32>
      %select_n3A_232 = arith.select %eq3A_229, %get3A_226, %broadcast_in_dim3A_231 : vector<16xi1>, vector<16xf32>
      %reduce_sum3A_233 = arith.constant true
      %reduce_sum3A_234 = vector.broadcast %reduce_sum3A_233 : i1 to vector<16xi1>
      %reduce_sum3A_235 = tpu.scan <sum>, %select_n3A_232 masked %reduce_sum3A_234 : vector<16xf32>, vector<16xi1> -> vector<16xf32>
      %reduce_sum3A_236 = vector.extract %reduce_sum3A_235[15] : f32 from vector<16xf32>
      %eq3A_237 = arith.constant 5 : i32
      %eq3A_238 = vector.broadcast %eq3A_237 : i32 to vector<16xi32>
      %eq3A_239 = arith.cmpi eq, %iota3A, %eq3A_238 : vector<16xi32>
      %jit3A_240 = arith.constant 0.000000e+00 : f32
      %broadcast_in_dim3A_241 = vector.broadcast %reduce_sum3A_236 : f32 to vector<16xf32>
      %broadcast_in_dim3A_242 = vector.broadcast %jit3A_240 : f32 to vector<16xf32>
      %select_n3A_243 = arith.select %eq3A_239, %broadcast_in_dim3A_241, %broadcast_in_dim3A_242 : vector<16xi1>, vector<16xf32>
      %add3A_244 = arith.addf %add3A_219, %select_n3A_243 : vector<16xf32>
      %mul3A_245 = arith.constant 16 : i32
      %mul3A_246 = arith.muli %add3A, %mul3A_245 : i32
      %multiple_of3A_247 = tpu.assume_multiple %mul3A_246, 8 : i32
      %get3A_248 = arith.constant 6 : i32
      %get3A_249 = arith.index_cast %get3A_248 : i32 to index
      %get3A_250 = arith.index_cast %multiple_of3A_247 : i32 to index
      %get3A_251 = tpu.vector_load %arg11[%get3A_249, %get3A_250] {strides = array<i32>} : memref<16x128xf32, #tpu.memory_space<vmem>>, vector<16xf32>,
      %eq3A_252 = arith.constant 6 : i32
      %eq3A_253 = vector.broadcast %eq3A_252 : i32 to vector<16xi32>
      %eq3A_254 = arith.cmpi eq, %iota3A, %eq3A_253 : vector<16xi32>
      %jit3A_255 = arith.constant 0.000000e+00 : f32
      %broadcast_in_dim3A_256 = vector.broadcast %jit3A_255 : f32 to vector<16xf32>
      %select_n3A_257 = arith.select %eq3A_254, %get3A_251, %broadcast_in_dim3A_256 : vector<16xi1>, vector<16xf32>
      %reduce_sum3A_258 = arith.constant true
      %reduce_sum3A_259 = vector.broadcast %reduce_sum3A_258 : i1 to vector<16xi1>
      %reduce_sum3A_260 = tpu.scan <sum>, %select_n3A_257 masked %reduce_sum3A_259 : vector<16xf32>, vector<16xi1> -> vector<16xf32>
      %reduce_sum3A_261 = vector.extract %reduce_sum3A_260[15] : f32 from vector<16xf32>
      %eq3A_262 = arith.constant 6 : i32
      %eq3A_263 = vector.broadcast %eq3A_262 : i32 to vector<16xi32>
      %eq3A_264 = arith.cmpi eq, %iota3A, %eq3A_263 : vector<16xi32>
      %jit3A_265 = arith.constant 0.000000e+00 : f32
      %broadcast_in_dim3A_266 = vector.broadcast %reduce_sum3A_261 : f32 to vector<16xf32>
      %broadcast_in_dim3A_267 = vector.broadcast %jit3A_265 : f32 to vector<16xf32>
      %select_n3A_268 = arith.select %eq3A_264, %broadcast_in_dim3A_266, %broadcast_in_dim3A_267 : vector<16xi1>, vector<16xf32>
      %add3A_269 = arith.addf %add3A_244, %select_n3A_268 : vector<16xf32>
      %mul3A_270 = arith.constant 16 : i32
      %mul3A_271 = arith.muli %add3A, %mul3A_270 : i32
      %multiple_of3A_272 = tpu.assume_multiple %mul3A_271, 8 : i32
      %get3A_273 = arith.constant 7 : i32
      %get3A_274 = arith.index_cast %get3A_273 : i32 to index
      %get3A_275 = arith.index_cast %multiple_of3A_272 : i32 to index
      %get3A_276 = tpu.vector_load %arg11[%get3A_274, %get3A_275] {strides = array<i32>} : memref<16x128xf32, #tpu.memory_space<vmem>>, vector<16xf32>,
      %eq3A_277 = arith.constant 7 : i32
      %eq3A_278 = vector.broadcast %eq3A_277 : i32 to vector<16xi32>
      %eq3A_279 = arith.cmpi eq, %iota3A, %eq3A_278 : vector<16xi32>
      %jit3A_280 = arith.constant 0.000000e+00 : f32
      %broadcast_in_dim3A_281 = vector.broadcast %jit3A_280 : f32 to vector<16xf32>
      %select_n3A_282 = arith.select %eq3A_279, %get3A_276, %broadcast_in_dim3A_281 : vector<16xi1>, vector<16xf32>
      %reduce_sum3A_283 = arith.constant true
      %reduce_sum3A_284 = vector.broadcast %reduce_sum3A_283 : i1 to vector<16xi1>
      %reduce_sum3A_285 = tpu.scan <sum>, %select_n3A_282 masked %reduce_sum3A_284 : vector<16xf32>, vector<16xi1> -> vector<16xf32>
      %reduce_sum3A_286 = vector.extract %reduce_sum3A_285[15] : f32 from vector<16xf32>
      %eq3A_287 = arith.constant 7 : i32
      %eq3A_288 = vector.broadcast %eq3A_287 : i32 to vector<16xi32>
      %eq3A_289 = arith.cmpi eq, %iota3A, %eq3A_288 : vector<16xi32>
      %jit3A_290 = arith.constant 0.000000e+00 : f32
      %broadcast_in_dim3A_291 = vector.broadcast %reduce_sum3A_286 : f32 to vector<16xf32>
      %broadcast_in_dim3A_292 = vector.broadcast %jit3A_290 : f32 to vector<16xf32>
      %select_n3A_293 = arith.select %eq3A_289, %broadcast_in_dim3A_291, %broadcast_in_dim3A_292 : vector<16xi1>, vector<16xf32>
      %add3A_294 = arith.addf %add3A_269, %select_n3A_293 : vector<16xf32>
      %mul3A_295 = arith.constant 16 : i32
      %mul3A_296 = arith.muli %add3A, %mul3A_295 : i32
      %multiple_of3A_297 = tpu.assume_multiple %mul3A_296, 8 : i32
      %get3A_298 = arith.constant 8 : i32
      %get3A_299 = arith.index_cast %get3A_298 : i32 to index
      %get3A_300 = arith.index_cast %multiple_of3A_297 : i32 to index
      %get3A_301 = tpu.vector_load %arg11[%get3A_299, %get3A_300] {strides = array<i32>} : memref<16x128xf32, #tpu.memory_space<vmem>>, vector<16xf32>,
      %eq3A_302 = arith.constant 8 : i32
      %eq3A_303 = vector.broadcast %eq3A_302 : i32 to vector<16xi32>
      %eq3A_304 = arith.cmpi eq, %iota3A, %eq3A_303 : vector<16xi32>
      %jit3A_305 = arith.constant 0.000000e+00 : f32
      %broadcast_in_dim3A_306 = vector.broadcast %jit3A_305 : f32 to vector<16xf32>
      %select_n3A_307 = arith.select %eq3A_304, %get3A_301, %broadcast_in_dim3A_306 : vector<16xi1>, vector<16xf32>
      %reduce_sum3A_308 = arith.constant true
      %reduce_sum3A_309 = vector.broadcast %reduce_sum3A_308 : i1 to vector<16xi1>
      %reduce_sum3A_310 = tpu.scan <sum>, %select_n3A_307 masked %reduce_sum3A_309 : vector<16xf32>, vector<16xi1> -> vector<16xf32>
      %reduce_sum3A_311 = vector.extract %reduce_sum3A_310[15] : f32 from vector<16xf32>
      %eq3A_312 = arith.constant 8 : i32
      %eq3A_313 = vector.broadcast %eq3A_312 : i32 to vector<16xi32>
      %eq3A_314 = arith.cmpi eq, %iota3A, %eq3A_313 : vector<16xi32>
      %jit3A_315 = arith.constant 0.000000e+00 : f32
      %broadcast_in_dim3A_316 = vector.broadcast %reduce_sum3A_311 : f32 to vector<16xf32>
      %broadcast_in_dim3A_317 = vector.broadcast %jit3A_315 : f32 to vector<16xf32>
      %select_n3A_318 = arith.select %eq3A_314, %broadcast_in_dim3A_316, %broadcast_in_dim3A_317 : vector<16xi1>, vector<16xf32>
      %add3A_319 = arith.addf %add3A_294, %select_n3A_318 : vector<16xf32>
      %mul3A_320 = arith.constant 16 : i32
      %mul3A_321 = arith.muli %add3A, %mul3A_320 : i32
      %multiple_of3A_322 = tpu.assume_multiple %mul3A_321, 8 : i32
      %get3A_323 = arith.constant 9 : i32
      %get3A_324 = arith.index_cast %get3A_323 : i32 to index
      %get3A_325 = arith.index_cast %multiple_of3A_322 : i32 to index
      %get3A_326 = tpu.vector_load %arg11[%get3A_324, %get3A_325] {strides = array<i32>} : memref<16x128xf32, #tpu.memory_space<vmem>>, vector<16xf32>,
      %eq3A_327 = arith.constant 9 : i32
      %eq3A_328 = vector.broadcast %eq3A_327 : i32 to vector<16xi32>
      %eq3A_329 = arith.cmpi eq, %iota3A, %eq3A_328 : vector<16xi32>
      %jit3A_330 = arith.constant 0.000000e+00 : f32
      %broadcast_in_dim3A_331 = vector.broadcast %jit3A_330 : f32 to vector<16xf32>
      %select_n3A_332 = arith.select %eq3A_329, %get3A_326, %broadcast_in_dim3A_331 : vector<16xi1>, vector<16xf32>
      %reduce_sum3A_333 = arith.constant true
      %reduce_sum3A_334 = vector.broadcast %reduce_sum3A_333 : i1 to vector<16xi1>
      %reduce_sum3A_335 = tpu.scan <sum>, %select_n3A_332 masked %reduce_sum3A_334 : vector<16xf32>, vector<16xi1> -> vector<16xf32>
      %reduce_sum3A_336 = vector.extract %reduce_sum3A_335[15] : f32 from vector<16xf32>
      %eq3A_337 = arith.constant 9 : i32
      %eq3A_338 = vector.broadcast %eq3A_337 : i32 to vector<16xi32>
      %eq3A_339 = arith.cmpi eq, %iota3A, %eq3A_338 : vector<16xi32>
      %jit3A_340 = arith.constant 0.000000e+00 : f32
      %broadcast_in_dim3A_341 = vector.broadcast %reduce_sum3A_336 : f32 to vector<16xf32>
      %broadcast_in_dim3A_342 = vector.broadcast %jit3A_340 : f32 to vector<16xf32>
      %select_n3A_343 = arith.select %eq3A_339, %broadcast_in_dim3A_341, %broadcast_in_dim3A_342 : vector<16xi1>, vector<16xf32>
      %add3A_344 = arith.addf %add3A_319, %select_n3A_343 : vector<16xf32>
      %mul3A_345 = arith.constant 16 : i32
      %mul3A_346 = arith.muli %add3A, %mul3A_345 : i32
      %multiple_of3A_347 = tpu.assume_multiple %mul3A_346, 8 : i32
      %get3A_348 = arith.constant 10 : i32
      %get3A_349 = arith.index_cast %get3A_348 : i32 to index
      %get3A_350 = arith.index_cast %multiple_of3A_347 : i32 to index
      %get3A_351 = tpu.vector_load %arg11[%get3A_349, %get3A_350] {strides = array<i32>} : memref<16x128xf32, #tpu.memory_space<vmem>>, vector<16xf32>,
      %eq3A_352 = arith.constant 10 : i32
      %eq3A_353 = vector.broadcast %eq3A_352 : i32 to vector<16xi32>
      %eq3A_354 = arith.cmpi eq, %iota3A, %eq3A_353 : vector<16xi32>
      %jit3A_355 = arith.constant 0.000000e+00 : f32
      %broadcast_in_dim3A_356 = vector.broadcast %jit3A_355 : f32 to vector<16xf32>
      %select_n3A_357 = arith.select %eq3A_354, %get3A_351, %broadcast_in_dim3A_356 : vector<16xi1>, vector<16xf32>
      %reduce_sum3A_358 = arith.constant true
      %reduce_sum3A_359 = vector.broadcast %reduce_sum3A_358 : i1 to vector<16xi1>
      %reduce_sum3A_360 = tpu.scan <sum>, %select_n3A_357 masked %reduce_sum3A_359 : vector<16xf32>, vector<16xi1> -> vector<16xf32>
      %reduce_sum3A_361 = vector.extract %reduce_sum3A_360[15] : f32 from vector<16xf32>
      %eq3A_362 = arith.constant 10 : i32
      %eq3A_363 = vector.broadcast %eq3A_362 : i32 to vector<16xi32>
      %eq3A_364 = arith.cmpi eq, %iota3A, %eq3A_363 : vector<16xi32>
      %jit3A_365 = arith.constant 0.000000e+00 : f32
      %broadcast_in_dim3A_366 = vector.broadcast %reduce_sum3A_361 : f32 to vector<16xf32>
      %broadcast_in_dim3A_367 = vector.broadcast %jit3A_365 : f32 to vector<16xf32>
      %select_n3A_368 = arith.select %eq3A_364, %broadcast_in_dim3A_366, %broadcast_in_dim3A_367 : vector<16xi1>, vector<16xf32>
      %add3A_369 = arith.addf %add3A_344, %select_n3A_368 : vector<16xf32>
      %mul3A_370 = arith.constant 16 : i32
      %mul3A_371 = arith.muli %add3A, %mul3A_370 : i32
      %multiple_of3A_372 = tpu.assume_multiple %mul3A_371, 8 : i32
      %get3A_373 = arith.constant 11 : i32
      %get3A_374 = arith.index_cast %get3A_373 : i32 to index
      %get3A_375 = arith.index_cast %multiple_of3A_372 : i32 to index
      %get3A_376 = tpu.vector_load %arg11[%get3A_374, %get3A_375] {strides = array<i32>} : memref<16x128xf32, #tpu.memory_space<vmem>>, vector<16xf32>,
      %eq3A_377 = arith.constant 11 : i32
      %eq3A_378 = vector.broadcast %eq3A_377 : i32 to vector<16xi32>
      %eq3A_379 = arith.cmpi eq, %iota3A, %eq3A_378 : vector<16xi32>
      %jit3A_380 = arith.constant 0.000000e+00 : f32
      %broadcast_in_dim3A_381 = vector.broadcast %jit3A_380 : f32 to vector<16xf32>
      %select_n3A_382 = arith.select %eq3A_379, %get3A_376, %broadcast_in_dim3A_381 : vector<16xi1>, vector<16xf32>
      %reduce_sum3A_383 = arith.constant true
      %reduce_sum3A_384 = vector.broadcast %reduce_sum3A_383 : i1 to vector<16xi1>
      %reduce_sum3A_385 = tpu.scan <sum>, %select_n3A_382 masked %reduce_sum3A_384 : vector<16xf32>, vector<16xi1> -> vector<16xf32>
      %reduce_sum3A_386 = vector.extract %reduce_sum3A_385[15] : f32 from vector<16xf32>
      %eq3A_387 = arith.constant 11 : i32
      %eq3A_388 = vector.broadcast %eq3A_387 : i32 to vector<16xi32>
      %eq3A_389 = arith.cmpi eq, %iota3A, %eq3A_388 : vector<16xi32>
      %jit3A_390 = arith.constant 0.000000e+00 : f32
      %broadcast_in_dim3A_391 = vector.broadcast %reduce_sum3A_386 : f32 to vector<16xf32>
      %broadcast_in_dim3A_392 = vector.broadcast %jit3A_390 : f32 to vector<16xf32>
      %select_n3A_393 = arith.select %eq3A_389, %broadcast_in_dim3A_391, %broadcast_in_dim3A_392 : vector<16xi1>, vector<16xf32>
      %add3A_394 = arith.addf %add3A_369, %select_n3A_393 : vector<16xf32>
      %mul3A_395 = arith.constant 16 : i32
      %mul3A_396 = arith.muli %add3A, %mul3A_395 : i32
      %multiple_of3A_397 = tpu.assume_multiple %mul3A_396, 8 : i32
      %get3A_398 = arith.constant 12 : i32
      %get3A_399 = arith.index_cast %get3A_398 : i32 to index
      %get3A_400 = arith.index_cast %multiple_of3A_397 : i32 to index
      %get3A_401 = tpu.vector_load %arg11[%get3A_399, %get3A_400] {strides = array<i32>} : memref<16x128xf32, #tpu.memory_space<vmem>>, vector<16xf32>,
      %eq3A_402 = arith.constant 12 : i32
      %eq3A_403 = vector.broadcast %eq3A_402 : i32 to vector<16xi32>
      %eq3A_404 = arith.cmpi eq, %iota3A, %eq3A_403 : vector<16xi32>
      %jit3A_405 = arith.constant 0.000000e+00 : f32
      %broadcast_in_dim3A_406 = vector.broadcast %jit3A_405 : f32 to vector<16xf32>
      %select_n3A_407 = arith.select %eq3A_404, %get3A_401, %broadcast_in_dim3A_406 : vector<16xi1>, vector<16xf32>
      %reduce_sum3A_408 = arith.constant true
      %reduce_sum3A_409 = vector.broadcast %reduce_sum3A_408 : i1 to vector<16xi1>
      %reduce_sum3A_410 = tpu.scan <sum>, %select_n3A_407 masked %reduce_sum3A_409 : vector<16xf32>, vector<16xi1> -> vector<16xf32>
      %reduce_sum3A_411 = vector.extract %reduce_sum3A_410[15] : f32 from vector<16xf32>
      %eq3A_412 = arith.constant 12 : i32
      %eq3A_413 = vector.broadcast %eq3A_412 : i32 to vector<16xi32>
      %eq3A_414 = arith.cmpi eq, %iota3A, %eq3A_413 : vector<16xi32>
      %jit3A_415 = arith.constant 0.000000e+00 : f32
      %broadcast_in_dim3A_416 = vector.broadcast %reduce_sum3A_411 : f32 to vector<16xf32>
      %broadcast_in_dim3A_417 = vector.broadcast %jit3A_415 : f32 to vector<16xf32>
      %select_n3A_418 = arith.select %eq3A_414, %broadcast_in_dim3A_416, %broadcast_in_dim3A_417 : vector<16xi1>, vector<16xf32>
      %add3A_419 = arith.addf %add3A_394, %select_n3A_418 : vector<16xf32>
      %mul3A_420 = arith.constant 16 : i32
      %mul3A_421 = arith.muli %add3A, %mul3A_420 : i32
      %multiple_of3A_422 = tpu.assume_multiple %mul3A_421, 8 : i32
      %get3A_423 = arith.constant 13 : i32
      %get3A_424 = arith.index_cast %get3A_423 : i32 to index
      %get3A_425 = arith.index_cast %multiple_of3A_422 : i32 to index
      %get3A_426 = tpu.vector_load %arg11[%get3A_424, %get3A_425] {strides = array<i32>} : memref<16x128xf32, #tpu.memory_space<vmem>>, vector<16xf32>,
      %eq3A_427 = arith.constant 13 : i32
      %eq3A_428 = vector.broadcast %eq3A_427 : i32 to vector<16xi32>
      %eq3A_429 = arith.cmpi eq, %iota3A, %eq3A_428 : vector<16xi32>
      %jit3A_430 = arith.constant 0.000000e+00 : f32
      %broadcast_in_dim3A_431 = vector.broadcast %jit3A_430 : f32 to vector<16xf32>
      %select_n3A_432 = arith.select %eq3A_429, %get3A_426, %broadcast_in_dim3A_431 : vector<16xi1>, vector<16xf32>
      %reduce_sum3A_433 = arith.constant true
      %reduce_sum3A_434 = vector.broadcast %reduce_sum3A_433 : i1 to vector<16xi1>
      %reduce_sum3A_435 = tpu.scan <sum>, %select_n3A_432 masked %reduce_sum3A_434 : vector<16xf32>, vector<16xi1> -> vector<16xf32>
      %reduce_sum3A_436 = vector.extract %reduce_sum3A_435[15] : f32 from vector<16xf32>
      %eq3A_437 = arith.constant 13 : i32
      %eq3A_438 = vector.broadcast %eq3A_437 : i32 to vector<16xi32>
      %eq3A_439 = arith.cmpi eq, %iota3A, %eq3A_438 : vector<16xi32>
      %jit3A_440 = arith.constant 0.000000e+00 : f32
      %broadcast_in_dim3A_441 = vector.broadcast %reduce_sum3A_436 : f32 to vector<16xf32>
      %broadcast_in_dim3A_442 = vector.broadcast %jit3A_440 : f32 to vector<16xf32>
      %select_n3A_443 = arith.select %eq3A_439, %broadcast_in_dim3A_441, %broadcast_in_dim3A_442 : vector<16xi1>, vector<16xf32>
      %add3A_444 = arith.addf %add3A_419, %select_n3A_443 : vector<16xf32>
      %mul3A_445 = arith.constant 16 : i32
      %mul3A_446 = arith.muli %add3A, %mul3A_445 : i32
      %multiple_of3A_447 = tpu.assume_multiple %mul3A_446, 8 : i32
      %get3A_448 = arith.constant 14 : i32
      %get3A_449 = arith.index_cast %get3A_448 : i32 to index
      %get3A_450 = arith.index_cast %multiple_of3A_447 : i32 to index
      %get3A_451 = tpu.vector_load %arg11[%get3A_449, %get3A_450] {strides = array<i32>} : memref<16x128xf32, #tpu.memory_space<vmem>>, vector<16xf32>,
      %eq3A_452 = arith.constant 14 : i32
      %eq3A_453 = vector.broadcast %eq3A_452 : i32 to vector<16xi32>
      %eq3A_454 = arith.cmpi eq, %iota3A, %eq3A_453 : vector<16xi32>
      %jit3A_455 = arith.constant 0.000000e+00 : f32
      %broadcast_in_dim3A_456 = vector.broadcast %jit3A_455 : f32 to vector<16xf32>
      %select_n3A_457 = arith.select %eq3A_454, %get3A_451, %broadcast_in_dim3A_456 : vector<16xi1>, vector<16xf32>
      %reduce_sum3A_458 = arith.constant true
      %reduce_sum3A_459 = vector.broadcast %reduce_sum3A_458 : i1 to vector<16xi1>
      %reduce_sum3A_460 = tpu.scan <sum>, %select_n3A_457 masked %reduce_sum3A_459 : vector<16xf32>, vector<16xi1> -> vector<16xf32>
      %reduce_sum3A_461 = vector.extract %reduce_sum3A_460[15] : f32 from vector<16xf32>
      %eq3A_462 = arith.constant 14 : i32
      %eq3A_463 = vector.broadcast %eq3A_462 : i32 to vector<16xi32>
      %eq3A_464 = arith.cmpi eq, %iota3A, %eq3A_463 : vector<16xi32>
      %jit3A_465 = arith.constant 0.000000e+00 : f32
      %broadcast_in_dim3A_466 = vector.broadcast %reduce_sum3A_461 : f32 to vector<16xf32>
      %broadcast_in_dim3A_467 = vector.broadcast %jit3A_465 : f32 to vector<16xf32>
      %select_n3A_468 = arith.select %eq3A_464, %broadcast_in_dim3A_466, %broadcast_in_dim3A_467 : vector<16xi1>, vector<16xf32>
      %add3A_469 = arith.addf %add3A_444, %select_n3A_468 : vector<16xf32>
      %mul3A_470 = arith.constant 16 : i32
      %mul3A_471 = arith.muli %add3A, %mul3A_470 : i32
      %multiple_of3A_472 = tpu.assume_multiple %mul3A_471, 8 : i32
      %get3A_473 = arith.constant 15 : i32
      %get3A_474 = arith.index_cast %get3A_473 : i32 to index
      %get3A_475 = arith.index_cast %multiple_of3A_472 : i32 to index
      %get3A_476 = tpu.vector_load %arg11[%get3A_474, %get3A_475] {strides = array<i32>} : memref<16x128xf32, #tpu.memory_space<vmem>>, vector<16xf32>,
      %eq3A_477 = arith.constant 15 : i32
      %eq3A_478 = vector.broadcast %eq3A_477 : i32 to vector<16xi32>
      %eq3A_479 = arith.cmpi eq, %iota3A, %eq3A_478 : vector<16xi32>
      %jit3A_480 = arith.constant 0.000000e+00 : f32
      %broadcast_in_dim3A_481 = vector.broadcast %jit3A_480 : f32 to vector<16xf32>
      %select_n3A_482 = arith.select %eq3A_479, %get3A_476, %broadcast_in_dim3A_481 : vector<16xi1>, vector<16xf32>
      %reduce_sum3A_483 = arith.constant true
      %reduce_sum3A_484 = vector.broadcast %reduce_sum3A_483 : i1 to vector<16xi1>
      %reduce_sum3A_485 = tpu.scan <sum>, %select_n3A_482 masked %reduce_sum3A_484 : vector<16xf32>, vector<16xi1> -> vector<16xf32>
      %reduce_sum3A_486 = vector.extract %reduce_sum3A_485[15] : f32 from vector<16xf32>
      %eq3A_487 = arith.constant 15 : i32
      %eq3A_488 = vector.broadcast %eq3A_487 : i32 to vector<16xi32>
      %eq3A_489 = arith.cmpi eq, %iota3A, %eq3A_488 : vector<16xi32>
      %jit3A_490 = arith.constant 0.000000e+00 : f32
      %broadcast_in_dim3A_491 = vector.broadcast %reduce_sum3A_486 : f32 to vector<16xf32>
      %broadcast_in_dim3A_492 = vector.broadcast %jit3A_490 : f32 to vector<16xf32>
      %select_n3A_493 = arith.select %eq3A_489, %broadcast_in_dim3A_491, %broadcast_in_dim3A_492 : vector<16xi1>, vector<16xf32>
      %add3A_494 = arith.addf %add3A_469, %select_n3A_493 : vector<16xf32>
      %swap3A = arith.constant 0 : index
      %swap3A_495 = tpu.vector_load %arg15[%swap3A] {strides = array<i32>} : memref<16xf32, #tpu.memory_space<vmem>>, vector<16xf32>,
      tpu.vector_store %arg15[%swap3A], %add3A_494 {strides = array<i32>} : memref<16xf32, #tpu.memory_space<vmem>>, vector<16xf32>,
      "tpu.region"() ({
        %run_scoped3A = tpu.sem_alloc : memref<!tpu.dma_semaphore, #tpu.memory_space<semaphore_mem>>
        %dma_start3A_496 = arith.constant 0 : i32
        %dma_start3A_497 = tpu.memref_slice %arg7[%add3A, %dma_start3A_496] : memref<8x16xf32, #tpu.memory_space<hbm>> -> memref<1x16xf32, #tpu.memory_space<hbm>>
        %dma_start3A_498 = tpu.memref_squeeze %dma_start3A_497 : memref<1x16xf32, #tpu.memory_space<hbm>> -> memref<16xf32, #tpu.memory_space<hbm>>
        %dma_start3A_499 = arith.constant 0 : i32
        %dma_start3A_500 = tpu.memref_slice %arg7[%add3A, %dma_start3A_499] : memref<8x16xf32, #tpu.memory_space<hbm>> -> memref<1x16xf32, #tpu.memory_space<hbm>>
        %dma_start3A_501 = tpu.memref_squeeze %dma_start3A_500 : memref<1x16xf32, #tpu.memory_space<hbm>> -> memref<16xf32, #tpu.memory_space<hbm>>
        tpu.enqueue_dma source(%arg15 : memref<16xf32, #tpu.memory_space<vmem>>) target(%dma_start3A_501 : memref<16xf32, #tpu.memory_space<hbm>>) target_semaphore(%run_scoped3A : memref<!tpu.dma_semaphore, #tpu.memory_space<semaphore_mem>>)
        %dma_wait3A_502 = arith.constant 0 : i32
        %dma_wait3A_503 = tpu.memref_slice %arg7[%add3A, %dma_wait3A_502] : memref<8x16xf32, #tpu.memory_space<hbm>> -> memref<1x16xf32, #tpu.memory_space<hbm>>
        %dma_wait3A_504 = tpu.memref_squeeze %dma_wait3A_503 : memref<1x16xf32, #tpu.memory_space<hbm>> -> memref<16xf32, #tpu.memory_space<hbm>>
        %dma_wait3A_505 = arith.constant 0 : i32
        %dma_wait3A_506 = tpu.memref_slice %arg7[%add3A, %dma_wait3A_505] : memref<8x16xf32, #tpu.memory_space<hbm>> -> memref<1x16xf32, #tpu.memory_space<hbm>>
        %dma_wait3A_507 = tpu.memref_squeeze %dma_wait3A_506 : memref<1x16xf32, #tpu.memory_space<hbm>> -> memref<16xf32, #tpu.memory_space<hbm>>
        tpu.wait_dma2 semaphore(%run_scoped3A : memref<!tpu.dma_semaphore, #tpu.memory_space<semaphore_mem>>) src(%arg15 : memref<16xf32, #tpu.memory_space<vmem>>) dst(%dma_wait3A_507 : memref<16xf32, #tpu.memory_space<hbm>>)
        tpu.yield
      }) : () -> ()
    } else {
    }
    "tpu.region"() ({
      %run_scoped3A = tpu.sem_alloc : memref<!tpu.dma_semaphore, #tpu.memory_space<semaphore_mem>>
      %dma_start3A_98 = arith.constant 0 : i32
      %dma_start3A_99 = tpu.memref_slice %arg4[%add3A, %dma_start3A_98] : memref<32x128xf32, #tpu.memory_space<hbm>> -> memref<1x128xf32, #tpu.memory_space<hbm>>
      %dma_start3A_100 = tpu.memref_squeeze %dma_start3A_99 : memref<1x128xf32, #tpu.memory_space<hbm>> -> memref<128xf32, #tpu.memory_space<hbm>>
      %dma_start3A_101 = arith.constant 0 : i32
      %dma_start3A_102 = tpu.memref_slice %arg4[%add3A, %dma_start3A_101] : memref<32x128xf32, #tpu.memory_space<hbm>> -> memref<1x128xf32, #tpu.memory_space<hbm>>
      %dma_start3A_103 = tpu.memref_squeeze %dma_start3A_102 : memref<1x128xf32, #tpu.memory_space<hbm>> -> memref<128xf32, #tpu.memory_space<hbm>>
      tpu.enqueue_dma source(%arg12 : memref<128xf32, #tpu.memory_space<vmem>>) target(%dma_start3A_103 : memref<128xf32, #tpu.memory_space<hbm>>) target_semaphore(%run_scoped3A : memref<!tpu.dma_semaphore, #tpu.memory_space<semaphore_mem>>)
      %dma_wait3A_104 = arith.constant 0 : i32
      %dma_wait3A_105 = tpu.memref_slice %arg4[%add3A, %dma_wait3A_104] : memref<32x128xf32, #tpu.memory_space<hbm>> -> memref<1x128xf32, #tpu.memory_space<hbm>>
      %dma_wait3A_106 = tpu.memref_squeeze %dma_wait3A_105 : memref<1x128xf32, #tpu.memory_space<hbm>> -> memref<128xf32, #tpu.memory_space<hbm>>
      %dma_wait3A_107 = arith.constant 0 : i32
      %dma_wait3A_108 = tpu.memref_slice %arg4[%add3A, %dma_wait3A_107] : memref<32x128xf32, #tpu.memory_space<hbm>> -> memref<1x128xf32, #tpu.memory_space<hbm>>
      %dma_wait3A_109 = tpu.memref_squeeze %dma_wait3A_108 : memref<1x128xf32, #tpu.memory_space<hbm>> -> memref<128xf32, #tpu.memory_space<hbm>>
      tpu.wait_dma2 semaphore(%run_scoped3A : memref<!tpu.dma_semaphore, #tpu.memory_space<semaphore_mem>>) src(%arg12 : memref<128xf32, #tpu.memory_space<vmem>>) dst(%dma_wait3A_109 : memref<128xf32, #tpu.memory_space<hbm>>)
      tpu.yield
    }) : () -> ()
    "tpu.region"() ({
      %run_scoped3A = tpu.sem_alloc : memref<!tpu.dma_semaphore, #tpu.memory_space<semaphore_mem>>
      %dma_start3A_98 = arith.constant 0 : i32
      %dma_start3A_99 = tpu.memref_slice %arg5[%add3A, %dma_start3A_98] : memref<32x128xi32, #tpu.memory_space<hbm>> -> memref<1x128xi32, #tpu.memory_space<hbm>>
      %dma_start3A_100 = tpu.memref_squeeze %dma_start3A_99 : memref<1x128xi32, #tpu.memory_space<hbm>> -> memref<128xi32, #tpu.memory_space<hbm>>
      %dma_start3A_101 = arith.constant 0 : i32
      %dma_start3A_102 = tpu.memref_slice %arg5[%add3A, %dma_start3A_101] : memref<32x128xi32, #tpu.memory_space<hbm>> -> memref<1x128xi32, #tpu.memory_space<hbm>>
      %dma_start3A_103 = tpu.memref_squeeze %dma_start3A_102 : memref<1x128xi32, #tpu.memory_space<hbm>> -> memref<128xi32, #tpu.memory_space<hbm>>
      tpu.enqueue_dma source(%arg13 : memref<128xi32, #tpu.memory_space<vmem>>) target(%dma_start3A_103 : memref<128xi32, #tpu.memory_space<hbm>>) target_semaphore(%run_scoped3A : memref<!tpu.dma_semaphore, #tpu.memory_space<semaphore_mem>>)
      %dma_wait3A_104 = arith.constant 0 : i32
      %dma_wait3A_105 = tpu.memref_slice %arg5[%add3A, %dma_wait3A_104] : memref<32x128xi32, #tpu.memory_space<hbm>> -> memref<1x128xi32, #tpu.memory_space<hbm>>
      %dma_wait3A_106 = tpu.memref_squeeze %dma_wait3A_105 : memref<1x128xi32, #tpu.memory_space<hbm>> -> memref<128xi32, #tpu.memory_space<hbm>>
      %dma_wait3A_107 = arith.constant 0 : i32
      %dma_wait3A_108 = tpu.memref_slice %arg5[%add3A, %dma_wait3A_107] : memref<32x128xi32, #tpu.memory_space<hbm>> -> memref<1x128xi32, #tpu.memory_space<hbm>>
      %dma_wait3A_109 = tpu.memref_squeeze %dma_wait3A_108 : memref<1x128xi32, #tpu.memory_space<hbm>> -> memref<128xi32, #tpu.memory_space<hbm>>
      tpu.wait_dma2 semaphore(%run_scoped3A : memref<!tpu.dma_semaphore, #tpu.memory_space<semaphore_mem>>) src(%arg13 : memref<128xi32, #tpu.memory_space<vmem>>) dst(%dma_wait3A_109 : memref<128xi32, #tpu.memory_space<hbm>>)
      tpu.yield
    }) : () -> ()
    "tpu.region"() ({
      %run_scoped3A = tpu.sem_alloc : memref<!tpu.dma_semaphore, #tpu.memory_space<semaphore_mem>>
      %dma_start3A_98 = arith.constant 0 : i32
      %dma_start3A_99 = tpu.memref_slice %arg6[%add3A, %dma_start3A_98] : memref<32x128xf32, #tpu.memory_space<hbm>> -> memref<1x128xf32, #tpu.memory_space<hbm>>
      %dma_start3A_100 = tpu.memref_squeeze %dma_start3A_99 : memref<1x128xf32, #tpu.memory_space<hbm>> -> memref<128xf32, #tpu.memory_space<hbm>>
      %dma_start3A_101 = arith.constant 0 : i32
      %dma_start3A_102 = tpu.memref_slice %arg6[%add3A, %dma_start3A_101] : memref<32x128xf32, #tpu.memory_space<hbm>> -> memref<1x128xf32, #tpu.memory_space<hbm>>
      %dma_start3A_103 = tpu.memref_squeeze %dma_start3A_102 : memref<1x128xf32, #tpu.memory_space<hbm>> -> memref<128xf32, #tpu.memory_space<hbm>>
      tpu.enqueue_dma source(%arg14 : memref<128xf32, #tpu.memory_space<vmem>>) target(%dma_start3A_103 : memref<128xf32, #tpu.memory_space<hbm>>) target_semaphore(%run_scoped3A : memref<!tpu.dma_semaphore, #tpu.memory_space<semaphore_mem>>)
      %dma_wait3A_104 = arith.constant 0 : i32
      %dma_wait3A_105 = tpu.memref_slice %arg6[%add3A, %dma_wait3A_104] : memref<32x128xf32, #tpu.memory_space<hbm>> -> memref<1x128xf32, #tpu.memory_space<hbm>>
      %dma_wait3A_106 = tpu.memref_squeeze %dma_wait3A_105 : memref<1x128xf32, #tpu.memory_space<hbm>> -> memref<128xf32, #tpu.memory_space<hbm>>
      %dma_wait3A_107 = arith.constant 0 : i32
      %dma_wait3A_108 = tpu.memref_slice %arg6[%add3A, %dma_wait3A_107] : memref<32x128xf32, #tpu.memory_space<hbm>> -> memref<1x128xf32, #tpu.memory_space<hbm>>
      %dma_wait3A_109 = tpu.memref_squeeze %dma_wait3A_108 : memref<1x128xf32, #tpu.memory_space<hbm>> -> memref<128xf32, #tpu.memory_space<hbm>>
      tpu.wait_dma2 semaphore(%run_scoped3A : memref<!tpu.dma_semaphore, #tpu.memory_space<semaphore_mem>>) src(%arg14 : memref<128xf32, #tpu.memory_space<vmem>>) dst(%dma_wait3A_109 : memref<128xf32, #tpu.memory_space<hbm>>)
      tpu.yield
    }) : () -> ()
    return
  }
}

module attributes {stable_mosaic.version = 14 : i64} {
  func.func @_merge_body(%arg0: memref<32x128xf32, #tpu.memory_space<vmem>>, %arg1: memref<32x128xi32, #tpu.memory_space<vmem>>, %arg2: memref<32x128xf32, #tpu.memory_space<vmem>>, %arg3: memref<1x128xf32, #tpu.memory_space<vmem>>, %arg4: memref<1x128xf32, #tpu.memory_space<vmem>>, %arg5: memref<1x128xi32, #tpu.memory_space<vmem>>) attributes {dimension_semantics = [], scalar_prefetch = 0 : i64, scratch_operands = 0 : i64, tpu.core_type = #tpu.core_type<tc>} {
    %get3A = arith.constant 0 : index
    %get3A_0 = arith.constant 0 : index
    %get3A_1 = vector.load %arg0[%get3A, %get3A_0] : memref<32x128xf32, #tpu.memory_space<vmem>>, vector<32x128xf32>
    %get3A_2 = arith.constant 0 : index
    %get3A_3 = arith.constant 0 : index
    %get3A_4 = vector.load %arg1[%get3A_2, %get3A_3] : memref<32x128xi32, #tpu.memory_space<vmem>>, vector<32x128xi32>
    %get3A_5 = arith.constant 0 : index
    %get3A_6 = arith.constant 0 : index
    %get3A_7 = vector.load %arg2[%get3A_5, %get3A_6] : memref<32x128xf32, #tpu.memory_space<vmem>>, vector<32x128xf32>
    %get3A_8 = arith.constant 0 : index
    %get3A_9 = arith.constant 0 : index
    %get3A_10 = vector.load %arg3[%get3A_8, %get3A_9] : memref<1x128xf32, #tpu.memory_space<vmem>>, vector<1x128xf32>
    %reduce_max3A = arith.constant dense<0xFF800000> : vector<128xf32>
    %reduce_max3A_11 = vector.multi_reduction <maximumf>, %get3A_1, %reduce_max3A [0] : vector<32x128xf32> to vector<128xf32>
    %broadcast_in_dim3A = vector.shape_cast %reduce_max3A_11 : vector<128xf32> to vector<1x128xf32>
    %eq3A = vector.broadcast %broadcast_in_dim3A : vector<1x128xf32> to vector<32x128xf32>
    %eq3A_12 = arith.cmpf oeq, %get3A_1, %eq3A : vector<32x128xf32>
    %jit3A = arith.constant 2147483647 : i32
    %broadcast_in_dim3A_13 = vector.broadcast %jit3A : i32 to vector<32x128xi32>
    %select_n3A = arith.select %eq3A_12, %get3A_4, %broadcast_in_dim3A_13 : vector<32x128xi1>, vector<32x128xi32>
    %reduce_min3A = arith.constant dense<2147483647> : vector<128xi32>
    %reduce_min3A_14 = vector.multi_reduction <minsi>, %select_n3A, %reduce_min3A [0] : vector<32x128xi32> to vector<128xi32>
    %broadcast_in_dim3A_15 = vector.shape_cast %reduce_min3A_14 : vector<128xi32> to vector<1x128xi32>
    %swap3A = arith.constant 0 : index
    %swap3A_16 = arith.constant 0 : index
    %swap3A_17 = vector.load %arg5[%swap3A, %swap3A_16] : memref<1x128xi32, #tpu.memory_space<vmem>>, vector<1x128xi32>
    tpu.vector_store %arg5[%swap3A, %swap3A_16], %broadcast_in_dim3A_15 {strides = array<i32>} : memref<1x128xi32, #tpu.memory_space<vmem>>, vector<1x128xi32>,
    %reduce_sum3A = arith.constant dense<0.000000e+00> : vector<128xf32>
    %reduce_sum3A_18 = vector.multi_reduction <add>, %get3A_7, %reduce_sum3A [0] : vector<32x128xf32> to vector<128xf32>
    %broadcast_in_dim3A_19 = vector.shape_cast %reduce_sum3A_18 : vector<128xf32> to vector<1x128xf32>
    %log3A = math.log %broadcast_in_dim3A_19 : vector<1x128xf32>
    %sub3A = arith.subf %get3A_10, %log3A : vector<1x128xf32>
    %swap3A_20 = arith.constant 0 : index
    %swap3A_21 = arith.constant 0 : index
    %swap3A_22 = vector.load %arg4[%swap3A_20, %swap3A_21] : memref<1x128xf32, #tpu.memory_space<vmem>>, vector<1x128xf32>
    tpu.vector_store %arg4[%swap3A_20, %swap3A_21], %sub3A {strides = array<i32>} : memref<1x128xf32, #tpu.memory_space<vmem>>, vector<1x128xf32>,
    return
  }
}

</mosaic_0001>

<sc_bundles>
// kernel: kernel.4.cloned.1.call-start
scs
__scs_entry_jumppad:
0x0: {  	(pc) =	sbr.rel $0x88, $3  }
0x1: {  	(tag) =	ssettag $0x0;
	lr =	simm.s32 $0x1  }
0x2: {  	[smem:$0x3F9F] =	sst lr;
	_ =	strace $0xD0000000  }
0x3: {  	_ = 	snop  }
0x4: {  	_ = 	snop  }
0x5: {  	_ = 	snop  }
0x6: {  	_ = 	snop  }
0x7: {  	_ = 	snop  }
__scs_overlays_trampoline_lowered:
0x8: {  	[smem:$0x3FAE] =	sst s0  }
0x9: {  	[smem:$0x3FAF] =	sst s1  }
0xa: {  	[smem:$0x3FB0] =	sst s2  }
0xb: {  	[smem:$0x3FB1] =	sst s3  }
0xc: {  	[smem:$0x3FB2] =	sst s4  }
0xd: {  	[smem:$0x3FB3] =	sst s5  }
0xe: {  	[smem:$0x3FB4] =	sst s6  }
0xf: {  	[smem:$0x3FB5] =	sst s7  }
0x10: {  	[smem:$0x3FB6] =	sst s8  }
0x11: {  	[smem:$0x3FB7] =	sst s9;
	s0 =	simm.s32 @!p0 $0x0  }
0x12: {  	s1 =	sld [smem:$0x3F9D];
	s0 =	simm.s32 @p0 $0x1  }
0x13: {  	[smem:$0x3FB8] =	sst s0;
	s0 =	simm.s32 @!p1 $0x0  }
0x14: {  	s2 =	sld [smem:$0x3F9C];
	s0 =	simm.s32 @p1 $0x1  }
0x15: {  	[smem:$0x3FB9] =	sst s0;
	s0 =	simm.s32 @!p2 $0x0  }
0x16: {  	s3 =	sld [smem:$0x3FDB];
	s0 =	simm.s32 @p2 $0x1  }
0x17: {  	s4 =	simm.s32 $0x1BF5;
	[smem:$0x3FBB] =	sst s0  }
0x18: {  	s0 =	sld [smem:$0x3F9E];
	_ =	swait.ge [sflag:s4], $0x0  }
0x19: {  	s7 =	sld [smem:$0x3F9F]  }
0x1a: {  	s8 =	sadd.s32 $0xFFFFE003, lr  }
0x1b: {  	s9 =	sadd.s32 $0xFFFFFEF7, lr;
	s5 =	simm.s32 $0xFFFFFFFF;
	p2 =	slt.u32 s8, $0xFFFFF086  }
0x1c: {  	p1 =	slt.u32 s9, $0xF7A;
	s5 =	simm.s32 @!p2 $0x0  }
0x1d: {  	s5 =	simm.s32 @p1 $0x1;
	p0 =	seq.s32 s7, s2  }
0x1e: {  	s7 =	smul.u32 @!p0 $0xF7A, s2;
	p2 =	seq.s32 @!p0 s5, $0x0  }
0x1f: {  	s9 =	smul.u32 $0xF7A, s1;
	s8 =	simm.s32 @!p0 $0x1BF5;
	p2 =	por !p2, p0  }
0x20: {  	[sflag:s8] =	ssyncset.s32 @!p0 $0xFFFFF086;
	s6 =	sadd.s32 @!p0 s3, s7;
	s7 =	simm.s32 @!p0 $0x108  }
0x21: {  	s3 =	sadd.s32 s3, s9;
	s6 =	sadd.s32 @!p0 $0x88, s6;
	s7 =	simm.s32 @p2 $0x1082  }
0x22: {  	[simem:s7], [sflag:s8] =	dma.local @!p0 [hbm:s6], $0xF7A  }
0x23: {  	s9 =	sor.u32 $0xD0000000, s2;
	s6 =	simm.s32 $0x108;
	_ =	swait.ge @!p0 [sflag:s8], $0x0  }
0x24: {  	s3 =	sadd.s32 $0x88, s3;
	s6 =	simm.s32 @!p1 $0x1082;
	[sflag:s4] =	ssyncset.s32 $0xFFFFF086  }
0x25: {  	[simem:s6], [sflag:s4] =	dma.local [hbm:s3], $0xF7A  }
0x26: {  	[smem:$0x3F9F] =	sst s1;
	(tag) =	ssettag s2;
	_ =	strace s9  }
0x27: {  	s1 =	sld [smem:$0x3FAF]  }
0x28: {  	s2 =	sld [smem:$0x3FB0]  }
0x29: {  	s4 =	sld [smem:$0x3FB2]  }
0x2a: {  	p0 =	seq.s32 s5, $0x0;
	s5 =	sld [smem:$0x3FB3]  }
0x2b: {  	s6 =	sld [smem:$0x3FB4]  }
0x2c: {  	s7 =	sld [smem:$0x3FB5]  }
0x2d: {  	s3 =	simm.s32 $0x108;
	s8 =	sld [smem:$0x3FB6]  }
0x2e: {  	s3 =	simm.s32 @!p0 $0x1082;
	s9 =	sld [smem:$0x3FB7]  }
0x2f: {  	lr =	sadd.s32 s0, s3;
	s0 =	sld [smem:$0x3FAE]  }
0x30: {  	s3 =	sld [smem:$0x3FB1]  }
0x31: {  	[smem:$0x3FBA] =	sst s10  }
0x32: {  	s10 =	sld [smem:$0x3FB8];
	_ =	sdelay $0x3  }
0x33: {  	p0 =	seq.s32 s10, $0x1;
	s10 =	sld [smem:$0x3FBA];
	_ =	sdelay $0x3  }
0x34: {  	[smem:$0x3FBA] =	sst s10  }
0x35: {  	s10 =	sld [smem:$0x3FB9];
	_ =	sdelay $0x3  }
0x36: {  	p1 =	seq.s32 s10, $0x1;
	s10 =	sld [smem:$0x3FBA];
	_ =	sdelay $0x3  }
0x37: {  	[smem:$0x3FBA] =	sst s10  }
0x38: {  	s10 =	sld [smem:$0x3FBB]  }
0x39: {  	_ = 	snop;
	(pc) =	sbr.ind lr, $3  }
0x3a: {  	_ = 	snop  }
0x3b: {  	_ = 	snop  }
0x3c: {  	p2 =	seq.s32 s10, $0x1;
	s10 =	sld [smem:$0x3FBA]  }
0x3d: {  	_ =	shalt  }
0x3e: {  	_ =	shalt  }
0x3f: {  	_ =	shalt  }
0x40: {  	_ =	shalt  }
0x41: {  	_ =	shalt  }
0x42: {  	_ =	shalt  }
0x43: {  	_ =	shalt  }
0x44: {  	_ =	shalt  }
0x45: {  	_ =	shalt  }
0x46: {  	_ =	shalt  }
0x47: {  	_ =	shalt  }
0x48: {  	_ =	shalt  }
0x49: {  	_ =	shalt  }
0x4a: {  	_ =	shalt  }
0x4b: {  	_ =	shalt  }
0x4c: {  	_ =	shalt  }
0x4d: {  	_ =	shalt  }
0x4e: {  	_ =	shalt  }
0x4f: {  	_ =	shalt  }
0x50: {  	_ =	shalt  }
0x51: {  	_ =	shalt  }
0x52: {  	_ =	shalt  }
0x53: {  	_ =	shalt  }
0x54: {  	_ =	shalt  }
0x55: {  	_ =	shalt  }
0x56: {  	_ =	shalt  }
0x57: {  	_ =	shalt  }
0x58: {  	_ =	shalt  }
0x59: {  	_ =	shalt  }
0x5a: {  	_ =	shalt  }
0x5b: {  	_ =	shalt  }
0x5c: {  	_ =	shalt  }
0x5d: {  	_ =	shalt  }
0x5e: {  	_ =	shalt  }
0x5f: {  	_ =	shalt  }
0x60: {  	_ =	shalt  }
0x61: {  	_ =	shalt  }
0x62: {  	_ =	shalt  }
0x63: {  	_ =	shalt  }
0x64: {  	_ =	shalt  }
0x65: {  	_ =	shalt  }
0x66: {  	_ =	shalt  }
0x67: {  	_ =	shalt  }
0x68: {  	_ =	shalt  }
0x69: {  	_ =	shalt  }
0x6a: {  	_ =	shalt  }
0x6b: {  	_ =	shalt  }
0x6c: {  	_ =	shalt  }
0x6d: {  	_ =	shalt  }
0x6e: {  	_ =	shalt  }
0x6f: {  	_ =	shalt  }
0x70: {  	_ =	shalt  }
0x71: {  	_ =	shalt  }
0x72: {  	_ =	shalt  }
0x73: {  	_ =	shalt  }
0x74: {  	_ =	shalt  }
0x75: {  	_ =	shalt  }
0x76: {  	_ =	shalt  }
0x77: {  	_ =	shalt  }
0x78: {  	_ =	shalt  }
0x79: {  	_ =	shalt  }
0x7a: {  	_ =	shalt  }
0x7b: {  	_ =	shalt  }
0x7c: {  	_ =	shalt  }
0x7d: {  	_ =	shalt  }
0x7e: {  	_ =	shalt  }
0x7f: {  	_ =	shalt  }
0x80: {  	_ =	shalt  }
0x81: {  	_ =	shalt  }
0x82: {  	_ =	shalt  }
0x83: {  	_ =	shalt  }
0x84: {  	_ =	shalt  }
0x85: {  	_ =	shalt  }
0x86: {  	_ =	shalt  }
0x87: {  	_ =	shalt  }
.Lfunc_end0:
.L_simem_size_0:
called_computation_lowered:
.L_overlay_start_0:
0x88: {  	s2 =	sld [smem:$0x3FD9]  }
0x89: {  	s3 =	sld [smem:$0x3FFE];
	_ =	sdelay $0x1  }
0x8a: {  	s1 =	srdreg.scid  }
0x8b: {  	s0 =	sand.u32 $0x1, s1  }
0x8c: {  	s17 =	sshll.u32 s0, $0xA;
	s2 =	sadd.s32 s3, s2  }
0x8d: {  	s2 =	sadd.s32 s2, s17  }
0x8e: {  	[smem:$0x3FC6] =	sst s2  }
0x8f: {  	_ = 	snop  }
0x90: {  	s2 =	sld [smem:$0x3FC9]  }
0x91: {  	s18 =	sld [smem:$0x3FC8];
	(tm) =	ssettm $0x1  }
0x92: {  	s4 =	sld [smem:$0x3FFB];
	_ =	sdelay $0x3  }
0x93: {  	_ =	strace s4  }
0x94: {  	s4 =	sld [smem:$0x3FFC];
	_ =	sdelay $0x3  }
0x95: {  	_ =	strace s4  }
0x96: {  	s4 =	sld [smem:$0x3FFD];
	_ =	sdelay $0x3  }
0x97: {  	_ =	strace s4  }
0x98: {  	_ =	strace $0x8FFFFFFF  }
0x99: {  	s19 =	sld [smem:$0x3FDB];
	_ =	sdelay $0x1  }
0x9a: {  	s5 =	simm.s32 $_scs_section_size  }
0x9b: {  	s6 =	simm.s32 $_size__tile_overlayer_lowered;
	s7 =	simm.s32 $_tile_overlayer_lowered  }
0x9c: {  	s22 =	simm.s32 $0x1BFF;
	s21 =	sshll.u32 s7, $0x1;
	s4 =	sadd.s32 s5, s19  }
0x9d: {  	s8 =	simm.s32 $0x0;
	s20 =	sshll.u32 s6, $0x1;
	s6 =	sadd.s32 s21, s4  }
0x9e: {  	[timem:s8], [sflag:s22] =	dma.local [hbm:s6], s20  }
0x9f: {  	_ =	swait.ge [sflag:s22], s20  }
0xa0: {  	s5 =	ssub.s32 $0x0, s20;
	[sflag:s22] =	ssyncset.done $0x0  }
0xa1: {  	[sflag:s22] =	ssyncadd.s32 s5;
	_ =	sdelay $0x1  }
0xa2: {  	s23 =	simm.s32 $0x1B8B  }
0xa3: {  	_ =	swait.ge [sflag:s23], $0x1  }
0xa4: {  	[sflag:s23] =	ssyncset.done $0x0  }
0xa5: {  	s25 =	simm.s32 $0x1B8E;
	s24 =	sld [smem:$0x3FFE];
	[sflag:s23] =	ssyncadd.s32 $0xFFFFFFFF  }
0xa6: {  	s26 =	simm.s32 $execute0_lowered;
	[smem:$0x3FD2] =	sst s25  }
0xa7: {  	s6 =	sshll.u32 s26, $0x1;
	_ =	strace $0x80000046;
	[dreg:$0x1] =	wrdreg $0xFFFFFFFF  }
0xa8: {  	s28 =	simm.s32 $_size_execute0_lowered;
	s4 =	sadd.s32 s4, s6;
	[dreg:$0x0] =	wrdreg $0x0  }
0xa9: {  	s6 =	sshll.u32 s28, $0x1;
	[dreg:$0x2] =	wrdreg s4  }
0xaa: {  	[dreg:$0x3] =	wrdreg s6  }
0xab: {  	[dreg:$0x4] =	wrdreg $0xC0  }
0xac: {  	_ =	task [dreg:s8], $0x5FFFF  }
0xad: {  	[dreg:$0x1] =	wrdreg $0xFFFFFFFF  }
0xae: {  	[dreg:$0x0] =	wrdreg $0x60  }
0xaf: {  	[dreg:$0x2] =	wrdreg s2  }
0xb0: {  	[dreg:$0x3] =	wrdreg s18  }
0xb1: {  	[dreg:$0x4] =	wrdreg s24  }
0xb2: {  	[dreg:$0x5] =	wrdreg $0x9  }
0xb3: {  	_ =	task.clear_ibuf [dreg:s8], $0x6FFFF;
	_ =	strace $0x90000046  }
0xb4: {  	s29 =	simm.s32 $0x9;
	_ =	strace $0x80000048  }
0xb5: {  	_ =	swait.ge [sflag:s29], $0x1  }
0xb6: {  	[sflag:s29] =	ssyncadd.s32 $0xFFFFFFFF  }
0xb7: {  	_ =	strace $0x90000048  }
0xb8: {  	_ =	sfence  }
0xb9: {  	s30 =	sld [smem:$0x0];
	_ =	sdelay $0x2  }
0xba: {  	s31 =	sshll.u32 s1, $0xD;
	s1 =	sshrl.u32 s1, $0x2  }
0xbb: {  	s3 =	sand.u32 $0x4000, s31;
	s1 =	sadd.s32 s1, s30  }
0xbc: {  	s0 =	sor.u32 s3, s0;
	s1 =	sshll.u32 s1, $0x11  }
0xbd: {  	s0 =	sor.u32 s1, s0  }
0xbe: {  	s0 =	sadd.s32 $0x8F2B, s0  }
0xbf: {  	[sflag:s0] =	ssyncadd.remote.s32 $0x1  }
0xc0: {  	_ =	sfence.sel $0xFFFF  }
0xc1: {  	[dreg:$0x0] =	wrdreg $0xFFFFFFFF;
	(pc) =	sbr.abs _section_cstart, $3  }
0xc2: {  	[dreg:$0x1] =	wrdreg $0xFFFFFFFF  }
0xc3: {  	_ =	task.clear_ibuf [dreg:s8], $0x2FFFF;
	_ =	strace $0x9FFFFFFF  }
0xc4: {  	(tm) =	ssettm $0x7FFFFFFF  }
0xc5: {  	_ =	shalt  }
tec
execute0_lowered:
.L_overlay_start_1:
0x0: {  	(tag) =	ssettag $0x1  }
0x1: {  	s1 =	rddreg [dreg:$0x0]  }
0x2: {  	s0 =	srdreg.scid;
	s2 =	rddreg [dreg:$0x1]  }
0x3: {  	s16 =	stileid.u32;
	s5 =	rddreg [dreg:$0x2]  }
0x4: {  	s4 =	simm.s32 $0x0;
	s31 =	simm.s32 $0x0;
	s0 =	sand.u32 $0x1, s0  }
0x5: {  	[smem:$0x7FF] =	sst s4;
	s19 =	sshll.u32 s16, $0x1;
	s3 =	sshll.u32 s0, $0x4  }
0x6: {  	_ =	strace $0x80000047;
	s17 =	ssub.s32 $0x2, s0;
	s20 =	sand.u32 $0xE, s19  }
0x7: {  	s0 =	smul.u32 $0xC300, s0;
	s19 =	simm.s32 $0x4;
	s14 =	sor.u32 s16, s3  }
0x8: {  	s3 =	sshll.u32 s16, $0x4;
	s18 =	sshrl.u32 s17, $0x1;
	s16 =	smul.u32 $0xC30, s16  }
0x9: {  	s6 =	sshll.u32 s14, $0x4;
	s7 =	sand.u32 $0x70, s3;
	s8 =	smul.u32 $0x186, s14  }
0xa: {  	s10 =	sadd.s32 s3, s5;
	s15 =	ssub.s32 s17, s18;
	s21 =	smul.u32 $0xC300, s14  }
0xb: {  	s22 =	sshll.u32 s14, $0x3;
	s29 =	sshll.u32 s14, $0x7;
	s18 =	simm.s32 $0xD000  }
0xc: {  	p0 =	sgt.u32 s14, $0x13;
	p1 =	sgt.u32 s14, $0x7;
	s6 =	sand.u32 $0x180, s6  }
0xd: {  	s23 =	sor.u32 $0x18600, s22;
	s9 =	sor.u32 $0x18601, s22;
	s11 =	sor.u32 $0x18602, s22  }
0xe: {  	s24 =	sor.u32 $0x18603, s22;
	s25 =	sor.u32 $0x18604, s22;
	s12 =	sor.u32 $0x18605, s22  }
0xf: {  	s26 =	sor.u32 $0x18606, s22;
	s28 =	sor.u32 $0x18607, s22;
	s30 =	sadd.s32 s29, s1  }
0x10: {  	s10 =	sadd.s32 $0x1000, s10;
	s0 =	sadd.s32 s16, s0;
	s15 =	smax.u32 s15, $0x1  }
0x11: {  	vm4 =	vcmask $0x2B30;
	s22 =	simm.s32 $0x6800;
	s6 =	sor.u32 s7, s6;
	s7 =	sadd.s32 $0x1A, s8  }
.Ltmp0:
0x12: {  	vm5 =	vcmask $0x2F2C;
	vm6 =	vcmask $0x2F34;
	vm7 =	vcmask $0x3330;
	s8 =	sadd.s32 $0x34, s8;
	s17 =	sadd.s32 $0xB60, s0;
	(pc) =	sbr.rel .LBB2_1-.Ltmp0, $4  }
0x13: {  	v0 =	vmov s23;
	v3 =	vmov s24;
	v4 =	vmov s25;
	s23 =	simm.s32 $0x1;
	s24 =	simm.s32 $0x2;
	s25 =	simm.s32 $0x3  }
0x14: {  	vm8 =	vcmask $0x3338;
	vm9 =	vcmask $0x3734;
	vm10 =	vcmask $0x373C;
	s13 =	sadd.s32 s6, s5;
	s5 =	sadd.s32 s2, s20;
	s2 =	sadd.s32 $0x186000, s30  }
0x15: {  	vm11 =	vcmask $0x3B38;
	v1 =	vmov s9;
	v2 =	vmov s11;
	s6 =	sadd.s32 s1, s21;
	[dreg:$0x4] =	wrdreg s2;
	s11 =	sadd.s32 $0x1200, s13  }
0x16: {  	v5 =	vmov s12;
	v6 =	vmov s26;
	v7 =	vmov s28;
	s12 =	sadd.s32 $0x1400, s13;
	s13 =	sadd.s32 $0x1600, s13;
	s2 =	sadd.s32 $0xD0, s0  }
.LBB2_13:
0x17: {  	s9 =	simm.s32 $0xD880  }
0x18: {  	[hbm4b:s11+s4] =	stream.linear.scatter [tilespmem:s9], [sflag:$0x4], $0x80, $0x38;
	[tilespmem:$0xDA80] =	vst v63  }
0x19: {  	_ =	swait.ge [sflag:s19], $0x80  }
0x1a: {  	[sflag:s19] =	ssyncset.done $0x0  }
0x1b: {  	s29 =	simm.s32 $0xD900;
	[sflag:s19] =	ssyncadd.s32 $0xFFFFFF80  }
0x1c: {  	[hbm4b:s12+s4] =	stream.linear.scatter [tilespmem:s29], [sflag:$0x4], $0x80, $0x38;
	[tilespmem:$0xDA80] =	vst v63  }
0x1d: {  	s31 =	sadd.s32 $0x1, s31;
	_ =	swait.ge [sflag:s19], $0x80  }
0x1e: {  	p2 =	sne.s32 s31, s15;
	[sflag:s19] =	ssyncset.done $0x0  }
.Ltmp1:
0x1f: {  	s30 =	simm.s32 $0xD980;
	[sflag:s19] =	ssyncadd.s32 $0xFFFFFF80;
	(pc) =	sbr.rel @!p2 .LBB2_14-.Ltmp1, $4  }
0x20: {  	[hbm4b:s13+s4] =	stream.linear.scatter [tilespmem:s30], [sflag:$0x4], $0x80, $0x38;
	[tilespmem:$0xDA80] =	vst v63  }
0x21: {  	_ =	swait.ge [sflag:s19], $0x80  }
0x22: {  	[sflag:s19] =	ssyncset.done $0x0  }
0x23: {  	[sflag:s19] =	ssyncadd.s32 $0xFFFFFF80  }
.LBB2_1:
0x24: {  	v21 =	vimm.f32 $-Inf;
	v15 =	vimm.s32 $0x0;
	v8 =	vimm.f32 $0.0e+00  }
0x25: {  	[tilespmem:s18], [sflag:$0x4] =	stream.linear.gather [hbm4b:s5+s4], $0x10, $0x38;
	v9 =	vimm.f32 $0.0e+00;
	v10 =	vimm.f32 $0.0e+00;
	v11 =	vimm.f32 $0.0e+00;
	[tilespmem:$0xDA80] =	vst v63  }
0x26: {  	v12 =	vimm.f32 $0.0e+00;
	v13 =	vimm.f32 $0.0e+00;
	v14 =	vimm.f32 $0.0e+00;
	_ =	swait.ge [sflag:s19], $0x10  }
0x27: {  	v22 =	vimm.f32 $0.0e+00;
	v27 =	vimm.s32 $0x0;
	v16 =	vimm.s32 $0x0;
	[sflag:s19] =	ssyncset.done $0x0  }
0x28: {  	s9 =	simm.s32 $0x10;
	s14 =	simm.s32 $0xD080;
	v17 =	vimm.s32 $0x0;
	v18 =	vimm.s32 $0x0;
	v19 =	vimm.s32 $0x0;
	[sflag:s19] =	ssyncadd.s32 $0xFFFFFFF0  }
0x29: {  	v24 =	vimm.s32 $0x0;
	v25 =	vimm.s32 $0x0;
	v20 =	vimm.f32 $-Inf;
	[tilespmem:s14], [sflag:$0x3] =	stream.indirect.gather [hbm4b:s1+s9], $0x80, s18, s9, $0xb8;
	[tilespmem:$0xDA80] =	vst v63  }
0x2a: {  	v23 =	vimm.f32 $-Inf;
	v28 =	vimm.f32 $-Inf;
	v26 =	vimm.f32 $-Inf;
	s16 =	smov.u32 s2;
	s26 =	simm.s32 $0x0;
	s14 =	smov.u32 s0  }
0x2b: {  	v31 =	vimm.f32 $-Inf;
	v30 =	vimm.f32 $-Inf;
	v29 =	vimm.f32 $-Inf;
	[tilespmem:s4], [sflag:$0x1] =	stream.linear.gather [hbm4b:s6+s4], $0x6800, $0x38;
	[tilespmem:$0xDA80] =	vst v63  }
.LBB2_2:
0x2c: {  	s20 =	smul.u32 $0x34, s26;
	_ =	sdelay $0x1  }
0x2d: {  	s21 =	sadd.s32 s20, s7  }
0x2e: {  	s21 =	sshll.u32 s21, $0x7  }
0x2f: {  	s21 =	sand.u32 $0x1FFFFF00, s21  }
0x30: {  	s28 =	simm.s32 $0x0;
	s21 =	sadd.s32 s1, s21  }
0x31: {  	[tilespmem:s22], [sflag:$0x2] =	stream.linear.gather [hbm4b:s21+s28], $0x6800, $0x38;
	[tilespmem:$0xDA80] =	vst v63  }
0x32: {  	_ =	swait.ge [sflag:s23], $0x6800  }
0x33: {  	[sflag:s23] =	ssyncset.done $0x0  }
0x34: {  	s9 =	simm.s32 $0x40;
	[sflag:s23] =	ssyncadd.s32 $0xFFFF9800  }
0x35: {  	v32 =	vld [tilespmem:s9+$0xFFFFFFC0]  }
0x36: {  	v33 =	vld [tilespmem:s9+$0xFFFFFFD0]  }
0x37: {  	v34 =	vld [tilespmem:s9+$0xFFFFFFE0]  }
0x38: {  	v35 =	vld [tilespmem:s9+$0xFFFFFFF0]  }
0x39: {  	v37 =	vld [tilespmem:s9+$0x0]  }
0x3a: {  	v38 =	vld [tilespmem:s9+$0x10]  }
0x3b: {  	v39 =	vld [tilespmem:s9+$0x20]  }
0x3c: {  	s29 =	simm.s32 $0xC0;
	v41 =	vld [tilespmem:s9+$0x30];
	v36 =	vmul.f32 $1.442695020e+00, v32  }
0x3d: {  	v47 =	vld [tilespmem:s29+$0x0];
	v57 =	vmul.f32 $1.442695020e+00, v33;
	v40 =	vmul.f32 $1.442695020e+00, v34  }
0x3e: {  	vm12 =	vgt.f32 v32, v29;
	vm13 =	vgt.f32 v33, v30;
	v42 =	vmul.f32 $1.442695020e+00, v35  }
0x3f: {  	v58 =	vmul.f32 $1.442695020e+00, v37;
	vm14 =	vgt.f32 v34, v31;
	(erf) = vpow2.f32 v36  }
0x40: {  	vm15 =	vgt.f32 v35, v26;
	vm1 =	vgt.f32 v37, v28;
	vm2 =	vgt.f32 v38, v23  }
0x41: {  	v60 =	vld [tilespmem:s29+$0xFFFFFFD0];
	vm3 =	vgt.f32 v39, v20;
	vm0 =	vgt.f32 v41, v21;
	v59 =	vmul.f32 $1.442695020e+00, v39  }
0x42: {  	v62 =	vld [tilespmem:s29+$0xFFFFFFE0];
	v61 =	vmul.f32 $1.442695020e+00, v41;
	v43 =	vmul.f32 $1.442695020e+00, v47;
	v29 =	vsel vm12, v32, v29  }
0x43: {  	v63 =	vld [tilespmem:s29+$0xFFFFFFF0];
	v30 =	vsel vm13, v33, v30;
	v44 =	vsel vm14, v34, v31;
	(erf) = vpow2.f32 v57  }
0x44: {  	v45 =	vsel vm15, v35, v26;
	v46 =	vsel vm1, v37, v28;
	v31 =	vld [tilespmem:s29+$0xFFFFFFC0];
	(erf) = vpow2.f32 v40  }
0x45: {  	v23 =	vsel vm2, v38, v23;
	v28 =	vmul.f32 $1.442695020e+00, v38;
	v32 =	vld [tilespmem:s29+$0x10];
	(erf) = vpow2.f32 v42  }
0x46: {  	s9 =	sadd.s32 $0x0, s14;
	v20 =	vsel vm3, v39, v20;
	v21 =	vsel vm0, v41, v21;
	v34 =	vld [tilespmem:s29+$0x30];
	(erf) = vpow2.f32 v58  }
0x47: {  	v25 =	vsel vm12, s9, v25;
	v24 =	vsel vm13, s9, v24;
	(erf) = vpow2.f32 v28  }
0x48: {  	v41 =	vmul.f32 $1.442695020e+00, v62;
	v15 =	vsel vm0, s9, v15;
	v26 =	vpop (erf);
	(erf) = vpow2.f32 v59  }
0x49: {  	vm13 =	vgt.f32 v47, v46;
	v28 =	vmul.f32 $1.442695020e+00, v31;
	(erf) = vpow2.f32 v61  }
0x4a: {  	v33 =	vld [tilespmem:s29+$0x20];
	v40 =	vmul.f32 $1.442695020e+00, v60;
	v42 =	vmul.f32 $1.442695020e+00, v63;
	vm0 =	vgt.f32 v32, v23  }
0x4b: {  	vm12 =	vgt.f32 v34, v21;
	v26 =	vadd.f32 v26, v22;
	(erf) = vpow2.f32 v28  }
0x4c: {  	v22 =	vsel vm14, s9, v19;
	v19 =	vsel vm15, s9, v18;
	v18 =	vsel vm1, s9, v17;
	v35 =	vpop (erf)  }
0x4d: {  	v17 =	vsel vm2, s9, v16;
	v16 =	vsel vm3, s9, v27;
	vm1 =	vgt.f32 v31, v29;
	v36 =	vpop (erf)  }
0x4e: {  	vm15 =	vgt.f32 v60, v30;
	vm3 =	vgt.f32 v62, v44;
	vm2 =	vgt.f32 v63, v45;
	v37 =	vpop (erf)  }
0x4f: {  	v27 =	vsel vm13, v47, v46;
	vm14 =	vgt.f32 v33, v20;
	v31 =	vsel vm1, v31, v29;
	v38 =	vpop (erf)  }
0x50: {  	s30 =	simm.s32 $0x3;
	s28 =	simm.s32 $0x1;
	s21 =	simm.s32 $0x2;
	v29 =	vsel vm15, v60, v30;
	v30 =	vsel vm3, v62, v44;
	v28 =	vsel vm2, v63, v45;
	v39 =	vpop (erf)  }
.LBB2_3:
0x51: {  	p2 =	sne.s32 s30, $0xCF;
	v23 =	vsel vm0, v32, v23;
	v20 =	vsel vm14, v33, v20;
	v21 =	vsel vm12, v34, v21;
	v44 =	vpop (erf)  }
0x52: {  	v32 =	vmul.f32 $1.442695020e+00, v32;
	v33 =	vmul.f32 $1.442695020e+00, v33;
	v14 =	vadd.f32 v35, v14;
	v35 =	vpop (erf)  }
0x53: {  	v34 =	vmul.f32 $1.442695020e+00, v34;
	s29 =	sadd.s32 $0x80, s29;
	v13 =	vadd.f32 v36, v13;
	(erf) = vpow2.f32 v40  }
0x54: {  	v12 =	vadd.f32 v37, v12;
	v11 =	vadd.f32 v38, v11;
	v36 =	vld [tilespmem:s29+$0xFFFFFFC0];
	v40 =	vpop (erf);
	(erf) = vpow2.f32 v41  }
0x55: {  	v10 =	vadd.f32 v39, v10;
	v37 =	vld [tilespmem:s29+$0xFFFFFFD0];
	v26 =	vadd.f32 v40, v26;
	(erf) = vpow2.f32 v42  }
0x56: {  	s9 =	sadd.s32 s28, s14;
	s28 =	smov.u32 s21;
	s21 =	smov.u32 s30;
	v9 =	vadd.f32 v44, v9;
	v8 =	vadd.f32 v35, v8;
	v38 =	vld [tilespmem:s29+$0xFFFFFFE0];
	(erf) = vpow2.f32 v43  }
0x57: {  	v25 =	vsel vm1, s9, v25;
	v24 =	vsel vm15, s9, v24;
	v39 =	vld [tilespmem:s29+$0xFFFFFFF0];
	(erf) = vpow2.f32 v32  }
0x58: {  	v22 =	vsel vm3, s9, v22;
	v19 =	vsel vm2, s9, v19;
	v44 =	vld [tilespmem:s29+$0x0];
	(erf) = vpow2.f32 v33  }
0x59: {  	v18 =	vsel vm13, s9, v18;
	v43 =	vmul.f32 $1.442695020e+00, v36;
	v32 =	vld [tilespmem:s29+$0x10];
	(erf) = vpow2.f32 v34  }
0x5a: {  	v17 =	vsel vm0, s9, v17;
	v16 =	vsel vm14, s9, v16;
	v40 =	vmul.f32 $1.442695020e+00, v37;
	v33 =	vld [tilespmem:s29+$0x20]  }
0x5b: {  	v15 =	vsel vm12, s9, v15;
	v41 =	vmul.f32 $1.442695020e+00, v38;
	v34 =	vld [tilespmem:s29+$0x30];
	(erf) = vpow2.f32 v43  }
.Ltmp2:
0x5c: {  	vm1 =	vgt.f32 v36, v31;
	vm15 =	vgt.f32 v37, v29;
	v42 =	vmul.f32 $1.442695020e+00, v39;
	v35 =	vpop (erf);
	(pc) =	sbr.rel @p2 .LBB2_3-.Ltmp2, $4  }
0x5d: {  	v31 =	vsel vm1, v36, v31;
	v29 =	vsel vm15, v37, v29;
	v43 =	vmul.f32 $1.442695020e+00, v44;
	v36 =	vpop (erf)  }
0x5e: {  	vm3 =	vgt.f32 v38, v30;
	vm2 =	vgt.f32 v39, v28;
	vm13 =	vgt.f32 v44, v27;
	v37 =	vpop (erf)  }
0x5f: {  	v30 =	vsel vm3, v38, v30;
	v28 =	vsel vm2, v39, v28;
	v27 =	vsel vm13, v44, v27;
	v38 =	vpop (erf)  }
0x60: {  	s30 =	sadd.s32 $0x1, s30;
	vm0 =	vgt.f32 v32, v23;
	vm14 =	vgt.f32 v33, v20;
	vm12 =	vgt.f32 v34, v21;
	v39 =	vpop (erf)  }
0x61: {  	s9 =	sadd.s32 $0x80, s29  }
0x62: {  	(erf) = vpow2.f32 v40;
	v40 =	vld [tilespmem:s9+$0xFFFFFFC0]  }
0x63: {  	(erf) = vpow2.f32 v41;
	v41 =	vld [tilespmem:s9+$0xFFFFFFD0]  }
0x64: {  	v44 =	vmul.f32 $1.442695020e+00, v32;
	(erf) = vpow2.f32 v42;
	v42 =	vld [tilespmem:s9+$0xFFFFFFE0]  }
0x65: {  	v45 =	vmul.f32 $1.442695020e+00, v33;
	(erf) = vpow2.f32 v43;
	v43 =	vld [tilespmem:s9+$0xFFFFFFF0]  }
0x66: {  	v46 =	vmul.f32 $1.442695020e+00, v34;
	(erf) = vpow2.f32 v44;
	v44 =	vld [tilespmem:s9+$0x0]  }
0x67: {  	v47 =	vld [tilespmem:s9+$0x10];
	(erf) = vpow2.f32 v45  }
0x68: {  	v48 =	vpop (erf);
	v49 =	vld [tilespmem:s9+$0x20];
	v61 =	vmul.f32 $1.442695020e+00, v40;
	(erf) = vpow2.f32 v46  }
0x69: {  	v62 =	vmul.f32 $1.442695020e+00, v41;
	v51 =	vmul.f32 $1.442695020e+00, v42  }
0x6a: {  	v50 =	vpop (erf);
	v52 =	vld [tilespmem:s9+$0x30];
	(erf) = vpow2.f32 v61;
	v53 =	vmul.f32 $1.442695020e+00, v43  }
0x6b: {  	v63 =	vpop (erf);
	(erf) = vpow2.f32 v62;
	v54 =	vmul.f32 $1.442695020e+00, v44  }
0x6c: {  	v55 =	vmul.f32 $1.442695020e+00, v47;
	v46 =	vpop (erf);
	(erf) = vpow2.f32 v51  }
0x6d: {  	v56 =	vmul.f32 $1.442695020e+00, v49;
	v51 =	vpop (erf);
	(erf) = vpow2.f32 v53  }
0x6e: {  	v53 =	vpop (erf);
	(erf) = vpow2.f32 v54  }
0x6f: {  	v57 =	vmul.f32 $1.442695020e+00, v52;
	v54 =	vpop (erf);
	(erf) = vpow2.f32 v55  }
0x70: {  	v55 =	vpop (erf);
	(erf) = vpow2.f32 v56  }
0x71: {  	v56 =	vpop (erf);
	(erf) = vpow2.f32 v57  }
0x72: {  	v14 =	vadd.f32 v35, v14;
	v60 =	vpop (erf)  }
0x73: {  	v23 =	vsel vm0, v32, v23;
	v13 =	vadd.f32 v36, v13;
	v12 =	vadd.f32 v37, v12;
	v61 =	vpop (erf)  }
0x74: {  	v20 =	vsel vm14, v33, v20;
	v11 =	vadd.f32 v38, v11;
	v10 =	vadd.f32 v39, v10;
	v62 =	vpop (erf)  }
0x75: {  	v21 =	vsel vm12, v34, v21;
	v9 =	vadd.f32 v48, v9;
	v8 =	vadd.f32 v50, v8;
	s9 =	sadd.s32 s28, s14;
	v34 =	vpop (erf)  }
0x76: {  	s20 =	sadd.s32 s20, s8;
	v26 =	vadd.f32 v63, v26;
	v25 =	vsel vm1, s9, v25;
	v24 =	vsel vm15, s9, v24;
	v63 =	vpop (erf)  }
0x77: {  	s20 =	sshll.u32 s20, $0x7;
	v22 =	vsel vm3, s9, v22;
	v19 =	vsel vm2, s9, v19;
	v18 =	vsel vm13, s9, v18;
	v36 =	vpop (erf)  }
0x78: {  	s20 =	sand.u32 $0x1FFFFF00, s20;
	v17 =	vsel vm0, s9, v17;
	v16 =	vsel vm14, s9, v16;
	v15 =	vsel vm12, s9, v15;
	v48 =	vpop (erf)  }
0x79: {  	s20 =	sadd.s32 s1, s20;
	s28 =	simm.s32 $0x0;
	vm1 =	vgt.f32 v40, v31;
	vm15 =	vgt.f32 v41, v29;
	vm0 =	vgt.f32 v47, v23;
	v45 =	vpop (erf)  }
0x7a: {  	[tilespmem:s28], [sflag:$0x1] =	stream.linear.gather [hbm4b:s20+s28], $0x6800, $0x38;
	vm14 =	vgt.f32 v49, v20;
	vm12 =	vgt.f32 v52, v21;
	v31 =	vsel vm1, v40, v31;
	v50 =	vpop (erf);
	[tilespmem:$0xDA80] =	vst v63  }
0x7b: {  	s21 =	sadd.s32 s21, s14;
	v29 =	vsel vm15, v41, v29;
	vm3 =	vgt.f32 v42, v30;
	v23 =	vsel vm0, v47, v23;
	_ =	swait.ge [sflag:s24], $0x6800  }
0x7c: {  	v20 =	vsel vm14, v49, v20;
	v21 =	vsel vm12, v52, v21;
	v25 =	vsel vm1, s21, v25;
	[sflag:s24] =	ssyncset.done $0x0  }
0x7d: {  	s30 =	simm.s32 $0x6840;
	v24 =	vsel vm15, s21, v24;
	v17 =	vsel vm0, s21, v17;
	v16 =	vsel vm14, s21, v16;
	[sflag:s24] =	ssyncadd.s32 $0xFFFF9800  }
0x7e: {  	v15 =	vsel vm12, s21, v15;
	vm2 =	vgt.f32 v43, v28;
	v14 =	vadd.f32 v46, v14;
	v58 =	vld [tilespmem:s30+$0xFFFFFFC0]  }
0x7f: {  	v30 =	vsel vm3, v42, v30;
	v13 =	vadd.f32 v51, v13;
	v59 =	vadd.f32 v60, v8;
	v60 =	vld [tilespmem:s30+$0xFFFFFFD0]  }
0x80: {  	v22 =	vsel vm3, s21, v22;
	v12 =	vadd.f32 v53, v12;
	v26 =	vadd.f32 v61, v26;
	v61 =	vld [tilespmem:s30+$0xFFFFFFE0]  }
0x81: {  	vm13 =	vgt.f32 v44, v27;
	v10 =	vadd.f32 v55, v10;
	v14 =	vadd.f32 v62, v14;
	v62 =	vld [tilespmem:s30+$0xFFFFFFF0]  }
0x82: {  	v28 =	vsel vm2, v43, v28;
	v54 =	vadd.f32 v54, v11;
	v11 =	vadd.f32 v63, v12;
	v63 =	vld [tilespmem:s30+$0x0]  }
0x83: {  	v19 =	vsel vm2, s21, v19;
	v27 =	vsel vm13, v44, v27;
	v10 =	vadd.f32 v48, v10;
	v48 =	vld [tilespmem:s30+$0x10]  }
0x84: {  	v18 =	vsel vm13, s21, v18;
	v9 =	vadd.f32 v56, v9;
	v13 =	vadd.f32 v34, v13;
	v52 =	vld [tilespmem:s30+$0x30]  }
0x85: {  	v12 =	vadd.f32 v36, v54;
	v8 =	vmul.f32 $1.442695020e+00, v58;
	v49 =	vmul.f32 $1.442695020e+00, v60  }
0x86: {  	v51 =	vmul.f32 $1.442695020e+00, v61;
	vm12 =	vgt.f32 v58, v31;
	v53 =	vmul.f32 $1.442695020e+00, v62  }
0x87: {  	vm13 =	vgt.f32 v60, v29;
	v55 =	vmul.f32 $1.442695020e+00, v63;
	(erf) = vpow2.f32 v8  }
0x88: {  	s21 =	simm.s32 $0x68C0;
	vm14 =	vgt.f32 v61, v30;
	vm15 =	vgt.f32 v62, v28;
	vm1 =	vgt.f32 v63, v27  }
0x89: {  	v36 =	vld [tilespmem:s21+$0x10];
	vm2 =	vgt.f32 v48, v23;
	vm0 =	vgt.f32 v52, v21;
	v54 =	vsel vm12, v58, v31  }
0x8a: {  	v42 =	vsel vm13, v60, v29;
	v8 =	vadd.f32 v45, v9;
	v9 =	vadd.f32 v50, v59;
	v50 =	vld [tilespmem:s30+$0x20]  }
0x8b: {  	v43 =	vsel vm14, v61, v30;
	v56 =	vsel vm15, v62, v28;
	v57 =	vsel vm1, v63, v27;
	v58 =	vld [tilespmem:s21+$0xFFFFFFC0]  }
0x8c: {  	v29 =	vsel vm2, v48, v23;
	v23 =	vmul.f32 $1.442695020e+00, v48;
	v61 =	vld [tilespmem:s21+$0xFFFFFFE0];
	(erf) = vpow2.f32 v49  }
0x8d: {  	v31 =	vsel vm0, v52, v21;
	v60 =	vmul.f32 $1.442695020e+00, v52;
	v62 =	vld [tilespmem:s21+$0xFFFFFFF0];
	s30 =	sadd.s32 $0x0, s16;
	(erf) = vpow2.f32 v51  }
0x8e: {  	v63 =	vld [tilespmem:s21+$0x0];
	v21 =	vsel vm13, s30, v24;
	v22 =	vsel vm14, s30, v22;
	(erf) = vpow2.f32 v53  }
0x8f: {  	v59 =	vld [tilespmem:s21+$0xFFFFFFD0];
	(erf) = vpow2.f32 v55;
	vm3 =	vgt.f32 v50, v20;
	v27 =	vmul.f32 $1.442695020e+00, v50  }
0x90: {  	v37 =	vld [tilespmem:s21+$0x20];
	v24 =	vsel vm1, s30, v18;
	v30 =	vsel vm3, v50, v20;
	v20 =	vpop (erf);
	(erf) = vpow2.f32 v23  }
0x91: {  	vm14 =	vgt.f32 v36, v29;
	v33 =	vmul.f32 $1.442695020e+00, v61;
	(erf) = vpow2.f32 v27  }
0x92: {  	v23 =	vsel vm15, s30, v19;
	v19 =	vmul.f32 $1.442695020e+00, v58;
	(erf) = vpow2.f32 v60  }
0x93: {  	v38 =	vld [tilespmem:s21+$0x30];
	v34 =	vmul.f32 $1.442695020e+00, v62;
	v35 =	vmul.f32 $1.442695020e+00, v63;
	vm13 =	vgt.f32 v62, v56  }
0x94: {  	v32 =	vmul.f32 $1.442695020e+00, v59;
	vm1 =	vgt.f32 v59, v42;
	(erf) = vpow2.f32 v19  }
0x95: {  	v18 =	vsel vm1, v59, v42;
	vm15 =	vgt.f32 v37, v30;
	v28 =	vadd.f32 v20, v26;
	v41 =	vpop (erf)  }
0x96: {  	v20 =	vsel vm12, s30, v25;
	v25 =	vsel vm2, s30, v17;
	v26 =	vsel vm3, s30, v16;
	v39 =	vpop (erf)  }
0x97: {  	v27 =	vsel vm0, s30, v15;
	vm0 =	vgt.f32 v58, v54;
	vm12 =	vgt.f32 v61, v43;
	v40 =	vpop (erf)  }
0x98: {  	vm2 =	vgt.f32 v63, v57;
	v17 =	vsel vm13, v62, v56;
	vm3 =	vgt.f32 v38, v31;
	v42 =	vpop (erf)  }
0x99: {  	s29 =	simm.s32 $0x3;
	s28 =	simm.s32 $0x1;
	s20 =	simm.s32 $0x2;
	v16 =	vsel vm12, v61, v43;
	v15 =	vsel vm2, v63, v57;
	v19 =	vsel vm0, v58, v54;
	v43 =	vpop (erf)  }
.LBB2_5:
0x9a: {  	p2 =	sne.s32 s29, $0xCF;
	v29 =	vsel vm14, v36, v29;
	v30 =	vsel vm15, v37, v30;
	v31 =	vsel vm3, v38, v31;
	v44 =	vpop (erf)  }
0x9b: {  	v36 =	vmul.f32 $1.442695020e+00, v36;
	v37 =	vmul.f32 $1.442695020e+00, v37;
	v14 =	vadd.f32 v41, v14;
	v41 =	vpop (erf)  }
0x9c: {  	v38 =	vmul.f32 $1.442695020e+00, v38;
	s21 =	sadd.s32 $0x80, s21;
	v13 =	vadd.f32 v39, v13;
	(erf) = vpow2.f32 v32  }
0x9d: {  	v11 =	vadd.f32 v40, v11;
	v12 =	vadd.f32 v42, v12;
	v39 =	vld [tilespmem:s21+$0xFFFFFFC0];
	v32 =	vpop (erf);
	(erf) = vpow2.f32 v33  }
0x9e: {  	v10 =	vadd.f32 v43, v10;
	v40 =	vld [tilespmem:s21+$0xFFFFFFD0];
	v28 =	vadd.f32 v32, v28;
	(erf) = vpow2.f32 v34  }
0x9f: {  	s9 =	sadd.s32 s28, s16;
	s28 =	smov.u32 s20;
	s20 =	smov.u32 s29;
	v8 =	vadd.f32 v44, v8;
	v9 =	vadd.f32 v41, v9;
	v42 =	vld [tilespmem:s21+$0xFFFFFFE0];
	(erf) = vpow2.f32 v35  }
0xa0: {  	v20 =	vsel vm0, s9, v20;
	v21 =	vsel vm1, s9, v21;
	v43 =	vld [tilespmem:s21+$0xFFFFFFF0];
	(erf) = vpow2.f32 v36  }
0xa1: {  	v22 =	vsel vm12, s9, v22;
	v23 =	vsel vm13, s9, v23;
	v44 =	vld [tilespmem:s21+$0x0];
	(erf) = vpow2.f32 v37  }
0xa2: {  	v24 =	vsel vm2, s9, v24;
	v34 =	vmul.f32 $1.442695020e+00, v39;
	v36 =	vld [tilespmem:s21+$0x10];
	(erf) = vpow2.f32 v38  }
0xa3: {  	v25 =	vsel vm14, s9, v25;
	v26 =	vsel vm15, s9, v26;
	v32 =	vmul.f32 $1.442695020e+00, v40;
	v37 =	vld [tilespmem:s21+$0x20]  }
0xa4: {  	v27 =	vsel vm3, s9, v27;
	v33 =	vmul.f32 $1.442695020e+00, v42;
	v38 =	vld [tilespmem:s21+$0x30];
	(erf) = vpow2.f32 v34  }
.Ltmp3:
0xa5: {  	vm0 =	vgt.f32 v39, v19;
	vm1 =	vgt.f32 v40, v18;
	v34 =	vmul.f32 $1.442695020e+00, v43;
	v41 =	vpop (erf);
	(pc) =	sbr.rel @p2 .LBB2_5-.Ltmp3, $4  }
0xa6: {  	v19 =	vsel vm0, v39, v19;
	v18 =	vsel vm1, v40, v18;
	v35 =	vmul.f32 $1.442695020e+00, v44;
	v39 =	vpop (erf)  }
0xa7: {  	vm12 =	vgt.f32 v42, v16;
	vm13 =	vgt.f32 v43, v17;
	vm2 =	vgt.f32 v44, v15;
	v40 =	vpop (erf)  }
0xa8: {  	v16 =	vsel vm12, v42, v16;
	v17 =	vsel vm13, v43, v17;
	v15 =	vsel vm2, v44, v15;
	v42 =	vpop (erf)  }
0xa9: {  	s29 =	sadd.s32 $0x1, s29;
	vm14 =	vgt.f32 v36, v29;
	vm15 =	vgt.f32 v37, v30;
	vm3 =	vgt.f32 v38, v31;
	v43 =	vpop (erf)  }
0xaa: {  	v44 =	vsel vm14, v36, v29;
	v45 =	vsel vm15, v37, v30;
	v46 =	vsel vm3, v38, v31  }
0xab: {  	v30 =	vmul.f32 $1.442695020e+00, v36;
	v31 =	vmul.f32 $1.442695020e+00, v37;
	v14 =	vadd.f32 v41, v14;
	s9 =	sadd.s32 $0x80, s21  }
0xac: {  	v29 =	vpop (erf);
	v60 =	vmul.f32 $1.442695020e+00, v38;
	(erf) = vpow2.f32 v32;
	v13 =	vadd.f32 v39, v13;
	v61 =	vld [tilespmem:s9+$0xFFFFFFC0]  }
0xad: {  	v11 =	vadd.f32 v40, v11;
	v12 =	vadd.f32 v42, v12;
	s29 =	sadd.s32 s28, s16;
	v59 =	vpop (erf);
	(erf) = vpow2.f32 v33;
	v63 =	vld [tilespmem:s9+$0xFFFFFFD0]  }
0xae: {  	v10 =	vadd.f32 v43, v10;
	v49 =	vsel vm0, s29, v20;
	v20 =	vld [tilespmem:s9+$0x0];
	v62 =	vpop (erf);
	(erf) = vpow2.f32 v34  }
0xaf: {  	v8 =	vadd.f32 v29, v8;
	v38 =	vadd.f32 v62, v28;
	v28 =	vld [tilespmem:s9+$0xFFFFFFE0];
	(erf) = vpow2.f32 v35  }
0xb0: {  	v48 =	vld [tilespmem:s9+$0xFFFFFFF0];
	v50 =	vsel vm1, s29, v21;
	v51 =	vsel vm12, s29, v22;
	(erf) = vpow2.f32 v30  }
0xb1: {  	v52 =	vsel vm13, s29, v23;
	v22 =	vld [tilespmem:s9+$0x10];
	v53 =	vsel vm2, s29, v24;
	(erf) = vpow2.f32 v31  }
0xb2: {  	v54 =	vsel vm14, s29, v25;
	v21 =	vmul.f32 $1.442695020e+00, v61;
	v23 =	vmul.f32 $1.442695020e+00, v63  }
0xb3: {  	v24 =	vld [tilespmem:s9+$0x20];
	v55 =	vsel vm15, s29, v26;
	v26 =	vmul.f32 $1.442695020e+00, v20;
	(erf) = vpow2.f32 v60  }
0xb4: {  	v56 =	vld [tilespmem:s9+$0x30];
	v47 =	vsel vm3, s29, v27;
	(erf) = vpow2.f32 v21;
	v25 =	vmul.f32 $1.442695020e+00, v28  }
0xb5: {  	v9 =	vadd.f32 v59, v9;
	v21 =	vmul.f32 $1.442695020e+00, v48;
	(erf) = vpow2.f32 v23  }
0xb6: {  	vm0 =	vgt.f32 v61, v19;
	v23 =	vpop (erf);
	(erf) = vpow2.f32 v25;
	v25 =	vmul.f32 $1.442695020e+00, v22  }
0xb7: {  	vm1 =	vgt.f32 v63, v18;
	v29 =	vsel vm0, v61, v19;
	v19 =	vpop (erf);
	(erf) = vpow2.f32 v21  }
0xb8: {  	v30 =	vsel vm1, v63, v18;
	v18 =	vpop (erf);
	v21 =	vmul.f32 $1.442695020e+00, v24;
	(erf) = vpow2.f32 v26  }
0xb9: {  	v57 =	vmul.f32 $1.442695020e+00, v56;
	vm12 =	vgt.f32 v48, v17;
	v27 =	vpop (erf);
	(erf) = vpow2.f32 v25  }
0xba: {  	vm13 =	vgt.f32 v20, v15;
	vm2 =	vgt.f32 v28, v16;
	v25 =	vpop (erf);
	(erf) = vpow2.f32 v21  }
0xbb: {  	vm14 =	vgt.f32 v22, v44;
	v31 =	vsel vm2, v28, v16;
	v16 =	vpop (erf);
	(erf) = vpow2.f32 v57  }
0xbc: {  	vm15 =	vgt.f32 v24, v45;
	vm3 =	vgt.f32 v56, v46;
	v26 =	vsel vm12, v48, v17;
	v17 =	vpop (erf)  }
0xbd: {  	v28 =	vsel vm13, v20, v15;
	v20 =	vsel vm15, v24, v45;
	v14 =	vadd.f32 v23, v14;
	v15 =	vpop (erf)  }
0xbe: {  	s30 =	sadd.s32 s20, s16;
	v23 =	vsel vm14, v22, v44;
	v13 =	vadd.f32 v19, v13;
	v58 =	vadd.f32 v27, v12;
	v12 =	vpop (erf)  }
0xbf: {  	s26 =	sadd.s32 $0x1, s26;
	v24 =	vsel vm1, s30, v50;
	v19 =	vsel vm2, s30, v51;
	v22 =	vadd.f32 v15, v38;
	v15 =	vpop (erf)  }
0xc0: {  	p2 =	sne.s32 s26, $0x7;
	v11 =	vadd.f32 v18, v11;
	v18 =	vsel vm12, s30, v52;
	v59 =	vadd.f32 v17, v9;
	v9 =	vpop (erf)  }
.Ltmp4:
0xc1: {  	v27 =	vsel vm15, s30, v55;
	v21 =	vsel vm3, v56, v46;
	v10 =	vadd.f32 v25, v10;
	v60 =	vpop (erf);
	(pc) =	sbr.rel @p2 .LBB2_2-.Ltmp4, $4  }
0xc2: {  	v25 =	vsel vm0, s30, v49;
	v8 =	vadd.f32 v16, v8;
	v14 =	vadd.f32 v12, v14;
	v61 =	vpop (erf)  }
0xc3: {  	v16 =	vsel vm14, s30, v54;
	v13 =	vadd.f32 v15, v13;
	v12 =	vadd.f32 v9, v11;
	v62 =	vpop (erf)  }
0xc4: {  	v17 =	vsel vm13, s30, v53;
	v11 =	vadd.f32 v60, v58;
	v10 =	vadd.f32 v61, v10;
	v63 =	vpop (erf)  }
0xc5: {  	s14 =	sadd.s32 $0x1A0, s14;
	s16 =	sadd.s32 $0x1A0, s16;
	v15 =	vsel vm3, s30, v47;
	v9 =	vadd.f32 v62, v8;
	v8 =	vadd.f32 v63, v59  }
0xc6: {  	_ =	swait.ge [sflag:s23], $0x6800  }
0xc7: {  	[sflag:s23] =	ssyncset.done $0x0  }
0xc8: {  	s9 =	simm.s32 $0x40;
	[sflag:s23] =	ssyncadd.s32 $0xFFFF9800  }
0xc9: {  	v32 =	vld [tilespmem:s9+$0xFFFFFFC0]  }
0xca: {  	v33 =	vld [tilespmem:s9+$0xFFFFFFD0]  }
0xcb: {  	v34 =	vld [tilespmem:s9+$0xFFFFFFE0]  }
0xcc: {  	v35 =	vld [tilespmem:s9+$0xFFFFFFF0]  }
0xcd: {  	v37 =	vld [tilespmem:s9+$0x0]  }
0xce: {  	v38 =	vld [tilespmem:s9+$0x10]  }
0xcf: {  	v39 =	vld [tilespmem:s9+$0x20]  }
0xd0: {  	v41 =	vld [tilespmem:s9+$0x30];
	v36 =	vmul.f32 $1.442695020e+00, v32  }
0xd1: {  	v58 =	vmul.f32 $1.442695020e+00, v33;
	v40 =	vmul.f32 $1.442695020e+00, v34  }
0xd2: {  	vm12 =	vgt.f32 v32, v29;
	vm13 =	vgt.f32 v33, v30;
	v42 =	vmul.f32 $1.442695020e+00, v35  }
0xd3: {  	v59 =	vmul.f32 $1.442695020e+00, v37;
	vm14 =	vgt.f32 v34, v31;
	(erf) = vpow2.f32 v36  }
0xd4: {  	s16 =	simm.s32 $0xC0;
	vm15 =	vgt.f32 v35, v26;
	vm1 =	vgt.f32 v37, v28;
	vm2 =	vgt.f32 v38, v23  }
0xd5: {  	v61 =	vld [tilespmem:s16+$0xFFFFFFD0];
	vm3 =	vgt.f32 v39, v20;
	vm0 =	vgt.f32 v41, v21;
	v62 =	vmul.f32 $1.442695020e+00, v41  }
0xd6: {  	v63 =	vld [tilespmem:s16+$0xFFFFFFE0];
	v43 =	vsel vm12, v32, v29;
	v44 =	vsel vm13, v33, v30;
	v45 =	vsel vm14, v34, v31  }
0xd7: {  	v48 =	vld [tilespmem:s16+$0xFFFFFFF0];
	v46 =	vsel vm15, v35, v26;
	v47 =	vsel vm1, v37, v28;
	(erf) = vpow2.f32 v58  }
0xd8: {  	v60 =	vld [tilespmem:s16+$0xFFFFFFC0];
	v29 =	vsel vm2, v38, v23;
	v23 =	vmul.f32 $1.442695020e+00, v38;
	(erf) = vpow2.f32 v40  }
0xd9: {  	v49 =	vld [tilespmem:s16+$0x0];
	v30 =	vsel vm3, v39, v20;
	v26 =	vmul.f32 $1.442695020e+00, v39;
	(erf) = vpow2.f32 v42  }
0xda: {  	s30 =	sadd.s32 $0x0, s17;
	v31 =	vsel vm0, v41, v21;
	v32 =	vmul.f32 $1.442695020e+00, v61;
	v37 =	vld [tilespmem:s16+$0x20];
	(erf) = vpow2.f32 v59  }
0xdb: {  	v21 =	vsel vm13, s30, v24;
	v33 =	vmul.f32 $1.442695020e+00, v63;
	(erf) = vpow2.f32 v23  }
0xdc: {  	v24 =	vsel vm1, s30, v17;
	v38 =	vld [tilespmem:s16+$0x30];
	v34 =	vmul.f32 $1.442695020e+00, v48;
	v20 =	vpop (erf);
	(erf) = vpow2.f32 v26  }
0xdd: {  	v23 =	vsel vm15, s30, v18;
	v18 =	vmul.f32 $1.442695020e+00, v60;
	(erf) = vpow2.f32 v62  }
0xde: {  	v35 =	vmul.f32 $1.442695020e+00, v49;
	v36 =	vld [tilespmem:s16+$0x10];
	vm1 =	vgt.f32 v61, v44;
	vm13 =	vgt.f32 v48, v46  }
0xdf: {  	v17 =	vsel vm13, v48, v46;
	vm15 =	vgt.f32 v37, v30;
	(erf) = vpow2.f32 v18  }
0xe0: {  	v26 =	vsel vm3, s30, v27;
	v27 =	vsel vm0, s30, v15;
	vm0 =	vgt.f32 v60, v43;
	v41 =	vpop (erf)  }
0xe1: {  	vm3 =	vgt.f32 v38, v31;
	v28 =	vadd.f32 v20, v22;
	v20 =	vsel vm12, s30, v25;
	v39 =	vpop (erf)  }
0xe2: {  	v22 =	vsel vm14, s30, v19;
	v25 =	vsel vm2, s30, v16;
	v19 =	vsel vm0, v60, v43;
	v40 =	vpop (erf)  }
0xe3: {  	vm12 =	vgt.f32 v63, v45;
	vm2 =	vgt.f32 v49, v47;
	vm14 =	vgt.f32 v36, v29;
	v42 =	vpop (erf)  }
0xe4: {  	s20 =	simm.s32 $0x1;
	s14 =	simm.s32 $0x2;
	s21 =	simm.s32 $0x3;
	v18 =	vsel vm1, v61, v44;
	v16 =	vsel vm12, v63, v45;
	v15 =	vsel vm2, v49, v47;
	v43 =	vpop (erf)  }
.LBB2_8:
0xe5: {  	p2 =	sne.s32 s21, $0xCF;
	v29 =	vsel vm14, v36, v29;
	v30 =	vsel vm15, v37, v30;
	v31 =	vsel vm3, v38, v31;
	v44 =	vpop (erf)  }
0xe6: {  	v36 =	vmul.f32 $1.442695020e+00, v36;
	v37 =	vmul.f32 $1.442695020e+00, v37;
	v14 =	vadd.f32 v41, v14;
	v41 =	vpop (erf)  }
0xe7: {  	v38 =	vmul.f32 $1.442695020e+00, v38;
	s16 =	sadd.s32 $0x80, s16;
	v13 =	vadd.f32 v39, v13;
	(erf) = vpow2.f32 v32  }
0xe8: {  	v12 =	vadd.f32 v40, v12;
	v11 =	vadd.f32 v42, v11;
	v39 =	vld [tilespmem:s16+$0xFFFFFFC0];
	v32 =	vpop (erf);
	(erf) = vpow2.f32 v33  }
0xe9: {  	v10 =	vadd.f32 v43, v10;
	v40 =	vld [tilespmem:s16+$0xFFFFFFD0];
	v28 =	vadd.f32 v32, v28;
	(erf) = vpow2.f32 v34  }
0xea: {  	s9 =	sadd.s32 s20, s17;
	s20 =	smov.u32 s14;
	s14 =	smov.u32 s21;
	v9 =	vadd.f32 v44, v9;
	v8 =	vadd.f32 v41, v8;
	v42 =	vld [tilespmem:s16+$0xFFFFFFE0];
	(erf) = vpow2.f32 v35  }
0xeb: {  	v20 =	vsel vm0, s9, v20;
	v21 =	vsel vm1, s9, v21;
	v43 =	vld [tilespmem:s16+$0xFFFFFFF0];
	(erf) = vpow2.f32 v36  }
0xec: {  	v22 =	vsel vm12, s9, v22;
	v23 =	vsel vm13, s9, v23;
	v44 =	vld [tilespmem:s16+$0x0];
	(erf) = vpow2.f32 v37  }
0xed: {  	v24 =	vsel vm2, s9, v24;
	v34 =	vmul.f32 $1.442695020e+00, v39;
	v36 =	vld [tilespmem:s16+$0x10];
	(erf) = vpow2.f32 v38  }
0xee: {  	v25 =	vsel vm14, s9, v25;
	v26 =	vsel vm15, s9, v26;
	v32 =	vmul.f32 $1.442695020e+00, v40;
	v37 =	vld [tilespmem:s16+$0x20]  }
0xef: {  	v27 =	vsel vm3, s9, v27;
	v33 =	vmul.f32 $1.442695020e+00, v42;
	v38 =	vld [tilespmem:s16+$0x30];
	(erf) = vpow2.f32 v34  }
.Ltmp5:
0xf0: {  	vm0 =	vgt.f32 v39, v19;
	vm1 =	vgt.f32 v40, v18;
	v34 =	vmul.f32 $1.442695020e+00, v43;
	v41 =	vpop (erf);
	(pc) =	sbr.rel @p2 .LBB2_8-.Ltmp5, $4  }
0xf1: {  	v19 =	vsel vm0, v39, v19;
	v18 =	vsel vm1, v40, v18;
	v35 =	vmul.f32 $1.442695020e+00, v44;
	v39 =	vpop (erf)  }
0xf2: {  	vm12 =	vgt.f32 v42, v16;
	vm13 =	vgt.f32 v43, v17;
	vm2 =	vgt.f32 v44, v15;
	v40 =	vpop (erf)  }
0xf3: {  	v16 =	vsel vm12, v42, v16;
	v17 =	vsel vm13, v43, v17;
	v15 =	vsel vm2, v44, v15;
	v42 =	vpop (erf)  }
0xf4: {  	s21 =	sadd.s32 $0x1, s21;
	vm14 =	vgt.f32 v36, v29;
	vm15 =	vgt.f32 v37, v30;
	vm3 =	vgt.f32 v38, v31;
	v43 =	vpop (erf)  }
0xf5: {  	v29 =	vsel vm14, v36, v29;
	v30 =	vsel vm15, v37, v30;
	v31 =	vsel vm3, v38, v31  }
0xf6: {  	v58 =	vmul.f32 $1.442695020e+00, v36;
	v59 =	vmul.f32 $1.442695020e+00, v37;
	v41 =	vadd.f32 v41, v14  }
0xf7: {  	v60 =	vmul.f32 $1.442695020e+00, v38;
	s9 =	sadd.s32 $0x80, s16;
	v13 =	vadd.f32 v39, v13;
	v63 =	vadd.f32 v40, v12  }
0xf8: {  	v44 =	vpop (erf);
	(erf) = vpow2.f32 v32;
	v48 =	vadd.f32 v42, v11;
	v49 =	vadd.f32 v43, v10;
	s29 =	sadd.s32 s20, s17;
	v61 =	vld [tilespmem:s9+$0xFFFFFFC0]  }
0xf9: {  	v14 =	vpop (erf);
	(erf) = vpow2.f32 v33;
	v11 =	vld [tilespmem:s9+$0xFFFFFFD0];
	v50 =	vadd.f32 v44, v9;
	v20 =	vsel vm0, s29, v20  }
0xfa: {  	v12 =	vld [tilespmem:s9+$0xFFFFFFE0];
	v21 =	vsel vm1, s29, v21;
	v22 =	vsel vm12, s29, v22;
	v62 =	vpop (erf);
	(erf) = vpow2.f32 v34  }
0xfb: {  	v23 =	vsel vm13, s29, v23;
	v51 =	vadd.f32 v14, v8;
	v8 =	vld [tilespmem:s9+$0xFFFFFFF0];
	(erf) = vpow2.f32 v35  }
0xfc: {  	v9 =	vld [tilespmem:s9+$0x0];
	v53 =	vsel vm2, s29, v24;
	v54 =	vsel vm14, s29, v25;
	(erf) = vpow2.f32 v58  }
0xfd: {  	v52 =	vld [tilespmem:s9+$0x10];
	v55 =	vsel vm15, s29, v26;
	(erf) = vpow2.f32 v59;
	v10 =	vmul.f32 $1.442695020e+00, v61  }
0xfe: {  	v24 =	vld [tilespmem:s9+$0x20];
	v56 =	vsel vm3, s29, v27;
	v14 =	vmul.f32 $1.442695020e+00, v11;
	(erf) = vpow2.f32 v60  }
0xff: {  	v26 =	vld [tilespmem:s9+$0x30];
	v28 =	vadd.f32 v62, v28;
	v25 =	vmul.f32 $1.442695020e+00, v12;
	(erf) = vpow2.f32 v10  }
0x100: {  	vm0 =	vgt.f32 v61, v19;
	v27 =	vmul.f32 $1.442695020e+00, v8;
	(erf) = vpow2.f32 v14  }
0x101: {  	vm1 =	vgt.f32 v11, v18;
	v57 =	vpop (erf);
	v14 =	vmul.f32 $1.442695020e+00, v9;
	(erf) = vpow2.f32 v25  }
0x102: {  	v10 =	vsel vm0, v61, v19;
	v19 =	vpop (erf);
	v25 =	vmul.f32 $1.442695020e+00, v52;
	(erf) = vpow2.f32 v27  }
0x103: {  	v11 =	vsel vm1, v11, v18;
	v27 =	vmul.f32 $1.442695020e+00, v24;
	v18 =	vpop (erf);
	(erf) = vpow2.f32 v14  }
0x104: {  	vm2 =	vgt.f32 v12, v16;
	v45 =	vmul.f32 $1.442695020e+00, v26;
	v58 =	vpop (erf);
	(erf) = vpow2.f32 v25  }
0x105: {  	vm12 =	vgt.f32 v9, v15;
	vm3 =	vgt.f32 v8, v17;
	v46 =	vpop (erf);
	(erf) = vpow2.f32 v27  }
0x106: {  	vm14 =	vgt.f32 v52, v29;
	v14 =	vsel vm3, v8, v17;
	v17 =	vpop (erf);
	(erf) = vpow2.f32 v45  }
0x107: {  	s30 =	sadd.s32 s14, s17;
	vm15 =	vgt.f32 v24, v30;
	vm13 =	vgt.f32 v26, v31;
	v16 =	vsel vm2, v12, v16;
	v27 =	vpop (erf)  }
0x108: {  	v12 =	vsel vm12, v9, v15;
	v9 =	vsel vm15, v24, v30;
	v30 =	vsel vm0, s30, v20;
	v8 =	vpop (erf)  }
0x109: {  	v20 =	vsel vm14, s30, v54;
	v59 =	vadd.f32 v19, v13;
	v13 =	vsel vm14, v52, v29;
	v29 =	vpop (erf)  }
0x10a: {  	v15 =	vadd.f32 v57, v41;
	v24 =	vsel vm2, s30, v22;
	v25 =	vadd.f32 v8, v28;
	v28 =	vpop (erf)  }
0x10b: {  	v18 =	vadd.f32 v18, v63;
	v32 =	vadd.f32 v58, v48;
	v8 =	vsel vm13, v26, v31;
	v26 =	vpop (erf)  }
.Ltmp6:
0x10c: {  	v60 =	vadd.f32 v46, v49;
	v61 =	vadd.f32 v27, v51;
	v27 =	vsel vm1, s30, v21;
	v21 =	vpop (erf);
	(pc) =	sbr.rel @p0 .LBB2_11-.Ltmp6, $4  }
0x10d: {  	v22 =	vsel vm3, s30, v23;
	v17 =	vadd.f32 v17, v50;
	v31 =	vadd.f32 v29, v15;
	v23 =	vpop (erf)  }
0x10e: {  	v19 =	vsel vm12, s30, v53;
	v29 =	vadd.f32 v28, v59;
	v26 =	vadd.f32 v26, v18;
	v62 =	vpop (erf)  }
0x10f: {  	v15 =	vsel vm13, s30, v56;
	v28 =	vadd.f32 v21, v32;
	v23 =	vadd.f32 v23, v60;
	v63 =	vpop (erf)  }
0x110: {  	v18 =	vsel vm15, s30, v55;
	v21 =	vadd.f32 v62, v17;
	v17 =	vadd.f32 v63, v61  }
0x111: {  	s9 =	rddreg [dreg:$0x4]  }
0x112: {  	[tilespmem:s4], [sflag:$0x4] =	stream.linear.gather [hbm4b:s9+s4], $0x400, $0x38;
	[tilespmem:$0xDA80] =	vst v63  }
0x113: {  	_ =	swait.ge [sflag:s19], $0x400  }
0x114: {  	[sflag:s19] =	ssyncset.done $0x0  }
0x115: {  	[sflag:s19] =	ssyncadd.s32 $0xFFFFFC00  }
0x116: {  	v32 =	vld [tilespmem:$0x0]  }
0x117: {  	v33 =	vld [tilespmem:$0x10]  }
0x118: {  	v34 =	vld [tilespmem:$0x20]  }
0x119: {  	v36 =	vld [tilespmem:$0x30]  }
0x11a: {  	v37 =	vld [tilespmem:$0x40]  }
0x11b: {  	v38 =	vld [tilespmem:$0x50]  }
0x11c: {  	v39 =	vld [tilespmem:$0x60]  }
0x11d: {  	v40 =	vld [tilespmem:$0x70]  }
0x11e: {  	v41 =	vld [tilespmem:$0x80];
	v35 =	vmul.f32 $1.442695020e+00, v32  }
0x11f: {  	v63 =	vld [tilespmem:$0xB0];
	v51 =	vmul.f32 $1.442695020e+00, v33;
	v52 =	vmul.f32 $1.442695020e+00, v34  }
0x120: {  	v53 =	vmul.f32 $1.442695020e+00, v36;
	v54 =	vmul.f32 $1.442695020e+00, v37;
	vm0 =	vgt.f32 v32, v10  }
0x121: {  	v55 =	vmul.f32 $1.442695020e+00, v38;
	v42 =	vmul.f32 $1.442695020e+00, v39;
	vm13 =	vgt.f32 v33, v11  }
0x122: {  	v58 =	vmul.f32 $1.442695020e+00, v40;
	vm14 =	vgt.f32 v34, v16;
	(erf) = vpow2.f32 v35  }
0x123: {  	v60 =	vmul.f32 $1.442695020e+00, v41;
	vm15 =	vgt.f32 v36, v14;
	(erf) = vpow2.f32 v51  }
0x124: {  	vm12 =	vgt.f32 v37, v12;
	v47 =	vmul.f32 $1.442695020e+00, v63;
	(erf) = vpow2.f32 v52  }
0x125: {  	v10 =	vsel vm0, v32, v10;
	v30 =	vsel vm0, v0, v30;
	(erf) = vpow2.f32 v53  }
0x126: {  	v11 =	vsel vm13, v33, v11;
	v27 =	vsel vm13, v0, v27;
	v16 =	vsel vm14, v34, v16  }
0x127: {  	v24 =	vsel vm14, v0, v24;
	v14 =	vsel vm15, v36, v14;
	v22 =	vsel vm15, v0, v22  }
0x128: {  	v32 =	vld [tilespmem:$0x90];
	v12 =	vsel vm12, v37, v12;
	v19 =	vsel vm12, v0, v19;
	vm13 =	vgt.f32 v38, v13  }
0x129: {  	vm14 =	vgt.f32 v39, v9;
	vm15 =	vgt.f32 v40, v8;
	v13 =	vsel vm13, v38, v13  }
0x12a: {  	v33 =	vld [tilespmem:$0xA0];
	v20 =	vsel vm13, v0, v20;
	v9 =	vsel vm14, v39, v9;
	(erf) = vpow2.f32 v54  }
0x12b: {  	v37 =	vld [tilespmem:$0xC0];
	v18 =	vsel vm14, v0, v18;
	v8 =	vsel vm15, v40, v8;
	(erf) = vpow2.f32 v55;
	v56 =	vpop (erf)  }
0x12c: {  	v35 =	vld [tilespmem:$0xD0];
	v15 =	vsel vm15, v0, v15;
	vm12 =	vgt.f32 v41, v10;
	v57 =	vpop (erf);
	(erf) = vpow2.f32 v42  }
0x12d: {  	vm15 =	vgt.f32 v63, v14;
	v62 =	vmul.f32 $1.442695020e+00, v32;
	v59 =	vpop (erf);
	(erf) = vpow2.f32 v58  }
0x12e: {  	v10 =	vsel vm12, v41, v10;
	v30 =	vsel vm12, v1, v30;
	v61 =	vpop (erf);
	(erf) = vpow2.f32 v60  }
0x12f: {  	v48 =	vld [tilespmem:$0xE0];
	v14 =	vsel vm15, v63, v14;
	v22 =	vsel vm15, v1, v22;
	(erf) = vpow2.f32 v62  }
0x130: {  	v44 =	vmul.f32 $1.442695020e+00, v33;
	v50 =	vmul.f32 $1.442695020e+00, v37;
	vm13 =	vgt.f32 v32, v11  }
0x131: {  	v51 =	vld [tilespmem:$0xF0];
	vm14 =	vgt.f32 v33, v16;
	vm12 =	vgt.f32 v37, v12;
	v53 =	vmul.f32 $1.442695020e+00, v35  }
0x132: {  	v54 =	vld [tilespmem:$0x100];
	v11 =	vsel vm13, v32, v11;
	v27 =	vsel vm13, v1, v27;
	v16 =	vsel vm14, v33, v16  }
0x133: {  	v24 =	vsel vm14, v1, v24;
	v12 =	vsel vm12, v37, v12;
	vm13 =	vgt.f32 v35, v13;
	v43 =	vpop (erf)  }
0x134: {  	v32 =	vld [tilespmem:$0x140];
	v19 =	vsel vm12, v1, v19;
	vm14 =	vgt.f32 v48, v9;
	v13 =	vsel vm13, v35, v13;
	v45 =	vpop (erf)  }
0x135: {  	v20 =	vsel vm13, v1, v20;
	v9 =	vsel vm14, v48, v9;
	(erf) = vpow2.f32 v44;
	v46 =	vpop (erf)  }
0x136: {  	v18 =	vsel vm14, v1, v18;
	vm15 =	vgt.f32 v51, v8;
	v35 =	vld [tilespmem:$0x180];
	v49 =	vpop (erf);
	(erf) = vpow2.f32 v47  }
0x137: {  	v36 =	vld [tilespmem:$0x150];
	v8 =	vsel vm15, v51, v8;
	vm12 =	vgt.f32 v54, v10;
	v52 =	vpop (erf);
	(erf) = vpow2.f32 v50  }
0x138: {  	v15 =	vsel vm15, v1, v15;
	v10 =	vsel vm12, v54, v10;
	v55 =	vpop (erf);
	(erf) = vpow2.f32 v53  }
0x139: {  	v30 =	vsel vm12, v2, v30;
	vm12 =	vgt.f32 v32, v12;
	v31 =	vadd.f32 v57, v31;
	v57 =	vld [tilespmem:$0x110]  }
0x13a: {  	v25 =	vadd.f32 v56, v25;
	v56 =	vmul.f32 $1.442695020e+00, v48;
	v12 =	vsel vm12, v32, v12;
	v60 =	vld [tilespmem:$0x120]  }
0x13b: {  	v42 =	vld [tilespmem:$0x1C0];
	v19 =	vsel vm12, v2, v19;
	vm12 =	vgt.f32 v35, v10;
	v29 =	vadd.f32 v59, v29  }
0x13c: {  	v59 =	vmul.f32 $1.442695020e+00, v51;
	v51 =	vmul.f32 $1.442695020e+00, v36;
	v10 =	vsel vm12, v35, v10  }
0x13d: {  	v26 =	vadd.f32 v61, v26;
	v61 =	vmul.f32 $1.442695020e+00, v54;
	(erf) = vpow2.f32 v56  }
0x13e: {  	v28 =	vadd.f32 v43, v28;
	v43 =	vmul.f32 $1.442695020e+00, v57;
	v58 =	vpop (erf);
	(erf) = vpow2.f32 v59  }
0x13f: {  	v62 =	vld [tilespmem:$0x130];
	v23 =	vadd.f32 v45, v23;
	v45 =	vmul.f32 $1.442695020e+00, v60;
	(erf) = vpow2.f32 v61;
	v63 =	vpop (erf)  }
0x140: {  	v30 =	vsel vm12, v3, v30;
	vm12 =	vgt.f32 v42, v12;
	(erf) = vpow2.f32 v43;
	v44 =	vpop (erf)  }
0x141: {  	v37 =	vld [tilespmem:$0x160];
	vm13 =	vgt.f32 v57, v11;
	v21 =	vadd.f32 v46, v21;
	v46 =	vpop (erf);
	(erf) = vpow2.f32 v45  }
0x142: {  	v12 =	vsel vm12, v42, v12;
	v19 =	vsel vm12, v3, v19;
	v11 =	vsel vm13, v57, v11  }
0x143: {  	v27 =	vsel vm13, v2, v27;
	vm14 =	vgt.f32 v60, v16;
	vm13 =	vgt.f32 v36, v13  }
0x144: {  	v16 =	vsel vm14, v60, v16;
	v24 =	vsel vm14, v2, v24;
	v47 =	vmul.f32 $1.442695020e+00, v62  }
0x145: {  	v34 =	vld [tilespmem:$0x190];
	vm15 =	vgt.f32 v62, v14;
	v17 =	vadd.f32 v49, v17;
	v49 =	vmul.f32 $1.442695020e+00, v32  }
0x146: {  	v60 =	vmul.f32 $1.442695020e+00, v35;
	vm14 =	vgt.f32 v37, v9;
	v48 =	vpop (erf);
	(erf) = vpow2.f32 v47  }
0x147: {  	v9 =	vsel vm14, v37, v9;
	v25 =	vadd.f32 v52, v25;
	v52 =	vld [tilespmem:$0x170];
	v50 =	vpop (erf);
	(erf) = vpow2.f32 v49  }
0x148: {  	v31 =	vadd.f32 v55, v31;
	v55 =	vmul.f32 $1.442695020e+00, v37;
	v37 =	vld [tilespmem:$0x200];
	v53 =	vpop (erf);
	(erf) = vpow2.f32 v51  }
0x149: {  	v13 =	vsel vm13, v36, v13;
	v20 =	vsel vm13, v2, v20;
	v29 =	vadd.f32 v58, v29;
	v58 =	vld [tilespmem:$0x1A0];
	v54 =	vpop (erf)  }
0x14a: {  	vm13 =	vgt.f32 v34, v11;
	v14 =	vsel vm15, v62, v14;
	v56 =	vpop (erf);
	(erf) = vpow2.f32 v55  }
0x14b: {  	v22 =	vsel vm15, v2, v22;
	v18 =	vsel vm14, v2, v18;
	v11 =	vsel vm13, v34, v11  }
0x14c: {  	v27 =	vsel vm13, v3, v27;
	v61 =	vld [tilespmem:$0x1B0];
	v57 =	vmul.f32 $1.442695020e+00, v52;
	vm15 =	vgt.f32 v52, v8  }
0x14d: {  	v33 =	vld [tilespmem:$0x240];
	v8 =	vsel vm15, v52, v8;
	v15 =	vsel vm15, v2, v15;
	vm12 =	vgt.f32 v37, v10  }
0x14e: {  	vm14 =	vgt.f32 v58, v16;
	v10 =	vsel vm12, v37, v10;
	v30 =	vsel vm12, v4, v30  }
0x14f: {  	v26 =	vadd.f32 v63, v26;
	v63 =	vmul.f32 $1.442695020e+00, v34;
	v59 =	vpop (erf);
	(erf) = vpow2.f32 v57  }
0x150: {  	v32 =	vld [tilespmem:$0x1F0];
	v23 =	vadd.f32 v46, v23;
	v46 =	vmul.f32 $1.442695020e+00, v58;
	v62 =	vpop (erf);
	(erf) = vpow2.f32 v60  }
0x151: {  	v34 =	vld [tilespmem:$0x230];
	v21 =	vadd.f32 v48, v21;
	v48 =	vmul.f32 $1.442695020e+00, v61;
	v45 =	vpop (erf);
	(erf) = vpow2.f32 v63  }
0x152: {  	vm12 =	vgt.f32 v33, v12;
	v16 =	vsel vm14, v58, v16;
	v47 =	vld [tilespmem:$0x1D0];
	(erf) = vpow2.f32 v46  }
0x153: {  	v24 =	vsel vm14, v3, v24;
	v49 =	vld [tilespmem:$0x1E0];
	v17 =	vadd.f32 v50, v17;
	v50 =	vpop (erf);
	(erf) = vpow2.f32 v48  }
0x154: {  	vm15 =	vgt.f32 v61, v14;
	v12 =	vsel vm12, v33, v12;
	v19 =	vsel vm12, v4, v19  }
0x155: {  	v14 =	vsel vm15, v61, v14;
	v22 =	vsel vm15, v3, v22;
	vm15 =	vgt.f32 v32, v8  }
0x156: {  	v8 =	vsel vm15, v32, v8;
	v15 =	vsel vm15, v3, v15;
	v51 =	vmul.f32 $1.442695020e+00, v42  }
0x157: {  	v25 =	vadd.f32 v53, v25;
	vm15 =	vgt.f32 v34, v14;
	v53 =	vmul.f32 $1.442695020e+00, v47  }
0x158: {  	v31 =	vadd.f32 v54, v31;
	v55 =	vmul.f32 $1.442695020e+00, v49;
	v52 =	vpop (erf);
	(erf) = vpow2.f32 v51  }
0x159: {  	v38 =	vld [tilespmem:$0x210];
	v29 =	vadd.f32 v56, v29;
	v57 =	vmul.f32 $1.442695020e+00, v32;
	v54 =	vpop (erf);
	(erf) = vpow2.f32 v53  }
0x15a: {  	v26 =	vadd.f32 v59, v26;
	v59 =	vmul.f32 $1.442695020e+00, v37;
	v56 =	vpop (erf);
	(erf) = vpow2.f32 v55  }
0x15b: {  	v28 =	vadd.f32 v44, v28;
	v14 =	vsel vm15, v34, v14;
	v60 =	vld [tilespmem:$0x220];
	v58 =	vpop (erf);
	(erf) = vpow2.f32 v57  }
0x15c: {  	vm13 =	vgt.f32 v47, v13;
	vm14 =	vgt.f32 v49, v9;
	v61 =	vpop (erf);
	(erf) = vpow2.f32 v59  }
0x15d: {  	v22 =	vsel vm15, v4, v22;
	v13 =	vsel vm13, v47, v13;
	v9 =	vsel vm14, v49, v9;
	v49 =	vld [tilespmem:$0x260]  }
0x15e: {  	v20 =	vsel vm13, v3, v20;
	vm13 =	vgt.f32 v38, v11;
	v18 =	vsel vm14, v3, v18;
	v46 =	vld [tilespmem:$0x250]  }
0x15f: {  	v11 =	vsel vm13, v38, v11;
	v27 =	vsel vm13, v4, v27;
	v28 =	vadd.f32 v62, v28  }
0x160: {  	v63 =	vmul.f32 $1.442695020e+00, v38;
	v23 =	vadd.f32 v45, v23;
	vm14 =	vgt.f32 v60, v16  }
0x161: {  	v32 =	vld [tilespmem:$0x2A0];
	v45 =	vmul.f32 $1.442695020e+00, v60;
	v16 =	vsel vm14, v60, v16;
	v24 =	vsel vm14, v4, v24;
	v62 =	vpop (erf)  }
0x162: {  	vm14 =	vgt.f32 v49, v9;
	v48 =	vmul.f32 $1.442695020e+00, v34;
	v44 =	vpop (erf);
	(erf) = vpow2.f32 v63  }
0x163: {  	v37 =	vld [tilespmem:$0x2B0];
	vm13 =	vgt.f32 v46, v13;
	v51 =	vmul.f32 $1.442695020e+00, v33;
	v47 =	vpop (erf);
	(erf) = vpow2.f32 v45  }
0x164: {  	v9 =	vsel vm14, v49, v9;
	v34 =	vld [tilespmem:$0x2E0];
	v21 =	vadd.f32 v50, v21;
	v50 =	vpop (erf);
	(erf) = vpow2.f32 v48  }
0x165: {  	v18 =	vsel vm14, v4, v18;
	v17 =	vadd.f32 v52, v17;
	v52 =	vld [tilespmem:$0x270];
	v53 =	vpop (erf);
	(erf) = vpow2.f32 v51  }
0x166: {  	vm14 =	vgt.f32 v32, v16;
	v13 =	vsel vm13, v46, v13;
	v20 =	vsel vm13, v4, v20;
	v55 =	vld [tilespmem:$0x280]  }
0x167: {  	v16 =	vsel vm14, v32, v16;
	v24 =	vsel vm14, v5, v24;
	v25 =	vadd.f32 v54, v25;
	v57 =	vld [tilespmem:$0x290]  }
0x168: {  	v54 =	vmul.f32 $1.442695020e+00, v46;
	v46 =	vmul.f32 $1.442695020e+00, v37;
	v31 =	vadd.f32 v56, v31  }
0x169: {  	v56 =	vmul.f32 $1.442695020e+00, v49;
	v29 =	vadd.f32 v58, v29;
	vm14 =	vgt.f32 v34, v9  }
0x16a: {  	v9 =	vsel vm14, v34, v9;
	v59 =	vmul.f32 $1.442695020e+00, v52;
	(erf) = vpow2.f32 v54  }
0x16b: {  	v26 =	vadd.f32 v61, v26;
	v61 =	vmul.f32 $1.442695020e+00, v55;
	v58 =	vpop (erf);
	(erf) = vpow2.f32 v56  }
0x16c: {  	v38 =	vld [tilespmem:$0x2C0];
	v18 =	vsel vm14, v5, v18;
	v63 =	vmul.f32 $1.442695020e+00, v57;
	v60 =	vpop (erf);
	(erf) = vpow2.f32 v59  }
0x16d: {  	v33 =	vld [tilespmem:$0x2F0];
	vm15 =	vgt.f32 v52, v8;
	v28 =	vadd.f32 v62, v28;
	v62 =	vpop (erf);
	(erf) = vpow2.f32 v61  }
0x16e: {  	v8 =	vsel vm15, v52, v8;
	vm12 =	vgt.f32 v55, v10;
	v43 =	vpop (erf);
	(erf) = vpow2.f32 v63  }
0x16f: {  	v15 =	vsel vm15, v4, v15;
	vm15 =	vgt.f32 v37, v14;
	v10 =	vsel vm12, v55, v10  }
0x170: {  	v30 =	vsel vm12, v5, v30;
	vm13 =	vgt.f32 v57, v11;
	v21 =	vadd.f32 v47, v21;
	v47 =	vld [tilespmem:$0x2D0]  }
0x171: {  	v14 =	vsel vm15, v37, v14;
	v22 =	vsel vm15, v5, v22;
	vm12 =	vgt.f32 v38, v12  }
0x172: {  	vm15 =	vgt.f32 v33, v8;
	v23 =	vadd.f32 v44, v23;
	v44 =	vmul.f32 $1.442695020e+00, v32  }
0x173: {  	v55 =	vmul.f32 $1.442695020e+00, v34;
	v11 =	vsel vm13, v57, v11;
	v27 =	vsel vm13, v5, v27;
	v45 =	vpop (erf)  }
0x174: {  	v17 =	vadd.f32 v50, v17;
	v50 =	vmul.f32 $1.442695020e+00, v38;
	(erf) = vpow2.f32 v44;
	v48 =	vpop (erf)  }
0x175: {  	v52 =	vmul.f32 $1.442695020e+00, v47;
	v25 =	vadd.f32 v53, v25;
	v53 =	vld [tilespmem:$0x300];
	(erf) = vpow2.f32 v46;
	v49 =	vpop (erf)  }
0x176: {  	v12 =	vsel vm12, v38, v12;
	v19 =	vsel vm12, v5, v19;
	v56 =	vld [tilespmem:$0x310];
	(erf) = vpow2.f32 v50;
	v51 =	vpop (erf)  }
0x177: {  	v8 =	vsel vm15, v33, v8;
	vm13 =	vgt.f32 v47, v13;
	v54 =	vpop (erf);
	(erf) = vpow2.f32 v52  }
0x178: {  	v15 =	vsel vm15, v5, v15;
	v13 =	vsel vm13, v47, v13;
	(erf) = vpow2.f32 v55  }
0x179: {  	v20 =	vsel vm13, v5, v20;
	v31 =	vadd.f32 v58, v31;
	v58 =	vmul.f32 $1.442695020e+00, v33;
	v59 =	vld [tilespmem:$0x320]  }
0x17a: {  	v29 =	vadd.f32 v60, v29;
	v26 =	vadd.f32 v62, v26;
	v62 =	vld [tilespmem:$0x330];
	v61 =	vmul.f32 $1.442695020e+00, v53  }
0x17b: {  	vm12 =	vgt.f32 v53, v10;
	vm13 =	vgt.f32 v56, v11;
	v23 =	vadd.f32 v45, v23;
	v45 =	vld [tilespmem:$0x340]  }
0x17c: {  	v10 =	vsel vm12, v53, v10;
	v30 =	vsel vm12, v6, v30;
	v11 =	vsel vm13, v56, v11  }
0x17d: {  	v36 =	vld [tilespmem:$0x360];
	v27 =	vsel vm13, v6, v27;
	v63 =	vmul.f32 $1.442695020e+00, v56;
	v57 =	vpop (erf);
	(erf) = vpow2.f32 v58  }
0x17e: {  	v28 =	vadd.f32 v43, v28;
	v44 =	vmul.f32 $1.442695020e+00, v59;
	v60 =	vpop (erf);
	(erf) = vpow2.f32 v61  }
0x17f: {  	v35 =	vld [tilespmem:$0x3A0];
	v21 =	vadd.f32 v48, v21;
	v48 =	vmul.f32 $1.442695020e+00, v62;
	v43 =	vpop (erf);
	(erf) = vpow2.f32 v63  }
0x180: {  	vm14 =	vgt.f32 v59, v16;
	v50 =	vmul.f32 $1.442695020e+00, v45;
	v47 =	vpop (erf);
	(erf) = vpow2.f32 v44  }
0x181: {  	v16 =	vsel vm14, v59, v16;
	v46 =	vld [tilespmem:$0x350];
	v17 =	vadd.f32 v49, v17;
	v49 =	vpop (erf);
	(erf) = vpow2.f32 v48  }
0x182: {  	v24 =	vsel vm14, v6, v24;
	vm14 =	vgt.f32 v36, v9;
	(erf) = vpow2.f32 v50  }
0x183: {  	vm15 =	vgt.f32 v62, v14;
	v9 =	vsel vm14, v36, v9;
	v31 =	vadd.f32 v54, v31;
	v54 =	vld [tilespmem:$0x370]  }
0x184: {  	v37 =	vld [tilespmem:$0x380];
	v18 =	vsel vm14, v6, v18;
	vm14 =	vgt.f32 v35, v16;
	v14 =	vsel vm15, v62, v14  }
0x185: {  	v22 =	vsel vm15, v6, v22;
	v16 =	vsel vm14, v35, v16;
	v24 =	vsel vm14, v7, v24  }
0x186: {  	v25 =	vadd.f32 v51, v25;
	vm12 =	vgt.f32 v45, v12;
	v52 =	vmul.f32 $1.442695020e+00, v46;
	v51 =	vpop (erf)  }
0x187: {  	v33 =	vld [tilespmem:$0x390];
	vm13 =	vgt.f32 v46, v13;
	v12 =	vsel vm12, v45, v12;
	v55 =	vmul.f32 $1.442695020e+00, v36;
	v53 =	vpop (erf)  }
0x188: {  	v29 =	vadd.f32 v57, v29;
	v59 =	vmul.f32 $1.442695020e+00, v54;
	(erf) = vpow2.f32 v52;
	v56 =	vpop (erf)  }
0x189: {  	v41 =	vld [tilespmem:$0x3B0];
	v26 =	vadd.f32 v60, v26;
	v60 =	vmul.f32 $1.442695020e+00, v37;
	v57 =	vpop (erf);
	(erf) = vpow2.f32 v55  }
0x18a: {  	v19 =	vsel vm12, v6, v19;
	v13 =	vsel vm13, v46, v13;
	v61 =	vld [tilespmem:$0x3C0];
	v58 =	vpop (erf);
	(erf) = vpow2.f32 v59  }
0x18b: {  	v45 =	vld [tilespmem:$0x3D0];
	v20 =	vsel vm13, v6, v20;
	vm12 =	vgt.f32 v37, v10;
	v62 =	vpop (erf);
	(erf) = vpow2.f32 v60  }
0x18c: {  	vm13 =	vgt.f32 v33, v11;
	v28 =	vadd.f32 v43, v28;
	v63 =	vmul.f32 $1.442695020e+00, v33;
	v43 =	vld [tilespmem:$0x3E0]  }
0x18d: {  	v23 =	vadd.f32 v47, v23;
	v47 =	vmul.f32 $1.442695020e+00, v35;
	v21 =	vadd.f32 v49, v21;
	v49 =	vld [tilespmem:$0x3F0]  }
0x18e: {  	v10 =	vsel vm12, v37, v10;
	v48 =	vmul.f32 $1.442695020e+00, v41;
	(erf) = vpow2.f32 v63  }
0x18f: {  	v17 =	vadd.f32 v51, v17;
	v51 =	vmul.f32 $1.442695020e+00, v61;
	(erf) = vpow2.f32 v47  }
0x190: {  	vm15 =	vgt.f32 v54, v8;
	v52 =	vmul.f32 $1.442695020e+00, v45;
	(erf) = vpow2.f32 v48  }
0x191: {  	v25 =	vadd.f32 v53, v25;
	v53 =	vmul.f32 $1.442695020e+00, v43;
	v46 =	vpop (erf);
	(erf) = vpow2.f32 v51  }
0x192: {  	v8 =	vsel vm15, v54, v8;
	v54 =	vmul.f32 $1.442695020e+00, v49;
	v50 =	vpop (erf);
	(erf) = vpow2.f32 v52  }
0x193: {  	v30 =	vsel vm12, v7, v30;
	v11 =	vsel vm13, v33, v11;
	v55 =	vpop (erf);
	(erf) = vpow2.f32 v53  }
0x194: {  	v27 =	vsel vm13, v7, v27;
	v31 =	vadd.f32 v56, v31;
	v56 =	vpop (erf);
	(erf) = vpow2.f32 v54  }
0x195: {  	vm13 =	vgt.f32 v45, v13;
	v15 =	vsel vm15, v6, v15;
	vm15 =	vgt.f32 v41, v14  }
0x196: {  	v13 =	vsel vm13, v45, v13;
	v20 =	vsel vm13, v7, v20;
	v14 =	vsel vm15, v41, v14  }
0x197: {  	v22 =	vsel vm15, v7, v22;
	vm12 =	vgt.f32 v61, v12;
	v29 =	vadd.f32 v57, v29;
	v57 =	vpop (erf)  }
0x198: {  	v12 =	vsel vm12, v61, v12;
	v19 =	vsel vm12, v7, v19;
	v26 =	vadd.f32 v58, v26;
	v58 =	vpop (erf)  }
0x199: {  	vm14 =	vgt.f32 v43, v9;
	v28 =	vadd.f32 v62, v28;
	v23 =	vadd.f32 v46, v23;
	v59 =	vpop (erf)  }
0x19a: {  	v9 =	vsel vm14, v43, v9;
	v21 =	vadd.f32 v50, v21;
	v17 =	vadd.f32 v55, v17;
	v60 =	vpop (erf)  }
0x19b: {  	v18 =	vsel vm14, v7, v18;
	v25 =	vadd.f32 v56, v25;
	v31 =	vadd.f32 v57, v31;
	v61 =	vpop (erf)  }
0x19c: {  	vm15 =	vgt.f32 v49, v8;
	v29 =	vadd.f32 v58, v29;
	v26 =	vadd.f32 v59, v26;
	v62 =	vpop (erf)  }
0x19d: {  	v8 =	vsel vm15, v49, v8;
	v28 =	vadd.f32 v60, v28;
	v23 =	vadd.f32 v61, v23;
	v63 =	vpop (erf)  }
0x19e: {  	v15 =	vsel vm15, v7, v15;
	v21 =	vadd.f32 v62, v21;
	v17 =	vadd.f32 v63, v17  }
.LBB2_11:
0x19f: {  	[tilespmem:$0xD880] =	vst v10  }
0x1a0: {  	[tilespmem:$0xD900] =	vst v30  }
0x1a1: {  	[tilespmem:$0xD980] =	vst v25  }
0x1a2: {  	[tilespmem:$0xD890] =	vst v11  }
0x1a3: {  	[tilespmem:$0xD910] =	vst v27  }
0x1a4: {  	[tilespmem:$0xD990] =	vst v31  }
0x1a5: {  	[tilespmem:$0xD8A0] =	vst v16  }
0x1a6: {  	[tilespmem:$0xD920] =	vst v24  }
0x1a7: {  	[tilespmem:$0xD9A0] =	vst v29  }
0x1a8: {  	[tilespmem:$0xD8B0] =	vst v14  }
0x1a9: {  	[tilespmem:$0xD930] =	vst v22  }
0x1aa: {  	[tilespmem:$0xD9B0] =	vst v26  }
0x1ab: {  	[tilespmem:$0xD8C0] =	vst v12  }
0x1ac: {  	[tilespmem:$0xD940] =	vst v19  }
0x1ad: {  	[tilespmem:$0xD9C0] =	vst v28  }
0x1ae: {  	[tilespmem:$0xD8D0] =	vst v13  }
0x1af: {  	[tilespmem:$0xD950] =	vst v20  }
0x1b0: {  	[tilespmem:$0xD9D0] =	vst v23  }
0x1b1: {  	[tilespmem:$0xD8E0] =	vst v9  }
0x1b2: {  	[tilespmem:$0xD960] =	vst v18  }
0x1b3: {  	[tilespmem:$0xD8F0] =	vst v8  }
0x1b4: {  	[tilespmem:$0xD970] =	vst v15  }
.Ltmp7:
0x1b5: {  	[tilespmem:$0xD9E0] =	vst v21;
	(pc) =	sbr.rel @p1 .LBB2_13-.Ltmp7, $4  }
0x1b6: {  	[tilespmem:$0xD9F0] =	vst v17  }
0x1b7: {  	_ =	swait.ge [sflag:s25], $0x800  }
0x1b8: {  	[sflag:s25] =	ssyncset.done $0x0  }
0x1b9: {  	[sflag:s25] =	ssyncadd.s32 $0xFFFFF800  }
0x1ba: {  	v8 =	vld [tilespmem:s3+$0xD080];
	_ =	sdelay $0x1  }
0x1bb: {  	v9 =	vld [tilespmem:s3+$0xD100];
	_ =	sdelay $0x1  }
0x1bc: {  	vm0 =	vmmov $0x1;
	v10 =	vld [tilespmem:s3+$0xD180]  }
0x1bd: {  	v8 =	vnsel vm0, $0x0, v8  }
0x1be: {  	vm1 =	vcmask $0x308;
	(xrf2) =	vadd.scan.msk.f32 $0xffff, v8;
	v8 =	vld [tilespmem:s3+$0xD200]  }
0x1bf: {  	v9 =	vsel vm1, $0x0, v9  }
0x1c0: {  	v30 =	vld [tilespmem:s3+$0xD280];
	vm12 =	vcmask $0x70C;
	(xrf2) =	vadd.scan.msk.f32 $0xffff, v9  }
0x1c1: {  	v10 =	vsel vm12, $0x0, v10  }
0x1c2: {  	v31 =	vld [tilespmem:s3+$0xD300];
	vm13 =	vcmask $0xB10;
	(xrf2) =	vadd.scan.msk.f32 $0xffff, v10  }
0x1c3: {  	v8 =	vsel vm13, $0x0, v8  }
0x1c4: {  	vm14 =	vcmask $0xF14;
	(xrf2) =	vadd.scan.msk.f32 $0xffff, v8;
	v8 =	vld [tilespmem:s3+$0xD380]  }
0x1c5: {  	v9 =	vsel vm14, $0x0, v30  }
0x1c6: {  	v32 =	vld [tilespmem:s3+$0xD400];
	vm15 =	vcmask $0x1318;
	(xrf2) =	vadd.scan.msk.f32 $0xffff, v9  }
0x1c7: {  	v10 =	vsel vm15, $0x0, v31  }
0x1c8: {  	v33 =	vld [tilespmem:s3+$0xD480];
	vm12 =	vcmask $0x171C;
	v11, _, _ =	vpop (xrf2);
	(xrf2) =	vadd.scan.msk.f32 $0xffff, v10  }
0x1c9: {  	v11 =	vbroadcast v11, $0xF;
	v8 =	vsel vm12, $0x0, v8  }
0x1ca: {  	vm13 =	vcmask $0x1B20;
	v12, _, _ =	vpop (xrf2);
	(xrf2) =	vadd.scan.msk.f32 $0xffff, v8;
	v8 =	vld [tilespmem:s3+$0xD500]  }
0x1cb: {  	v9 =	vsel vm13, $0x0, v32;
	v12 =	vbroadcast v12, $0xF;
	v11 =	vnsel vm0, $0x0, v11  }
0x1cc: {  	v34 =	vld [tilespmem:s3+$0xD580];
	vm14 =	vcmask $0x704;
	vm15 =	vcmask $0x1F24;
	v13, _, _ =	vpop (xrf2);
	(xrf2) =	vadd.scan.msk.f32 $0xffff, v9;
	v11 =	vadd.f32 $0.0e+00, v11  }
0x1cd: {  	v10 =	vsel vm15, $0x0, v33;
	v13 =	vbroadcast v13, $0xF;
	v12 =	vnsel vm14, $0x0, v12  }
0x1ce: {  	v36 =	vld [tilespmem:s3+$0xD600];
	vm13 =	vcmask $0x2328;
	vm12 =	vcmask $0xB08;
	v11 =	vadd.f32 v12, v11;
	v35, _, _ =	vpop (xrf2);
	(xrf2) =	vadd.scan.msk.f32 $0xffff, v10  }
0x1cf: {  	v13 =	vnsel vm12, $0x0, v13;
	v12 =	vbroadcast v35, $0xF;
	v8 =	vsel vm13, $0x0, v8  }
0x1d0: {  	vm15 =	vcmask $0x272C;
	vm14 =	vcmask $0xF0C;
	v37, _, _ =	vpop (xrf2);
	v11 =	vadd.f32 v13, v11;
	(xrf2) =	vadd.scan.msk.f32 $0xffff, v8;
	v8 =	vld [tilespmem:s3+$0xD680]  }
0x1d1: {  	v9 =	vsel vm15, $0x0, v34;
	v13 =	vbroadcast v37, $0xF;
	v12 =	vnsel vm14, $0x0, v12  }
0x1d2: {  	v39 =	vld [tilespmem:s3+$0xD700];
	vm12 =	vcmask $0x1310;
	v11 =	vadd.f32 v12, v11;
	v38, _, _ =	vpop (xrf2);
	(xrf2) =	vadd.scan.msk.f32 $0xffff, v9  }
0x1d3: {  	v10 =	vsel vm4, $0x0, v36;
	v13 =	vnsel vm12, $0x0, v13;
	v12 =	vbroadcast v38, $0xF  }
0x1d4: {  	v41 =	vld [tilespmem:s3+$0xD780];
	vm13 =	vcmask $0x1714;
	v11 =	vadd.f32 v13, v11;
	v40, _, _ =	vpop (xrf2);
	(xrf2) =	vadd.scan.msk.f32 $0xffff, v10  }
0x1d5: {  	v12 =	vnsel vm13, $0x0, v12;
	v13 =	vbroadcast v40, $0xF;
	v8 =	vsel vm6, $0x0, v8  }
0x1d6: {  	vm14 =	vcmask $0x1B18;
	v42, _, _ =	vpop (xrf2);
	v11 =	vadd.f32 v12, v11;
	(xrf2) =	vadd.scan.msk.f32 $0xffff, v8  }
0x1d7: {  	v9 =	vsel vm8, $0x0, v39;
	v12 =	vbroadcast v42, $0xF;
	v8 =	vnsel vm14, $0x0, v13  }
0x1d8: {  	v44 =	vld [tilespmem:s3+$0xD800];
	vm15 =	vcmask $0x1F1C;
	v8 =	vadd.f32 v8, v11;
	v43, _, _ =	vpop (xrf2);
	(xrf2) =	vadd.scan.msk.f32 $0xffff, v9  }
0x1d9: {  	v10 =	vsel vm10, $0x0, v41;
	v12 =	vnsel vm15, $0x0, v12;
	v11 =	vbroadcast v43, $0xF  }
0x1da: {  	vm12 =	vcmask $0x2320;
	v8 =	vadd.f32 v12, v8;
	v45, _, _ =	vpop (xrf2);
	(xrf2) =	vadd.scan.msk.f32 $0xffff, v10  }
0x1db: {  	v46 =	vnsel vm12, $0x0, v11;
	v47 =	vbroadcast v45, $0xF  }
0x1dc: {  	vm13 =	vmmov $0x7fff;
	vm14 =	vcmask $0x2724;
	v48, _, _ =	vpop (xrf2);
	v8 =	vadd.f32 v46, v8  }
0x1dd: {  	v9 =	vsel vm13, $0x0, v44;
	v49 =	vnsel vm14, $0x0, v47;
	v50 =	vbroadcast v48, $0xF  }
0x1de: {  	vm15 =	vcmask $0x2B28;
	(xrf2) =	vadd.scan.msk.f32 $0xffff, v9;
	v8 =	vadd.f32 v49, v8;
	v51, _, _ =	vpop (xrf2)  }
0x1df: {  	v52 =	vnsel vm15, $0x0, v50;
	v10 =	vbroadcast v51, $0xF  }
0x1e0: {  	v53, _, _ =	vpop (xrf2);
	v8 =	vadd.f32 v52, v8  }
0x1e1: {  	v54 =	vnsel vm5, $0x0, v10;
	v55 =	vbroadcast v53, $0xF  }
0x1e2: {  	v56, _, _ =	vpop (xrf2);
	v8 =	vadd.f32 v54, v8  }
0x1e3: {  	v57 =	vnsel vm7, $0x0, v55;
	v58 =	vbroadcast v56, $0xF  }
0x1e4: {  	v59, _, _ =	vpop (xrf2);
	v8 =	vadd.f32 v57, v8  }
0x1e5: {  	v60 =	vnsel vm9, $0x0, v58;
	v61 =	vbroadcast v59, $0xF  }
0x1e6: {  	v8 =	vadd.f32 v60, v8  }
0x1e7: {  	v62 =	vnsel vm11, $0x0, v61  }
0x1e8: {  	v63, _, _ =	vpop (xrf2);
	v8 =	vadd.f32 v62, v8  }
0x1e9: {  	v9 =	vsel vm13, $0x0, v63  }
0x1ea: {  	v8 =	vadd.f32 v8, v9;
	_ =	sdelay $0x1  }
.Ltmp8:
0x1eb: {  	s9 =	simm.s32 $0xDA00;
	[tilespmem:$0xDA00] =	vst v8;
	(pc) =	sbr.rel .LBB2_13-.Ltmp8, $4  }
0x1ec: {  	[hbm4b:s10+s4] =	stream.linear.scatter [tilespmem:s9], [sflag:$0x4], $0x80, $0x38;
	[tilespmem:$0xDA80] =	vst v63  }
0x1ed: {  	_ =	swait.ge [sflag:s19], $0x80  }
0x1ee: {  	[sflag:s19] =	ssyncset.done $0x0  }
0x1ef: {  	[sflag:s19] =	ssyncadd.s32 $0xFFFFFF80  }
.LBB2_14:
0x1f0: {  	_ =	sfence.sel $0x180000  }
0x1f1: {  	[bflag:$0x0] =	sbarrier.arrive $0xFFFF  }
0x1f2: {  	_ =	strace $0x90000047  }
0x1f3: {  	s0 =	stileid.u32;
	[bflag:$0x2] =	sbarrier.arrive $0xFFFF  }
0x1f4: {  	p0 =	sne.s32 s0, $0x0;
	s0 =	rddreg [dreg:$0x3]  }
0x1f5: {  	s0 =	sadd.s32 @!p0 $0x100000, s0  }
0x1f6: {  	[sflag:s0] =	ssyncadd.tile.s32 @!p0 $0x1;
	_ =	shalt  }
.Lfunc_end2:
_tile_overlayer_lowered:
.L_overlay_start_2:
0x1f7: {  	(tag) =	ssettag $0x2  }
0x1f8: {  	s0 =	rddreg [dreg:$0x0];
	s2 =	stileid.u32  }
0x1f9: {  	s1 =	rddreg [dreg:$0x1];
	p0 =	sne.s32 s2, $0x0  }
0x1fa: {  	s3 =	rddreg [dreg:$0x2];
	[bflag:$0x3] =	sbarrier.arrive $0xFFFF;
	s2 =	simm.s32 @!p0 $0x1C04  }
0x1fb: {  	[timem:s3], [sflag:s2] =	dma.local @!p0 [hbm:s0], s1  }
0x1fc: {  	s0 =	simm.s32 @!p0 $0x4  }
0x1fd: {  	_ =	swait.ge @!p0 [sflag:s0], s1  }
0x1fe: {  	s1 =	ssub.s32 @!p0 $0x0, s1;
	[sflag:s0] =	ssyncset.done @!p0 $0x0  }
0x1ff: {  	[sflag:s0] =	ssyncadd.s32 @!p0 s1  }
0x200: {  	[bflag:$0x3] =	sbarrier.arrive $0xFFFF  }
0x201: {  	_ =	shalt  }

</sc_bundles>
